<compile_context>
chip_gen: v7x
topology: tpu7x:2x2x1
jax: 0.10.2.dev20260603
libtpu: 0.0.44.dev20260713+nightly
codegen_flags: <defaults>
</compile_context>

<pallas_src>
import jax
import jax.numpy as jnp
from jax import lax
from jax.experimental import pallas as pl
from jax.experimental.pallas import tpu as pltpu
from jax.experimental.pallas import tpu_sc as plsc

N = 10000
E = 320000
D = 128

NC = 2
NS = 16
NW = NC * NS
EPW = E // NW
CL = 125
CPL = EPW // CL
PH = CPL // 2
RPT = 624
TAIL = N - NS * RPT

_MESH = plsc.VectorSubcoreMesh(core_axis_name="c", subcore_axis_name="s",
                               num_cores=NC, num_subcores=NS)


def _init_shared(zeros_nw, acc_sh, s):
  r0 = s * RPT
  pltpu.sync_copy(zeros_nw.at[pl.ds(r0, RPT)], acc_sh.at[pl.ds(r0, RPT)])

  @pl.when(s == 0)
  def _():
    pltpu.sync_copy(zeros_nw.at[pl.ds(NS * RPT, TAIL)],
                    acc_sh.at[pl.ds(NS * RPT, TAIL)])


def _writeback(acc_sh, out_acc, c, s):
  r0 = s * RPT
  o0 = c * N + r0
  pltpu.sync_copy(acc_sh.at[pl.ds(r0, RPT)], out_acc.at[pl.ds(o0, RPT)])

  @pl.when(s == 0)
  def _():
    pltpu.sync_copy(acc_sh.at[pl.ds(NS * RPT, TAIL)],
                    out_acc.at[pl.ds(c * N + NS * RPT, TAIL)])


def _agg_body(y, src4, dst3, zeros_nw, out_acc, idx_s, idx_d, buf0, buf1,
              g0, g1, s0, s1, acc_sh):
  c = lax.axis_index("c")
  s = lax.axis_index("s")
  w = s * NC + c
  _init_shared(zeros_nw, acc_sh, s)
  pltpu.sync_copy(dst3.at[w], idx_d)
  plsc.subcore_barrier()

  def gather(j, buf, sem):
    pltpu.async_copy(y.at[idx_s.at[j]], buf, sem)

  def scatter(g, buf, sem):
    pltpu.async_copy(buf, acc_sh.at[idx_d.at[g]], sem, add=True)

  def wait_g(buf, sem):
    pltpu.make_async_copy(y.at[idx_s.at[0]], buf, sem).wait()

  def wait_s(buf, sem):
    pltpu.make_async_copy(buf, acc_sh.at[idx_d.at[0]], sem).wait()

  for p in range(2):
    pltpu.sync_copy(src4.at[2 * w + p], idx_s)
    if p > 0:
      wait_s(buf0, s0)
    gather(0, buf0, g0)
    if p > 0:
      wait_s(buf1, s1)
    gather(1, buf1, g1)
    base = p * PH

    def step(i, carry):
      j0 = 2 * i
      wait_g(buf0, g0)
      scatter(base + j0, buf0, s0)
      wait_g(buf1, g1)
      scatter(base + j0 + 1, buf1, s1)
      wait_s(buf0, s0)
      gather(j0 + 2, buf0, g0)
      wait_s(buf1, s1)
      gather(j0 + 3, buf1, g1)
      return carry

    lax.fori_loop(0, (PH - 2) // 2, step, 0)
    wait_g(buf0, g0)
    scatter(base + PH - 2, buf0, s0)
    wait_g(buf1, g1)
    scatter(base + PH - 1, buf1, s1)

  wait_s(buf0, s0)
  wait_s(buf1, s1)
  plsc.subcore_barrier()
  _writeback(acc_sh, out_acc, c, s)


_agg = pl.kernel(
    _agg_body,
    out_type=jax.ShapeDtypeStruct((NC * N, D), jnp.float32),
    mesh=_MESH,
    scratch_types=(
        pltpu.VMEM((PH, CL), jnp.int32),
        pltpu.VMEM((CPL, CL), jnp.int32),
        pltpu.VMEM((CL, D), jnp.float32),
        pltpu.VMEM((CL, D), jnp.float32),
        pltpu.SemaphoreType.DMA,
        pltpu.SemaphoreType.DMA,
        pltpu.SemaphoreType.DMA,
        pltpu.SemaphoreType.DMA,
        pltpu.VMEM_SHARED((N, D), jnp.float32),
    ))


def _agg_cnt_body(y, src4, dst3, zeros_nw, ones_cd, out_acc, out_cnt,
                  idx_s, idx_d, buf0, buf1, g0, g1, s0, s1, acc_sh):
  c = lax.axis_index("c")
  s = lax.axis_index("s")
  w = s * NC + c
  _init_shared(zeros_nw, acc_sh, s)
  pltpu.sync_copy(dst3.at[w], idx_d)
  plsc.subcore_barrier()

  def gather(j, buf, sem):
    pltpu.async_copy(y.at[idx_s.at[j]], buf, sem)

  def scatter(g, buf, sem):
    pltpu.async_copy(buf, acc_sh.at[idx_d.at[g]], sem, add=True)

  def wait_g(buf, sem):
    pltpu.make_async_copy(y.at[idx_s.at[0]], buf, sem).wait()

  def wait_s(buf, sem):
    pltpu.make_async_copy(buf, acc_sh.at[idx_d.at[0]], sem).wait()

  for p in range(2):
    pltpu.sync_copy(src4.at[2 * w + p], idx_s)
    if p > 0:
      wait_s(buf0, s0)
    gather(0, buf0, g0)
    if p > 0:
      wait_s(buf1, s1)
    gather(1, buf1, g1)
    base = p * PH

    def step(i, carry):
      j0 = 2 * i
      wait_g(buf0, g0)
      scatter(base + j0, buf0, s0)
      wait_g(buf1, g1)
      scatter(base + j0 + 1, buf1, s1)
      wait_s(buf0, s0)
      gather(j0 + 2, buf0, g0)
      wait_s(buf1, s1)
      gather(j0 + 3, buf1, g1)
      return carry

    lax.fori_loop(0, (PH - 2) // 2, step, 0)
    wait_g(buf0, g0)
    scatter(base + PH - 2, buf0, s0)
    wait_g(buf1, g1)
    scatter(base + PH - 1, buf1, s1)

  wait_s(buf0, s0)
  wait_s(buf1, s1)
  plsc.subcore_barrier()
  _writeback(acc_sh, out_acc, c, s)
  plsc.subcore_barrier()

  _init_shared(zeros_nw, acc_sh, s)
  pltpu.sync_copy(ones_cd, buf0)
  plsc.subcore_barrier()

  def cscatter(g, sem):
    pltpu.async_copy(buf0, acc_sh.at[idx_d.at[g]], sem, add=True)

  def cwait(sem):
    pltpu.make_async_copy(buf0, acc_sh.at[idx_d.at[0]], sem).wait()

  csems = (g0, g1, s0, s1)
  for b in range(4):
    cscatter(b, csems[b])

  def cstep(i, carry):
    for b in range(4):
      cwait(csems[b])
      cscatter(4 * i + 4 + b, csems[b])
    return carry

  lax.fori_loop(0, (CPL - 4) // 4, cstep, 0)
  for b in range(4):
    cwait(csems[b])
  plsc.subcore_barrier()
  _writeback(acc_sh, out_cnt, c, s)


_agg_cnt = pl.kernel(
    _agg_cnt_body,
    out_type=(jax.ShapeDtypeStruct((NC * N, D), jnp.float32),
              jax.ShapeDtypeStruct((NC * N, D), jnp.float32)),
    mesh=_MESH,
    scratch_types=(
        pltpu.VMEM((PH, CL), jnp.int32),
        pltpu.VMEM((CPL, CL), jnp.int32),
        pltpu.VMEM((CL, D), jnp.float32),
        pltpu.VMEM((CL, D), jnp.float32),
        pltpu.SemaphoreType.DMA,
        pltpu.SemaphoreType.DMA,
        pltpu.SemaphoreType.DMA,
        pltpu.SemaphoreType.DMA,
        pltpu.VMEM_SHARED((N, D), jnp.float32),
    ))


def _dense1_body(a0_ref, a1_ref, c0_ref, c1_ref, x_ref, wl_ref, wr_ref,
                 bl_ref, g_ref, b_ref, o_ref, cnt_ref):
  acc = a0_ref[...] + a1_ref[...]
  cnt = jnp.maximum(c0_ref[:, 0:1] + c1_ref[:, 0:1], 1.0)
  mean = acc / cnt
  xb = x_ref[...]
  h = (jax.lax.dot(mean, wl_ref[...], precision=lax.Precision.HIGHEST,
                   preferred_element_type=jnp.float32)
       + bl_ref[...]
       + jax.lax.dot(xb, wr_ref[...], precision=lax.Precision.HIGHEST,
                     preferred_element_type=jnp.float32))
  mu = jnp.mean(h, axis=-1, keepdims=True)
  d = h - mu
  var = jnp.mean(d * d, axis=-1, keepdims=True)
  hn = d * jax.lax.rsqrt(var + 1e-5) * g_ref[...] + b_ref[...]
  o_ref[...] = jnp.maximum(hn, 0.0) + xb
  cnt_ref[...] = jnp.broadcast_to(cnt, cnt_ref.shape)


def _dense2_body(a0_ref, a1_ref, cnt_ref, x_ref, wl_ref, wr_ref, bl_ref,
                 g_ref, b_ref, o_ref):
  acc = a0_ref[...] + a1_ref[...]
  mean = acc / cnt_ref[:, 0:1]
  xb = x_ref[...]
  h = (jax.lax.dot(mean, wl_ref[...], precision=lax.Precision.HIGHEST,
                   preferred_element_type=jnp.float32)
       + bl_ref[...]
       + jax.lax.dot(xb, wr_ref[...], precision=lax.Precision.HIGHEST,
                     preferred_element_type=jnp.float32))
  mu = jnp.mean(h, axis=-1, keepdims=True)
  d = h - mu
  var = jnp.mean(d * d, axis=-1, keepdims=True)
  hn = d * jax.lax.rsqrt(var + 1e-5) * g_ref[...] + b_ref[...]
  o_ref[...] = hn + xb


R = 2000
NB = N // R

_W_SPEC = pl.BlockSpec((D, D), lambda i: (0, 0))
_B_SPEC = pl.BlockSpec((1, D), lambda i: (0, 0))
_ROW_SPEC = pl.BlockSpec((R, D), lambda i: (i, 0))
_LO_SPEC = pl.BlockSpec((R, D), lambda i: (i, 0))
_HI_SPEC = pl.BlockSpec((R, D), lambda i: (NB + i, 0))

_dense1 = pl.pallas_call(
    _dense1_body,
    grid=(NB,),
    in_specs=[
        _LO_SPEC, _HI_SPEC, _LO_SPEC, _HI_SPEC, _ROW_SPEC,
        _W_SPEC, _W_SPEC, _B_SPEC, _B_SPEC, _B_SPEC,
    ],
    out_specs=[
        _ROW_SPEC,
        pl.BlockSpec((R, 8), lambda i: (i, 0)),
    ],
    out_shape=[
        jax.ShapeDtypeStruct((N, D), jnp.float32),
        jax.ShapeDtypeStruct((N, 8), jnp.float32),
    ],
)

_dense2 = pl.pallas_call(
    _dense2_body,
    grid=(NB,),
    in_specs=[
        _LO_SPEC, _HI_SPEC,
        pl.BlockSpec((R, 8), lambda i: (i, 0)),
        _ROW_SPEC,
        _W_SPEC, _W_SPEC, _B_SPEC, _B_SPEC, _B_SPEC,
    ],
    out_specs=_ROW_SPEC,
    out_shape=jax.ShapeDtypeStruct((N, D), jnp.float32),
)


@jax.jit
def kernel(x, edge_index, Wl1, bl1, Wr1, g1, b1, Wl2, bl2, Wr2, g2, b2):
  src = edge_index[0]
  dst = edge_index[1]
  src4 = src.reshape(NW * 2, PH, CL)
  dst3 = dst.reshape(NW, CPL, CL)
  zeros_nd = jnp.zeros((N, D), jnp.float32)
  ones_cd = jnp.ones((CL, D), jnp.float32)

  acc1, cntp = _agg_cnt(x, src4, dst3, zeros_nd, ones_cd)
  h, cnt8 = _dense1(acc1, acc1, cntp, cntp, x, Wl1.T, Wr1.T,
                    bl1.reshape(1, D), g1.reshape(1, D), b1.reshape(1, D))
  acc2 = _agg(h, src4, dst3, zeros_nd)
  out = _dense2(acc2, acc2, cnt8, h, Wl2.T, Wr2.T, bl2.reshape(1, D),
                g2.reshape(1, D), b2.reshape(1, D))
  return out

# --- scband reference (transcript-rebuilt; emitter-appended) ---
"""Pipeline reference for scband-embedder-gnnv1-85555748536460 (READ-ONLY COPY).

The authoritative reference and input builder live on the scoring server;
editing this copy changes nothing except your own understanding.
"""

import jax, jax.numpy as jnp
import numpy as np

N = 10000
E = 320000
D = 128


def _layer_norm(h, gamma, beta, eps=1e-5):
    mu = jnp.mean(h, axis=-1, keepdims=True)
    var = jnp.mean((h - mu) ** 2, axis=-1, keepdims=True)
    return (h - mu) / jnp.sqrt(var + eps) * gamma + beta


def _sage_conv_mean(x, edge_index, Wl, bl, Wr):
    # PyG SAGEConv semantics: out = lin_l(mean_{j in N(i)} x_j) + lin_r(x_i)
    src = edge_index[0]
    dst = edge_index[1]
    msgs = x[src]
    summed = jax.ops.segment_sum(msgs, dst, num_segments=x.shape[0])
    cnt = jax.ops.segment_sum(jnp.ones((edge_index.shape[1],), dtype=x.dtype), dst, num_segments=x.shape[0])
    mean = summed / jnp.clip(cnt, 1.0, None)[:, None]
    return mean @ Wl.T + bl + x @ Wr.T


def setup_inputs(seed: int = 0) -> dict:
    key = jax.random.key(seed)
    ks = jax.random.split(key, 12)
    s = 1.0 / np.sqrt(D)
    x = jax.random.normal(ks[0], (N, D), dtype=jnp.float32)
    edge_index = jax.random.randint(ks[1], (2, E), 0, N, dtype=jnp.int32)
    Wl1 = jax.random.uniform(ks[2], (D, D), jnp.float32, -s, s)
    bl1 = jax.random.uniform(ks[3], (D,), jnp.float32, -s, s)
    Wr1 = jax.random.uniform(ks[4], (D, D), jnp.float32, -s, s)
    Wl2 = jax.random.uniform(ks[5], (D, D), jnp.float32, -s, s)
    bl2 = jax.random.uniform(ks[6], (D,), jnp.float32, -s, s)
    Wr2 = jax.random.uniform(ks[7], (D, D), jnp.float32, -s, s)
    g1 = jnp.ones((D,), jnp.float32)
    b1 = jnp.zeros((D,), jnp.float32)
    g2 = jnp.ones((D,), jnp.float32)
    b2 = jnp.zeros((D,), jnp.float32)
    return {"x": x, "edge_index": edge_index, "Wl1": Wl1, "bl1": bl1, "Wr1": Wr1, "g1": g1, "b1": b1, "Wl2": Wl2, "bl2": bl2, "Wr2": Wr2, "g2": g2, "b2": b2}


def reference(x, edge_index, Wl1, bl1, Wr1, g1, b1, Wl2, bl2, Wr2, g2, b2):
    h = _sage_conv_mean(x, edge_index, Wl1, bl1, Wr1)
    h = _layer_norm(h, g1, b1)
    h = jax.nn.relu(h)
    h = h + x
    h2 = _sage_conv_mean(h, edge_index, Wl2, bl2, Wr2)
    h2 = _layer_norm(h2, g2, b2)
    return h2 + h

if __name__ == "__main__":
    import jax
    _d = setup_inputs()
    print(jax.jit(kernel)(*tuple(_d.values())))

</pallas_src>

<mosaic_0001>
#map = affine_map<(d0, d1) -> (0, 0)>
#map1 = affine_map<(d0, d1) -> (0, 0, 0)>
module attributes {stable_mosaic.version = 14 : i64} {
  func.func @_agg_body(%arg0: i32, %arg1: i32, %arg2: memref<10000x128xf32, #tpu.memory_space<hbm>>, %arg3: memref<64x40x125xi32, #tpu.memory_space<hbm>>, %arg4: memref<32x80x125xi32, #tpu.memory_space<hbm>>, %arg5: memref<10000x128xf32, #tpu.memory_space<hbm>>, %arg6: memref<20000x128xf32, #tpu.memory_space<hbm>>, %arg7: memref<40x125xi32, #tpu.memory_space<vmem>>, %arg8: memref<80x125xi32, #tpu.memory_space<vmem>>, %arg9: memref<125x128xf32, #tpu.memory_space<vmem>>, %arg10: memref<125x128xf32, #tpu.memory_space<vmem>>, %arg11: memref<!tpu.dma_semaphore, #tpu.memory_space<semaphore_mem>>, %arg12: memref<!tpu.dma_semaphore, #tpu.memory_space<semaphore_mem>>, %arg13: memref<!tpu.dma_semaphore, #tpu.memory_space<semaphore_mem>>, %arg14: memref<!tpu.dma_semaphore, #tpu.memory_space<semaphore_mem>>, %arg15: memref<10000x128xf32, #tpu.memory_space<vmem_shared>>) attributes {dimension_semantics = [#tpu.dimension_semantics<core_parallel>, #tpu.dimension_semantics<subcore_parallel>], iteration_bounds = array<i64: 2, 16>, scalar_prefetch = 0 : i64, scratch_operands = 9 : i64, tpu.core_type = #tpu.core_type<sc_vector_subcore>, window_params = [{transform_indices = #map}, {transform_indices = #map1}, {transform_indices = #map1}, {transform_indices = #map}, {transform_indices = #map}]} {
    %mul3A = arith.constant 2 : i32
    %mul3A_0 = arith.muli %arg1, %mul3A : i32
    %add3A = arith.addi %mul3A_0, %arg0 : i32
    %mul3A_1 = arith.constant 624 : i32
    %mul3A_2 = arith.muli %arg1, %mul3A_1 : i32
    "tpu.region"() ({
      %run_scoped3A = tpu.sem_alloc : memref<!tpu.dma_semaphore, #tpu.memory_space<semaphore_mem>>
      %dma_start3A_145 = arith.constant 0 : i32
      %dma_start3A_146 = tpu.memref_slice %arg15[%mul3A_2, %dma_start3A_145] : memref<10000x128xf32, #tpu.memory_space<vmem_shared>> -> memref<624x128xf32, #tpu.memory_space<vmem_shared>>
      %dma_start3A_147 = arith.constant 0 : i32
      %dma_start3A_148 = tpu.memref_slice %arg5[%mul3A_2, %dma_start3A_147] : memref<10000x128xf32, #tpu.memory_space<hbm>> -> memref<624x128xf32, #tpu.memory_space<hbm>>
      tpu.enqueue_dma source(%dma_start3A_148 : memref<624x128xf32, #tpu.memory_space<hbm>>) target(%dma_start3A_146 : memref<624x128xf32, #tpu.memory_space<vmem_shared>>) target_semaphore(%run_scoped3A : memref<!tpu.dma_semaphore, #tpu.memory_space<semaphore_mem>>)
      %dma_wait3A_149 = arith.constant 0 : i32
      %dma_wait3A_150 = tpu.memref_slice %arg15[%mul3A_2, %dma_wait3A_149] : memref<10000x128xf32, #tpu.memory_space<vmem_shared>> -> memref<624x128xf32, #tpu.memory_space<vmem_shared>>
      %dma_wait3A_151 = arith.constant 0 : i32
      %dma_wait3A_152 = tpu.memref_slice %arg5[%mul3A_2, %dma_wait3A_151] : memref<10000x128xf32, #tpu.memory_space<hbm>> -> memref<624x128xf32, #tpu.memory_space<hbm>>
      tpu.wait_dma2 semaphore(%run_scoped3A : memref<!tpu.dma_semaphore, #tpu.memory_space<semaphore_mem>>) src(%dma_wait3A_152 : memref<624x128xf32, #tpu.memory_space<hbm>>) dst(%dma_wait3A_150 : memref<624x128xf32, #tpu.memory_space<vmem_shared>>)
      tpu.yield
    }) : () -> ()
    %eq3A = arith.constant 0 : i32
    %eq3A_3 = arith.cmpi eq, %arg1, %eq3A : i32
    %convert_element_type3A = arith.extui %eq3A_3 : i1 to i32
    %cond3A = arith.constant 0 : i32
    %cond3A_4 = arith.cmpi ne, %convert_element_type3A, %cond3A : i32
    scf.if %cond3A_4 {
      "tpu.region"() ({
        %run_scoped3A = tpu.sem_alloc : memref<!tpu.dma_semaphore, #tpu.memory_space<semaphore_mem>>
        %dma_start3A_145 = arith.constant 9984 : i32
        %dma_start3A_146 = arith.constant 0 : i32
        %dma_start3A_147 = tpu.memref_slice %arg15[%dma_start3A_145, %dma_start3A_146] : memref<10000x128xf32, #tpu.memory_space<vmem_shared>> -> memref<16x128xf32, #tpu.memory_space<vmem_shared>>
        %dma_start3A_148 = arith.constant 9984 : i32
        %dma_start3A_149 = arith.constant 0 : i32
        %dma_start3A_150 = tpu.memref_slice %arg5[%dma_start3A_148, %dma_start3A_149] : memref<10000x128xf32, #tpu.memory_space<hbm>> -> memref<16x128xf32, #tpu.memory_space<hbm>>
        tpu.enqueue_dma source(%dma_start3A_150 : memref<16x128xf32, #tpu.memory_space<hbm>>) target(%dma_start3A_147 : memref<16x128xf32, #tpu.memory_space<vmem_shared>>) target_semaphore(%run_scoped3A : memref<!tpu.dma_semaphore, #tpu.memory_space<semaphore_mem>>)
        %dma_wait3A_151 = arith.constant 9984 : i32
        %dma_wait3A_152 = arith.constant 0 : i32
        %dma_wait3A_153 = tpu.memref_slice %arg15[%dma_wait3A_151, %dma_wait3A_152] : memref<10000x128xf32, #tpu.memory_space<vmem_shared>> -> memref<16x128xf32, #tpu.memory_space<vmem_shared>>
        %dma_wait3A_154 = arith.constant 9984 : i32
        %dma_wait3A_155 = arith.constant 0 : i32
        %dma_wait3A_156 = tpu.memref_slice %arg5[%dma_wait3A_154, %dma_wait3A_155] : memref<10000x128xf32, #tpu.memory_space<hbm>> -> memref<16x128xf32, #tpu.memory_space<hbm>>
        tpu.wait_dma2 semaphore(%run_scoped3A : memref<!tpu.dma_semaphore, #tpu.memory_space<semaphore_mem>>) src(%dma_wait3A_156 : memref<16x128xf32, #tpu.memory_space<hbm>>) dst(%dma_wait3A_153 : memref<16x128xf32, #tpu.memory_space<vmem_shared>>)
        tpu.yield
      }) : () -> ()
    } else {
    }
    "tpu.region"() ({
      %run_scoped3A = tpu.sem_alloc : memref<!tpu.dma_semaphore, #tpu.memory_space<semaphore_mem>>
      %dma_start3A_145 = arith.constant 0 : i32
      %dma_start3A_146 = arith.constant 0 : i32
      %dma_start3A_147 = tpu.memref_slice %arg4[%add3A, %dma_start3A_145, %dma_start3A_146] : memref<32x80x125xi32, #tpu.memory_space<hbm>> -> memref<1x80x125xi32, #tpu.memory_space<hbm>>
      %dma_start3A_148 = tpu.memref_squeeze %dma_start3A_147 : memref<1x80x125xi32, #tpu.memory_space<hbm>> -> memref<80x125xi32, #tpu.memory_space<hbm>>
      %dma_start3A_149 = arith.constant 0 : i32
      %dma_start3A_150 = arith.constant 0 : i32
      %dma_start3A_151 = tpu.memref_slice %arg4[%add3A, %dma_start3A_149, %dma_start3A_150] : memref<32x80x125xi32, #tpu.memory_space<hbm>> -> memref<1x80x125xi32, #tpu.memory_space<hbm>>
      %dma_start3A_152 = tpu.memref_squeeze %dma_start3A_151 : memref<1x80x125xi32, #tpu.memory_space<hbm>> -> memref<80x125xi32, #tpu.memory_space<hbm>>
      tpu.enqueue_dma source(%dma_start3A_152 : memref<80x125xi32, #tpu.memory_space<hbm>>) target(%arg8 : memref<80x125xi32, #tpu.memory_space<vmem>>) target_semaphore(%run_scoped3A : memref<!tpu.dma_semaphore, #tpu.memory_space<semaphore_mem>>)
      %dma_wait3A_153 = arith.constant 0 : i32
      %dma_wait3A_154 = arith.constant 0 : i32
      %dma_wait3A_155 = tpu.memref_slice %arg4[%add3A, %dma_wait3A_153, %dma_wait3A_154] : memref<32x80x125xi32, #tpu.memory_space<hbm>> -> memref<1x80x125xi32, #tpu.memory_space<hbm>>
      %dma_wait3A_156 = tpu.memref_squeeze %dma_wait3A_155 : memref<1x80x125xi32, #tpu.memory_space<hbm>> -> memref<80x125xi32, #tpu.memory_space<hbm>>
      %dma_wait3A_157 = arith.constant 0 : i32
      %dma_wait3A_158 = arith.constant 0 : i32
      %dma_wait3A_159 = tpu.memref_slice %arg4[%add3A, %dma_wait3A_157, %dma_wait3A_158] : memref<32x80x125xi32, #tpu.memory_space<hbm>> -> memref<1x80x125xi32, #tpu.memory_space<hbm>>
      %dma_wait3A_160 = tpu.memref_squeeze %dma_wait3A_159 : memref<1x80x125xi32, #tpu.memory_space<hbm>> -> memref<80x125xi32, #tpu.memory_space<hbm>>
      tpu.wait_dma2 semaphore(%run_scoped3A : memref<!tpu.dma_semaphore, #tpu.memory_space<semaphore_mem>>) src(%dma_wait3A_160 : memref<80x125xi32, #tpu.memory_space<hbm>>) dst(%arg8 : memref<80x125xi32, #tpu.memory_space<vmem>>)
      tpu.yield
    }) : () -> ()
    %barrier3A = arith.constant 0 : index
    tpu.barrier barrier_id(%barrier3A)
    %mul3A_5 = arith.constant 2 : i32
    %mul3A_6 = arith.muli %mul3A_5, %add3A : i32
    %add3A_7 = arith.constant 0 : i32
    %add3A_8 = arith.addi %mul3A_6, %add3A_7 : i32
    "tpu.region"() ({
      %run_scoped3A = tpu.sem_alloc : memref<!tpu.dma_semaphore, #tpu.memory_space<semaphore_mem>>
      %dma_start3A_145 = arith.constant 0 : i32
      %dma_start3A_146 = arith.constant 0 : i32
      %dma_start3A_147 = tpu.memref_slice %arg3[%add3A_8, %dma_start3A_145, %dma_start3A_146] : memref<64x40x125xi32, #tpu.memory_space<hbm>> -> memref<1x40x125xi32, #tpu.memory_space<hbm>>
      %dma_start3A_148 = tpu.memref_squeeze %dma_start3A_147 : memref<1x40x125xi32, #tpu.memory_space<hbm>> -> memref<40x125xi32, #tpu.memory_space<hbm>>
      %dma_start3A_149 = arith.constant 0 : i32
      %dma_start3A_150 = arith.constant 0 : i32
      %dma_start3A_151 = tpu.memref_slice %arg3[%add3A_8, %dma_start3A_149, %dma_start3A_150] : memref<64x40x125xi32, #tpu.memory_space<hbm>> -> memref<1x40x125xi32, #tpu.memory_space<hbm>>
      %dma_start3A_152 = tpu.memref_squeeze %dma_start3A_151 : memref<1x40x125xi32, #tpu.memory_space<hbm>> -> memref<40x125xi32, #tpu.memory_space<hbm>>
      tpu.enqueue_dma source(%dma_start3A_152 : memref<40x125xi32, #tpu.memory_space<hbm>>) target(%arg7 : memref<40x125xi32, #tpu.memory_space<vmem>>) target_semaphore(%run_scoped3A : memref<!tpu.dma_semaphore, #tpu.memory_space<semaphore_mem>>)
      %dma_wait3A_153 = arith.constant 0 : i32
      %dma_wait3A_154 = arith.constant 0 : i32
      %dma_wait3A_155 = tpu.memref_slice %arg3[%add3A_8, %dma_wait3A_153, %dma_wait3A_154] : memref<64x40x125xi32, #tpu.memory_space<hbm>> -> memref<1x40x125xi32, #tpu.memory_space<hbm>>
      %dma_wait3A_156 = tpu.memref_squeeze %dma_wait3A_155 : memref<1x40x125xi32, #tpu.memory_space<hbm>> -> memref<40x125xi32, #tpu.memory_space<hbm>>
      %dma_wait3A_157 = arith.constant 0 : i32
      %dma_wait3A_158 = arith.constant 0 : i32
      %dma_wait3A_159 = tpu.memref_slice %arg3[%add3A_8, %dma_wait3A_157, %dma_wait3A_158] : memref<64x40x125xi32, #tpu.memory_space<hbm>> -> memref<1x40x125xi32, #tpu.memory_space<hbm>>
      %dma_wait3A_160 = tpu.memref_squeeze %dma_wait3A_159 : memref<1x40x125xi32, #tpu.memory_space<hbm>> -> memref<40x125xi32, #tpu.memory_space<hbm>>
      tpu.wait_dma2 semaphore(%run_scoped3A : memref<!tpu.dma_semaphore, #tpu.memory_space<semaphore_mem>>) src(%dma_wait3A_160 : memref<40x125xi32, #tpu.memory_space<hbm>>) dst(%arg7 : memref<40x125xi32, #tpu.memory_space<vmem>>)
      tpu.yield
    }) : () -> ()
    %dma_start3A = arith.constant 0 : i32
    %dma_start3A_9 = arith.constant 0 : i32
    %dma_start3A_10 = tpu.memref_slice %arg7[%dma_start3A, %dma_start3A_9] : memref<40x125xi32, #tpu.memory_space<vmem>> -> memref<1x125xi32, #tpu.memory_space<vmem>>
    %dma_start3A_11 = tpu.memref_squeeze %dma_start3A_10 : memref<1x125xi32, #tpu.memory_space<vmem>> -> memref<125xi32, #tpu.memory_space<vmem>>
    %dma_start3A_12 = arith.constant 0 : i32
    %dma_start3A_13 = arith.constant 0 : i32
    %dma_start3A_14 = tpu.memref_slice %arg2[%dma_start3A_12, %dma_start3A_13] : memref<10000x128xf32, #tpu.memory_space<hbm>> -> memref<10000x128xf32, #tpu.memory_space<hbm>>
    tpu.enqueue_indirect_dma source(%dma_start3A_14 : memref<10000x128xf32, #tpu.memory_space<hbm>>) target(%arg9 : memref<125x128xf32, #tpu.memory_space<vmem>>) offsets(%dma_start3A_11 : memref<125xi32, #tpu.memory_space<vmem>>) semaphore(%arg11 : memref<!tpu.dma_semaphore, #tpu.memory_space<semaphore_mem>>)
    %dma_start3A_15 = arith.constant 1 : i32
    %dma_start3A_16 = arith.constant 0 : i32
    %dma_start3A_17 = tpu.memref_slice %arg7[%dma_start3A_15, %dma_start3A_16] : memref<40x125xi32, #tpu.memory_space<vmem>> -> memref<1x125xi32, #tpu.memory_space<vmem>>
    %dma_start3A_18 = tpu.memref_squeeze %dma_start3A_17 : memref<1x125xi32, #tpu.memory_space<vmem>> -> memref<125xi32, #tpu.memory_space<vmem>>
    %dma_start3A_19 = arith.constant 0 : i32
    %dma_start3A_20 = arith.constant 0 : i32
    %dma_start3A_21 = tpu.memref_slice %arg2[%dma_start3A_19, %dma_start3A_20] : memref<10000x128xf32, #tpu.memory_space<hbm>> -> memref<10000x128xf32, #tpu.memory_space<hbm>>
    tpu.enqueue_indirect_dma source(%dma_start3A_21 : memref<10000x128xf32, #tpu.memory_space<hbm>>) target(%arg10 : memref<125x128xf32, #tpu.memory_space<vmem>>) offsets(%dma_start3A_18 : memref<125xi32, #tpu.memory_space<vmem>>) semaphore(%arg12 : memref<!tpu.dma_semaphore, #tpu.memory_space<semaphore_mem>>)
    %scan3A = arith.constant 0 : i32
    %scan3A_22 = arith.constant 0 : i32
    %scan3A_23 = arith.constant 19 : i32
    %scan3A_24 = arith.addi %scan3A_22, %scan3A_23 : i32
    %scan3A_25 = arith.constant 1 : i32
    scf.for %scan3A_145 = %scan3A_22 to %scan3A_24 step %scan3A_25  : i32 {
      %mul3A_146 = arith.constant 2 : i32
      %mul3A_147 = arith.muli %mul3A_146, %scan3A_145 : i32
      %dma_wait3A_148 = arith.constant 0 : i32
      %dma_wait3A_149 = arith.constant 0 : i32
      %dma_wait3A_150 = tpu.memref_slice %arg7[%dma_wait3A_148, %dma_wait3A_149] : memref<40x125xi32, #tpu.memory_space<vmem>> -> memref<1x125xi32, #tpu.memory_space<vmem>>
      %dma_wait3A_151 = tpu.memref_squeeze %dma_wait3A_150 : memref<1x125xi32, #tpu.memory_space<vmem>> -> memref<125xi32, #tpu.memory_space<vmem>>
      %dma_wait3A_152 = arith.constant 0 : i32
      %dma_wait3A_153 = arith.constant 0 : i32
      %dma_wait3A_154 = tpu.memref_slice %arg2[%dma_wait3A_152, %dma_wait3A_153] : memref<10000x128xf32, #tpu.memory_space<hbm>> -> memref<10000x128xf32, #tpu.memory_space<hbm>>
      tpu.wait_indirect_dma semaphore(%arg11 : memref<!tpu.dma_semaphore, #tpu.memory_space<semaphore_mem>>) src(%dma_wait3A_154 : memref<10000x128xf32, #tpu.memory_space<hbm>>) dst(%arg9 : memref<125x128xf32, #tpu.memory_space<vmem>>)
      %add3A_155 = arith.constant 0 : i32
      %add3A_156 = arith.addi %add3A_155, %mul3A_147 : i32
      %dma_start3A_157 = arith.constant 0 : i32
      %dma_start3A_158 = tpu.memref_slice %arg8[%add3A_156, %dma_start3A_157] : memref<80x125xi32, #tpu.memory_space<vmem>> -> memref<1x125xi32, #tpu.memory_space<vmem>>
      %dma_start3A_159 = tpu.memref_squeeze %dma_start3A_158 : memref<1x125xi32, #tpu.memory_space<vmem>> -> memref<125xi32, #tpu.memory_space<vmem>>
      %dma_start3A_160 = arith.constant 0 : i32
      %dma_start3A_161 = arith.constant 0 : i32
      %dma_start3A_162 = tpu.memref_slice %arg15[%dma_start3A_160, %dma_start3A_161] : memref<10000x128xf32, #tpu.memory_space<vmem_shared>> -> memref<10000x128xf32, #tpu.memory_space<vmem_shared>>
      tpu.enqueue_indirect_dma source(%arg9 : memref<125x128xf32, #tpu.memory_space<vmem>>) target(%dma_start3A_162 : memref<10000x128xf32, #tpu.memory_space<vmem_shared>>) offsets(%dma_start3A_159 : memref<125xi32, #tpu.memory_space<vmem>>) semaphore(%arg13 : memref<!tpu.dma_semaphore, #tpu.memory_space<semaphore_mem>>) {add = true}
      %dma_wait3A_163 = arith.constant 0 : i32
      %dma_wait3A_164 = arith.constant 0 : i32
      %dma_wait3A_165 = tpu.memref_slice %arg7[%dma_wait3A_163, %dma_wait3A_164] : memref<40x125xi32, #tpu.memory_space<vmem>> -> memref<1x125xi32, #tpu.memory_space<vmem>>
      %dma_wait3A_166 = tpu.memref_squeeze %dma_wait3A_165 : memref<1x125xi32, #tpu.memory_space<vmem>> -> memref<125xi32, #tpu.memory_space<vmem>>
      %dma_wait3A_167 = arith.constant 0 : i32
      %dma_wait3A_168 = arith.constant 0 : i32
      %dma_wait3A_169 = tpu.memref_slice %arg2[%dma_wait3A_167, %dma_wait3A_168] : memref<10000x128xf32, #tpu.memory_space<hbm>> -> memref<10000x128xf32, #tpu.memory_space<hbm>>
      tpu.wait_indirect_dma semaphore(%arg12 : memref<!tpu.dma_semaphore, #tpu.memory_space<semaphore_mem>>) src(%dma_wait3A_169 : memref<10000x128xf32, #tpu.memory_space<hbm>>) dst(%arg10 : memref<125x128xf32, #tpu.memory_space<vmem>>)
      %add3A_170 = arith.constant 0 : i32
      %add3A_171 = arith.addi %add3A_170, %mul3A_147 : i32
      %add3A_172 = arith.constant 1 : i32
      %add3A_173 = arith.addi %add3A_171, %add3A_172 : i32
      %dma_start3A_174 = arith.constant 0 : i32
      %dma_start3A_175 = tpu.memref_slice %arg8[%add3A_173, %dma_start3A_174] : memref<80x125xi32, #tpu.memory_space<vmem>> -> memref<1x125xi32, #tpu.memory_space<vmem>>
      %dma_start3A_176 = tpu.memref_squeeze %dma_start3A_175 : memref<1x125xi32, #tpu.memory_space<vmem>> -> memref<125xi32, #tpu.memory_space<vmem>>
      %dma_start3A_177 = arith.constant 0 : i32
      %dma_start3A_178 = arith.constant 0 : i32
      %dma_start3A_179 = tpu.memref_slice %arg15[%dma_start3A_177, %dma_start3A_178] : memref<10000x128xf32, #tpu.memory_space<vmem_shared>> -> memref<10000x128xf32, #tpu.memory_space<vmem_shared>>
      tpu.enqueue_indirect_dma source(%arg10 : memref<125x128xf32, #tpu.memory_space<vmem>>) target(%dma_start3A_179 : memref<10000x128xf32, #tpu.memory_space<vmem_shared>>) offsets(%dma_start3A_176 : memref<125xi32, #tpu.memory_space<vmem>>) semaphore(%arg14 : memref<!tpu.dma_semaphore, #tpu.memory_space<semaphore_mem>>) {add = true}
      %dma_wait3A_180 = arith.constant 0 : i32
      %dma_wait3A_181 = arith.constant 0 : i32
      %dma_wait3A_182 = tpu.memref_slice %arg8[%dma_wait3A_180, %dma_wait3A_181] : memref<80x125xi32, #tpu.memory_space<vmem>> -> memref<1x125xi32, #tpu.memory_space<vmem>>
      %dma_wait3A_183 = tpu.memref_squeeze %dma_wait3A_182 : memref<1x125xi32, #tpu.memory_space<vmem>> -> memref<125xi32, #tpu.memory_space<vmem>>
      %dma_wait3A_184 = arith.constant 0 : i32
      %dma_wait3A_185 = arith.constant 0 : i32
      %dma_wait3A_186 = tpu.memref_slice %arg15[%dma_wait3A_184, %dma_wait3A_185] : memref<10000x128xf32, #tpu.memory_space<vmem_shared>> -> memref<10000x128xf32, #tpu.memory_space<vmem_shared>>
      tpu.wait_indirect_dma semaphore(%arg13 : memref<!tpu.dma_semaphore, #tpu.memory_space<semaphore_mem>>) src(%arg9 : memref<125x128xf32, #tpu.memory_space<vmem>>) dst(%dma_wait3A_186 : memref<10000x128xf32, #tpu.memory_space<vmem_shared>>)
      %add3A_187 = arith.constant 2 : i32
      %add3A_188 = arith.addi %mul3A_147, %add3A_187 : i32
      %dma_start3A_189 = arith.constant 0 : i32
      %dma_start3A_190 = tpu.memref_slice %arg7[%add3A_188, %dma_start3A_189] : memref<40x125xi32, #tpu.memory_space<vmem>> -> memref<1x125xi32, #tpu.memory_space<vmem>>
      %dma_start3A_191 = tpu.memref_squeeze %dma_start3A_190 : memref<1x125xi32, #tpu.memory_space<vmem>> -> memref<125xi32, #tpu.memory_space<vmem>>
      %dma_start3A_192 = arith.constant 0 : i32
      %dma_start3A_193 = arith.constant 0 : i32
      %dma_start3A_194 = tpu.memref_slice %arg2[%dma_start3A_192, %dma_start3A_193] : memref<10000x128xf32, #tpu.memory_space<hbm>> -> memref<10000x128xf32, #tpu.memory_space<hbm>>
      tpu.enqueue_indirect_dma source(%dma_start3A_194 : memref<10000x128xf32, #tpu.memory_space<hbm>>) target(%arg9 : memref<125x128xf32, #tpu.memory_space<vmem>>) offsets(%dma_start3A_191 : memref<125xi32, #tpu.memory_space<vmem>>) semaphore(%arg11 : memref<!tpu.dma_semaphore, #tpu.memory_space<semaphore_mem>>)
      %dma_wait3A_195 = arith.constant 0 : i32
      %dma_wait3A_196 = arith.constant 0 : i32
      %dma_wait3A_197 = tpu.memref_slice %arg8[%dma_wait3A_195, %dma_wait3A_196] : memref<80x125xi32, #tpu.memory_space<vmem>> -> memref<1x125xi32, #tpu.memory_space<vmem>>
      %dma_wait3A_198 = tpu.memref_squeeze %dma_wait3A_197 : memref<1x125xi32, #tpu.memory_space<vmem>> -> memref<125xi32, #tpu.memory_space<vmem>>
      %dma_wait3A_199 = arith.constant 0 : i32
      %dma_wait3A_200 = arith.constant 0 : i32
      %dma_wait3A_201 = tpu.memref_slice %arg15[%dma_wait3A_199, %dma_wait3A_200] : memref<10000x128xf32, #tpu.memory_space<vmem_shared>> -> memref<10000x128xf32, #tpu.memory_space<vmem_shared>>
      tpu.wait_indirect_dma semaphore(%arg14 : memref<!tpu.dma_semaphore, #tpu.memory_space<semaphore_mem>>) src(%arg10 : memref<125x128xf32, #tpu.memory_space<vmem>>) dst(%dma_wait3A_201 : memref<10000x128xf32, #tpu.memory_space<vmem_shared>>)
      %add3A_202 = arith.constant 3 : i32
      %add3A_203 = arith.addi %mul3A_147, %add3A_202 : i32
      %dma_start3A_204 = arith.constant 0 : i32
      %dma_start3A_205 = tpu.memref_slice %arg7[%add3A_203, %dma_start3A_204] : memref<40x125xi32, #tpu.memory_space<vmem>> -> memref<1x125xi32, #tpu.memory_space<vmem>>
      %dma_start3A_206 = tpu.memref_squeeze %dma_start3A_205 : memref<1x125xi32, #tpu.memory_space<vmem>> -> memref<125xi32, #tpu.memory_space<vmem>>
      %dma_start3A_207 = arith.constant 0 : i32
      %dma_start3A_208 = arith.constant 0 : i32
      %dma_start3A_209 = tpu.memref_slice %arg2[%dma_start3A_207, %dma_start3A_208] : memref<10000x128xf32, #tpu.memory_space<hbm>> -> memref<10000x128xf32, #tpu.memory_space<hbm>>
      tpu.enqueue_indirect_dma source(%dma_start3A_209 : memref<10000x128xf32, #tpu.memory_space<hbm>>) target(%arg10 : memref<125x128xf32, #tpu.memory_space<vmem>>) offsets(%dma_start3A_206 : memref<125xi32, #tpu.memory_space<vmem>>) semaphore(%arg12 : memref<!tpu.dma_semaphore, #tpu.memory_space<semaphore_mem>>)
    }
    %scan3A_26 = arith.constant 19 : i32
    %dma_wait3A = arith.constant 0 : i32
    %dma_wait3A_27 = arith.constant 0 : i32
    %dma_wait3A_28 = tpu.memref_slice %arg7[%dma_wait3A, %dma_wait3A_27] : memref<40x125xi32, #tpu.memory_space<vmem>> -> memref<1x125xi32, #tpu.memory_space<vmem>>
    %dma_wait3A_29 = tpu.memref_squeeze %dma_wait3A_28 : memref<1x125xi32, #tpu.memory_space<vmem>> -> memref<125xi32, #tpu.memory_space<vmem>>
    %dma_wait3A_30 = arith.constant 0 : i32
    %dma_wait3A_31 = arith.constant 0 : i32
    %dma_wait3A_32 = tpu.memref_slice %arg2[%dma_wait3A_30, %dma_wait3A_31] : memref<10000x128xf32, #tpu.memory_space<hbm>> -> memref<10000x128xf32, #tpu.memory_space<hbm>>
    tpu.wait_indirect_dma semaphore(%arg11 : memref<!tpu.dma_semaphore, #tpu.memory_space<semaphore_mem>>) src(%dma_wait3A_32 : memref<10000x128xf32, #tpu.memory_space<hbm>>) dst(%arg9 : memref<125x128xf32, #tpu.memory_space<vmem>>)
    %dma_start3A_33 = arith.constant 38 : i32
    %dma_start3A_34 = arith.constant 0 : i32
    %dma_start3A_35 = tpu.memref_slice %arg8[%dma_start3A_33, %dma_start3A_34] : memref<80x125xi32, #tpu.memory_space<vmem>> -> memref<1x125xi32, #tpu.memory_space<vmem>>
    %dma_start3A_36 = tpu.memref_squeeze %dma_start3A_35 : memref<1x125xi32, #tpu.memory_space<vmem>> -> memref<125xi32, #tpu.memory_space<vmem>>
    %dma_start3A_37 = arith.constant 0 : i32
    %dma_start3A_38 = arith.constant 0 : i32
    %dma_start3A_39 = tpu.memref_slice %arg15[%dma_start3A_37, %dma_start3A_38] : memref<10000x128xf32, #tpu.memory_space<vmem_shared>> -> memref<10000x128xf32, #tpu.memory_space<vmem_shared>>
    tpu.enqueue_indirect_dma source(%arg9 : memref<125x128xf32, #tpu.memory_space<vmem>>) target(%dma_start3A_39 : memref<10000x128xf32, #tpu.memory_space<vmem_shared>>) offsets(%dma_start3A_36 : memref<125xi32, #tpu.memory_space<vmem>>) semaphore(%arg13 : memref<!tpu.dma_semaphore, #tpu.memory_space<semaphore_mem>>) {add = true}
    %dma_wait3A_40 = arith.constant 0 : i32
    %dma_wait3A_41 = arith.constant 0 : i32
    %dma_wait3A_42 = tpu.memref_slice %arg7[%dma_wait3A_40, %dma_wait3A_41] : memref<40x125xi32, #tpu.memory_space<vmem>> -> memref<1x125xi32, #tpu.memory_space<vmem>>
    %dma_wait3A_43 = tpu.memref_squeeze %dma_wait3A_42 : memref<1x125xi32, #tpu.memory_space<vmem>> -> memref<125xi32, #tpu.memory_space<vmem>>
    %dma_wait3A_44 = arith.constant 0 : i32
    %dma_wait3A_45 = arith.constant 0 : i32
    %dma_wait3A_46 = tpu.memref_slice %arg2[%dma_wait3A_44, %dma_wait3A_45] : memref<10000x128xf32, #tpu.memory_space<hbm>> -> memref<10000x128xf32, #tpu.memory_space<hbm>>
    tpu.wait_indirect_dma semaphore(%arg12 : memref<!tpu.dma_semaphore, #tpu.memory_space<semaphore_mem>>) src(%dma_wait3A_46 : memref<10000x128xf32, #tpu.memory_space<hbm>>) dst(%arg10 : memref<125x128xf32, #tpu.memory_space<vmem>>)
    %dma_start3A_47 = arith.constant 39 : i32
    %dma_start3A_48 = arith.constant 0 : i32
    %dma_start3A_49 = tpu.memref_slice %arg8[%dma_start3A_47, %dma_start3A_48] : memref<80x125xi32, #tpu.memory_space<vmem>> -> memref<1x125xi32, #tpu.memory_space<vmem>>
    %dma_start3A_50 = tpu.memref_squeeze %dma_start3A_49 : memref<1x125xi32, #tpu.memory_space<vmem>> -> memref<125xi32, #tpu.memory_space<vmem>>
    %dma_start3A_51 = arith.constant 0 : i32
    %dma_start3A_52 = arith.constant 0 : i32
    %dma_start3A_53 = tpu.memref_slice %arg15[%dma_start3A_51, %dma_start3A_52] : memref<10000x128xf32, #tpu.memory_space<vmem_shared>> -> memref<10000x128xf32, #tpu.memory_space<vmem_shared>>
    tpu.enqueue_indirect_dma source(%arg10 : memref<125x128xf32, #tpu.memory_space<vmem>>) target(%dma_start3A_53 : memref<10000x128xf32, #tpu.memory_space<vmem_shared>>) offsets(%dma_start3A_50 : memref<125xi32, #tpu.memory_space<vmem>>) semaphore(%arg14 : memref<!tpu.dma_semaphore, #tpu.memory_space<semaphore_mem>>) {add = true}
    %mul3A_54 = arith.constant 2 : i32
    %mul3A_55 = arith.muli %mul3A_54, %add3A : i32
    %add3A_56 = arith.constant 1 : i32
    %add3A_57 = arith.addi %mul3A_55, %add3A_56 : i32
    "tpu.region"() ({
      %run_scoped3A = tpu.sem_alloc : memref<!tpu.dma_semaphore, #tpu.memory_space<semaphore_mem>>
      %dma_start3A_145 = arith.constant 0 : i32
      %dma_start3A_146 = arith.constant 0 : i32
      %dma_start3A_147 = tpu.memref_slice %arg3[%add3A_57, %dma_start3A_145, %dma_start3A_146] : memref<64x40x125xi32, #tpu.memory_space<hbm>> -> memref<1x40x125xi32, #tpu.memory_space<hbm>>
      %dma_start3A_148 = tpu.memref_squeeze %dma_start3A_147 : memref<1x40x125xi32, #tpu.memory_space<hbm>> -> memref<40x125xi32, #tpu.memory_space<hbm>>
      %dma_start3A_149 = arith.constant 0 : i32
      %dma_start3A_150 = arith.constant 0 : i32
      %dma_start3A_151 = tpu.memref_slice %arg3[%add3A_57, %dma_start3A_149, %dma_start3A_150] : memref<64x40x125xi32, #tpu.memory_space<hbm>> -> memref<1x40x125xi32, #tpu.memory_space<hbm>>
      %dma_start3A_152 = tpu.memref_squeeze %dma_start3A_151 : memref<1x40x125xi32, #tpu.memory_space<hbm>> -> memref<40x125xi32, #tpu.memory_space<hbm>>
      tpu.enqueue_dma source(%dma_start3A_152 : memref<40x125xi32, #tpu.memory_space<hbm>>) target(%arg7 : memref<40x125xi32, #tpu.memory_space<vmem>>) target_semaphore(%run_scoped3A : memref<!tpu.dma_semaphore, #tpu.memory_space<semaphore_mem>>)
      %dma_wait3A_153 = arith.constant 0 : i32
      %dma_wait3A_154 = arith.constant 0 : i32
      %dma_wait3A_155 = tpu.memref_slice %arg3[%add3A_57, %dma_wait3A_153, %dma_wait3A_154] : memref<64x40x125xi32, #tpu.memory_space<hbm>> -> memref<1x40x125xi32, #tpu.memory_space<hbm>>
      %dma_wait3A_156 = tpu.memref_squeeze %dma_wait3A_155 : memref<1x40x125xi32, #tpu.memory_space<hbm>> -> memref<40x125xi32, #tpu.memory_space<hbm>>
      %dma_wait3A_157 = arith.constant 0 : i32
      %dma_wait3A_158 = arith.constant 0 : i32
      %dma_wait3A_159 = tpu.memref_slice %arg3[%add3A_57, %dma_wait3A_157, %dma_wait3A_158] : memref<64x40x125xi32, #tpu.memory_space<hbm>> -> memref<1x40x125xi32, #tpu.memory_space<hbm>>
      %dma_wait3A_160 = tpu.memref_squeeze %dma_wait3A_159 : memref<1x40x125xi32, #tpu.memory_space<hbm>> -> memref<40x125xi32, #tpu.memory_space<hbm>>
      tpu.wait_dma2 semaphore(%run_scoped3A : memref<!tpu.dma_semaphore, #tpu.memory_space<semaphore_mem>>) src(%dma_wait3A_160 : memref<40x125xi32, #tpu.memory_space<hbm>>) dst(%arg7 : memref<40x125xi32, #tpu.memory_space<vmem>>)
      tpu.yield
    }) : () -> ()
    %dma_wait3A_58 = arith.constant 0 : i32
    %dma_wait3A_59 = arith.constant 0 : i32
    %dma_wait3A_60 = tpu.memref_slice %arg8[%dma_wait3A_58, %dma_wait3A_59] : memref<80x125xi32, #tpu.memory_space<vmem>> -> memref<1x125xi32, #tpu.memory_space<vmem>>
    %dma_wait3A_61 = tpu.memref_squeeze %dma_wait3A_60 : memref<1x125xi32, #tpu.memory_space<vmem>> -> memref<125xi32, #tpu.memory_space<vmem>>
    %dma_wait3A_62 = arith.constant 0 : i32
    %dma_wait3A_63 = arith.constant 0 : i32
    %dma_wait3A_64 = tpu.memref_slice %arg15[%dma_wait3A_62, %dma_wait3A_63] : memref<10000x128xf32, #tpu.memory_space<vmem_shared>> -> memref<10000x128xf32, #tpu.memory_space<vmem_shared>>
    tpu.wait_indirect_dma semaphore(%arg13 : memref<!tpu.dma_semaphore, #tpu.memory_space<semaphore_mem>>) src(%arg9 : memref<125x128xf32, #tpu.memory_space<vmem>>) dst(%dma_wait3A_64 : memref<10000x128xf32, #tpu.memory_space<vmem_shared>>)
    %dma_start3A_65 = arith.constant 0 : i32
    %dma_start3A_66 = arith.constant 0 : i32
    %dma_start3A_67 = tpu.memref_slice %arg7[%dma_start3A_65, %dma_start3A_66] : memref<40x125xi32, #tpu.memory_space<vmem>> -> memref<1x125xi32, #tpu.memory_space<vmem>>
    %dma_start3A_68 = tpu.memref_squeeze %dma_start3A_67 : memref<1x125xi32, #tpu.memory_space<vmem>> -> memref<125xi32, #tpu.memory_space<vmem>>
    %dma_start3A_69 = arith.constant 0 : i32
    %dma_start3A_70 = arith.constant 0 : i32
    %dma_start3A_71 = tpu.memref_slice %arg2[%dma_start3A_69, %dma_start3A_70] : memref<10000x128xf32, #tpu.memory_space<hbm>> -> memref<10000x128xf32, #tpu.memory_space<hbm>>
    tpu.enqueue_indirect_dma source(%dma_start3A_71 : memref<10000x128xf32, #tpu.memory_space<hbm>>) target(%arg9 : memref<125x128xf32, #tpu.memory_space<vmem>>) offsets(%dma_start3A_68 : memref<125xi32, #tpu.memory_space<vmem>>) semaphore(%arg11 : memref<!tpu.dma_semaphore, #tpu.memory_space<semaphore_mem>>)
    %dma_wait3A_72 = arith.constant 0 : i32
    %dma_wait3A_73 = arith.constant 0 : i32
    %dma_wait3A_74 = tpu.memref_slice %arg8[%dma_wait3A_72, %dma_wait3A_73] : memref<80x125xi32, #tpu.memory_space<vmem>> -> memref<1x125xi32, #tpu.memory_space<vmem>>
    %dma_wait3A_75 = tpu.memref_squeeze %dma_wait3A_74 : memref<1x125xi32, #tpu.memory_space<vmem>> -> memref<125xi32, #tpu.memory_space<vmem>>
    %dma_wait3A_76 = arith.constant 0 : i32
    %dma_wait3A_77 = arith.constant 0 : i32
    %dma_wait3A_78 = tpu.memref_slice %arg15[%dma_wait3A_76, %dma_wait3A_77] : memref<10000x128xf32, #tpu.memory_space<vmem_shared>> -> memref<10000x128xf32, #tpu.memory_space<vmem_shared>>
    tpu.wait_indirect_dma semaphore(%arg14 : memref<!tpu.dma_semaphore, #tpu.memory_space<semaphore_mem>>) src(%arg10 : memref<125x128xf32, #tpu.memory_space<vmem>>) dst(%dma_wait3A_78 : memref<10000x128xf32, #tpu.memory_space<vmem_shared>>)
    %dma_start3A_79 = arith.constant 1 : i32
    %dma_start3A_80 = arith.constant 0 : i32
    %dma_start3A_81 = tpu.memref_slice %arg7[%dma_start3A_79, %dma_start3A_80] : memref<40x125xi32, #tpu.memory_space<vmem>> -> memref<1x125xi32, #tpu.memory_space<vmem>>
    %dma_start3A_82 = tpu.memref_squeeze %dma_start3A_81 : memref<1x125xi32, #tpu.memory_space<vmem>> -> memref<125xi32, #tpu.memory_space<vmem>>
    %dma_start3A_83 = arith.constant 0 : i32
    %dma_start3A_84 = arith.constant 0 : i32
    %dma_start3A_85 = tpu.memref_slice %arg2[%dma_start3A_83, %dma_start3A_84] : memref<10000x128xf32, #tpu.memory_space<hbm>> -> memref<10000x128xf32, #tpu.memory_space<hbm>>
    tpu.enqueue_indirect_dma source(%dma_start3A_85 : memref<10000x128xf32, #tpu.memory_space<hbm>>) target(%arg10 : memref<125x128xf32, #tpu.memory_space<vmem>>) offsets(%dma_start3A_82 : memref<125xi32, #tpu.memory_space<vmem>>) semaphore(%arg12 : memref<!tpu.dma_semaphore, #tpu.memory_space<semaphore_mem>>)
    %scan3A_86 = arith.constant 0 : i32
    %scan3A_87 = arith.constant 0 : i32
    %scan3A_88 = arith.constant 19 : i32
    %scan3A_89 = arith.addi %scan3A_87, %scan3A_88 : i32
    %scan3A_90 = arith.constant 1 : i32
    scf.for %scan3A_145 = %scan3A_87 to %scan3A_89 step %scan3A_90  : i32 {
      %mul3A_146 = arith.constant 2 : i32
      %mul3A_147 = arith.muli %mul3A_146, %scan3A_145 : i32
      %dma_wait3A_148 = arith.constant 0 : i32
      %dma_wait3A_149 = arith.constant 0 : i32
      %dma_wait3A_150 = tpu.memref_slice %arg7[%dma_wait3A_148, %dma_wait3A_149] : memref<40x125xi32, #tpu.memory_space<vmem>> -> memref<1x125xi32, #tpu.memory_space<vmem>>
      %dma_wait3A_151 = tpu.memref_squeeze %dma_wait3A_150 : memref<1x125xi32, #tpu.memory_space<vmem>> -> memref<125xi32, #tpu.memory_space<vmem>>
      %dma_wait3A_152 = arith.constant 0 : i32
      %dma_wait3A_153 = arith.constant 0 : i32
      %dma_wait3A_154 = tpu.memref_slice %arg2[%dma_wait3A_152, %dma_wait3A_153] : memref<10000x128xf32, #tpu.memory_space<hbm>> -> memref<10000x128xf32, #tpu.memory_space<hbm>>
      tpu.wait_indirect_dma semaphore(%arg11 : memref<!tpu.dma_semaphore, #tpu.memory_space<semaphore_mem>>) src(%dma_wait3A_154 : memref<10000x128xf32, #tpu.memory_space<hbm>>) dst(%arg9 : memref<125x128xf32, #tpu.memory_space<vmem>>)
      %add3A_155 = arith.constant 40 : i32
      %add3A_156 = arith.addi %add3A_155, %mul3A_147 : i32
      %dma_start3A_157 = arith.constant 0 : i32
      %dma_start3A_158 = tpu.memref_slice %arg8[%add3A_156, %dma_start3A_157] : memref<80x125xi32, #tpu.memory_space<vmem>> -> memref<1x125xi32, #tpu.memory_space<vmem>>
      %dma_start3A_159 = tpu.memref_squeeze %dma_start3A_158 : memref<1x125xi32, #tpu.memory_space<vmem>> -> memref<125xi32, #tpu.memory_space<vmem>>
      %dma_start3A_160 = arith.constant 0 : i32
      %dma_start3A_161 = arith.constant 0 : i32
      %dma_start3A_162 = tpu.memref_slice %arg15[%dma_start3A_160, %dma_start3A_161] : memref<10000x128xf32, #tpu.memory_space<vmem_shared>> -> memref<10000x128xf32, #tpu.memory_space<vmem_shared>>
      tpu.enqueue_indirect_dma source(%arg9 : memref<125x128xf32, #tpu.memory_space<vmem>>) target(%dma_start3A_162 : memref<10000x128xf32, #tpu.memory_space<vmem_shared>>) offsets(%dma_start3A_159 : memref<125xi32, #tpu.memory_space<vmem>>) semaphore(%arg13 : memref<!tpu.dma_semaphore, #tpu.memory_space<semaphore_mem>>) {add = true}
      %dma_wait3A_163 = arith.constant 0 : i32
      %dma_wait3A_164 = arith.constant 0 : i32
      %dma_wait3A_165 = tpu.memref_slice %arg7[%dma_wait3A_163, %dma_wait3A_164] : memref<40x125xi32, #tpu.memory_space<vmem>> -> memref<1x125xi32, #tpu.memory_space<vmem>>
      %dma_wait3A_166 = tpu.memref_squeeze %dma_wait3A_165 : memref<1x125xi32, #tpu.memory_space<vmem>> -> memref<125xi32, #tpu.memory_space<vmem>>
      %dma_wait3A_167 = arith.constant 0 : i32
      %dma_wait3A_168 = arith.constant 0 : i32
      %dma_wait3A_169 = tpu.memref_slice %arg2[%dma_wait3A_167, %dma_wait3A_168] : memref<10000x128xf32, #tpu.memory_space<hbm>> -> memref<10000x128xf32, #tpu.memory_space<hbm>>
      tpu.wait_indirect_dma semaphore(%arg12 : memref<!tpu.dma_semaphore, #tpu.memory_space<semaphore_mem>>) src(%dma_wait3A_169 : memref<10000x128xf32, #tpu.memory_space<hbm>>) dst(%arg10 : memref<125x128xf32, #tpu.memory_space<vmem>>)
      %add3A_170 = arith.constant 40 : i32
      %add3A_171 = arith.addi %add3A_170, %mul3A_147 : i32
      %add3A_172 = arith.constant 1 : i32
      %add3A_173 = arith.addi %add3A_171, %add3A_172 : i32
      %dma_start3A_174 = arith.constant 0 : i32
      %dma_start3A_175 = tpu.memref_slice %arg8[%add3A_173, %dma_start3A_174] : memref<80x125xi32, #tpu.memory_space<vmem>> -> memref<1x125xi32, #tpu.memory_space<vmem>>
      %dma_start3A_176 = tpu.memref_squeeze %dma_start3A_175 : memref<1x125xi32, #tpu.memory_space<vmem>> -> memref<125xi32, #tpu.memory_space<vmem>>
      %dma_start3A_177 = arith.constant 0 : i32
      %dma_start3A_178 = arith.constant 0 : i32
      %dma_start3A_179 = tpu.memref_slice %arg15[%dma_start3A_177, %dma_start3A_178] : memref<10000x128xf32, #tpu.memory_space<vmem_shared>> -> memref<10000x128xf32, #tpu.memory_space<vmem_shared>>
      tpu.enqueue_indirect_dma source(%arg10 : memref<125x128xf32, #tpu.memory_space<vmem>>) target(%dma_start3A_179 : memref<10000x128xf32, #tpu.memory_space<vmem_shared>>) offsets(%dma_start3A_176 : memref<125xi32, #tpu.memory_space<vmem>>) semaphore(%arg14 : memref<!tpu.dma_semaphore, #tpu.memory_space<semaphore_mem>>) {add = true}
      %dma_wait3A_180 = arith.constant 0 : i32
      %dma_wait3A_181 = arith.constant 0 : i32
      %dma_wait3A_182 = tpu.memref_slice %arg8[%dma_wait3A_180, %dma_wait3A_181] : memref<80x125xi32, #tpu.memory_space<vmem>> -> memref<1x125xi32, #tpu.memory_space<vmem>>
      %dma_wait3A_183 = tpu.memref_squeeze %dma_wait3A_182 : memref<1x125xi32, #tpu.memory_space<vmem>> -> memref<125xi32, #tpu.memory_space<vmem>>
      %dma_wait3A_184 = arith.constant 0 : i32
      %dma_wait3A_185 = arith.constant 0 : i32
      %dma_wait3A_186 = tpu.memref_slice %arg15[%dma_wait3A_184, %dma_wait3A_185] : memref<10000x128xf32, #tpu.memory_space<vmem_shared>> -> memref<10000x128xf32, #tpu.memory_space<vmem_shared>>
      tpu.wait_indirect_dma semaphore(%arg13 : memref<!tpu.dma_semaphore, #tpu.memory_space<semaphore_mem>>) src(%arg9 : memref<125x128xf32, #tpu.memory_space<vmem>>) dst(%dma_wait3A_186 : memref<10000x128xf32, #tpu.memory_space<vmem_shared>>)
      %add3A_187 = arith.constant 2 : i32
      %add3A_188 = arith.addi %mul3A_147, %add3A_187 : i32
      %dma_start3A_189 = arith.constant 0 : i32
      %dma_start3A_190 = tpu.memref_slice %arg7[%add3A_188, %dma_start3A_189] : memref<40x125xi32, #tpu.memory_space<vmem>> -> memref<1x125xi32, #tpu.memory_space<vmem>>
      %dma_start3A_191 = tpu.memref_squeeze %dma_start3A_190 : memref<1x125xi32, #tpu.memory_space<vmem>> -> memref<125xi32, #tpu.memory_space<vmem>>
      %dma_start3A_192 = arith.constant 0 : i32
      %dma_start3A_193 = arith.constant 0 : i32
      %dma_start3A_194 = tpu.memref_slice %arg2[%dma_start3A_192, %dma_start3A_193] : memref<10000x128xf32, #tpu.memory_space<hbm>> -> memref<10000x128xf32, #tpu.memory_space<hbm>>
      tpu.enqueue_indirect_dma source(%dma_start3A_194 : memref<10000x128xf32, #tpu.memory_space<hbm>>) target(%arg9 : memref<125x128xf32, #tpu.memory_space<vmem>>) offsets(%dma_start3A_191 : memref<125xi32, #tpu.memory_space<vmem>>) semaphore(%arg11 : memref<!tpu.dma_semaphore, #tpu.memory_space<semaphore_mem>>)
      %dma_wait3A_195 = arith.constant 0 : i32
      %dma_wait3A_196 = arith.constant 0 : i32
      %dma_wait3A_197 = tpu.memref_slice %arg8[%dma_wait3A_195, %dma_wait3A_196] : memref<80x125xi32, #tpu.memory_space<vmem>> -> memref<1x125xi32, #tpu.memory_space<vmem>>
      %dma_wait3A_198 = tpu.memref_squeeze %dma_wait3A_197 : memref<1x125xi32, #tpu.memory_space<vmem>> -> memref<125xi32, #tpu.memory_space<vmem>>
      %dma_wait3A_199 = arith.constant 0 : i32
      %dma_wait3A_200 = arith.constant 0 : i32
      %dma_wait3A_201 = tpu.memref_slice %arg15[%dma_wait3A_199, %dma_wait3A_200] : memref<10000x128xf32, #tpu.memory_space<vmem_shared>> -> memref<10000x128xf32, #tpu.memory_space<vmem_shared>>
      tpu.wait_indirect_dma semaphore(%arg14 : memref<!tpu.dma_semaphore, #tpu.memory_space<semaphore_mem>>) src(%arg10 : memref<125x128xf32, #tpu.memory_space<vmem>>) dst(%dma_wait3A_201 : memref<10000x128xf32, #tpu.memory_space<vmem_shared>>)
      %add3A_202 = arith.constant 3 : i32
      %add3A_203 = arith.addi %mul3A_147, %add3A_202 : i32
      %dma_start3A_204 = arith.constant 0 : i32
      %dma_start3A_205 = tpu.memref_slice %arg7[%add3A_203, %dma_start3A_204] : memref<40x125xi32, #tpu.memory_space<vmem>> -> memref<1x125xi32, #tpu.memory_space<vmem>>
      %dma_start3A_206 = tpu.memref_squeeze %dma_start3A_205 : memref<1x125xi32, #tpu.memory_space<vmem>> -> memref<125xi32, #tpu.memory_space<vmem>>
      %dma_start3A_207 = arith.constant 0 : i32
      %dma_start3A_208 = arith.constant 0 : i32
      %dma_start3A_209 = tpu.memref_slice %arg2[%dma_start3A_207, %dma_start3A_208] : memref<10000x128xf32, #tpu.memory_space<hbm>> -> memref<10000x128xf32, #tpu.memory_space<hbm>>
      tpu.enqueue_indirect_dma source(%dma_start3A_209 : memref<10000x128xf32, #tpu.memory_space<hbm>>) target(%arg10 : memref<125x128xf32, #tpu.memory_space<vmem>>) offsets(%dma_start3A_206 : memref<125xi32, #tpu.memory_space<vmem>>) semaphore(%arg12 : memref<!tpu.dma_semaphore, #tpu.memory_space<semaphore_mem>>)
    }
    %scan3A_91 = arith.constant 19 : i32
    %dma_wait3A_92 = arith.constant 0 : i32
    %dma_wait3A_93 = arith.constant 0 : i32
    %dma_wait3A_94 = tpu.memref_slice %arg7[%dma_wait3A_92, %dma_wait3A_93] : memref<40x125xi32, #tpu.memory_space<vmem>> -> memref<1x125xi32, #tpu.memory_space<vmem>>
    %dma_wait3A_95 = tpu.memref_squeeze %dma_wait3A_94 : memref<1x125xi32, #tpu.memory_space<vmem>> -> memref<125xi32, #tpu.memory_space<vmem>>
    %dma_wait3A_96 = arith.constant 0 : i32
    %dma_wait3A_97 = arith.constant 0 : i32
    %dma_wait3A_98 = tpu.memref_slice %arg2[%dma_wait3A_96, %dma_wait3A_97] : memref<10000x128xf32, #tpu.memory_space<hbm>> -> memref<10000x128xf32, #tpu.memory_space<hbm>>
    tpu.wait_indirect_dma semaphore(%arg11 : memref<!tpu.dma_semaphore, #tpu.memory_space<semaphore_mem>>) src(%dma_wait3A_98 : memref<10000x128xf32, #tpu.memory_space<hbm>>) dst(%arg9 : memref<125x128xf32, #tpu.memory_space<vmem>>)
    %dma_start3A_99 = arith.constant 78 : i32
    %dma_start3A_100 = arith.constant 0 : i32
    %dma_start3A_101 = tpu.memref_slice %arg8[%dma_start3A_99, %dma_start3A_100] : memref<80x125xi32, #tpu.memory_space<vmem>> -> memref<1x125xi32, #tpu.memory_space<vmem>>
    %dma_start3A_102 = tpu.memref_squeeze %dma_start3A_101 : memref<1x125xi32, #tpu.memory_space<vmem>> -> memref<125xi32, #tpu.memory_space<vmem>>
    %dma_start3A_103 = arith.constant 0 : i32
    %dma_start3A_104 = arith.constant 0 : i32
    %dma_start3A_105 = tpu.memref_slice %arg15[%dma_start3A_103, %dma_start3A_104] : memref<10000x128xf32, #tpu.memory_space<vmem_shared>> -> memref<10000x128xf32, #tpu.memory_space<vmem_shared>>
    tpu.enqueue_indirect_dma source(%arg9 : memref<125x128xf32, #tpu.memory_space<vmem>>) target(%dma_start3A_105 : memref<10000x128xf32, #tpu.memory_space<vmem_shared>>) offsets(%dma_start3A_102 : memref<125xi32, #tpu.memory_space<vmem>>) semaphore(%arg13 : memref<!tpu.dma_semaphore, #tpu.memory_space<semaphore_mem>>) {add = true}
    %dma_wait3A_106 = arith.constant 0 : i32
    %dma_wait3A_107 = arith.constant 0 : i32
    %dma_wait3A_108 = tpu.memref_slice %arg7[%dma_wait3A_106, %dma_wait3A_107] : memref<40x125xi32, #tpu.memory_space<vmem>> -> memref<1x125xi32, #tpu.memory_space<vmem>>
    %dma_wait3A_109 = tpu.memref_squeeze %dma_wait3A_108 : memref<1x125xi32, #tpu.memory_space<vmem>> -> memref<125xi32, #tpu.memory_space<vmem>>
    %dma_wait3A_110 = arith.constant 0 : i32
    %dma_wait3A_111 = arith.constant 0 : i32
    %dma_wait3A_112 = tpu.memref_slice %arg2[%dma_wait3A_110, %dma_wait3A_111] : memref<10000x128xf32, #tpu.memory_space<hbm>> -> memref<10000x128xf32, #tpu.memory_space<hbm>>
    tpu.wait_indirect_dma semaphore(%arg12 : memref<!tpu.dma_semaphore, #tpu.memory_space<semaphore_mem>>) src(%dma_wait3A_112 : memref<10000x128xf32, #tpu.memory_space<hbm>>) dst(%arg10 : memref<125x128xf32, #tpu.memory_space<vmem>>)
    %dma_start3A_113 = arith.constant 79 : i32
    %dma_start3A_114 = arith.constant 0 : i32
    %dma_start3A_115 = tpu.memref_slice %arg8[%dma_start3A_113, %dma_start3A_114] : memref<80x125xi32, #tpu.memory_space<vmem>> -> memref<1x125xi32, #tpu.memory_space<vmem>>
    %dma_start3A_116 = tpu.memref_squeeze %dma_start3A_115 : memref<1x125xi32, #tpu.memory_space<vmem>> -> memref<125xi32, #tpu.memory_space<vmem>>
    %dma_start3A_117 = arith.constant 0 : i32
    %dma_start3A_118 = arith.constant 0 : i32
    %dma_start3A_119 = tpu.memref_slice %arg15[%dma_start3A_117, %dma_start3A_118] : memref<10000x128xf32, #tpu.memory_space<vmem_shared>> -> memref<10000x128xf32, #tpu.memory_space<vmem_shared>>
    tpu.enqueue_indirect_dma source(%arg10 : memref<125x128xf32, #tpu.memory_space<vmem>>) target(%dma_start3A_119 : memref<10000x128xf32, #tpu.memory_space<vmem_shared>>) offsets(%dma_start3A_116 : memref<125xi32, #tpu.memory_space<vmem>>) semaphore(%arg14 : memref<!tpu.dma_semaphore, #tpu.memory_space<semaphore_mem>>) {add = true}
    %dma_wait3A_120 = arith.constant 0 : i32
    %dma_wait3A_121 = arith.constant 0 : i32
    %dma_wait3A_122 = tpu.memref_slice %arg8[%dma_wait3A_120, %dma_wait3A_121] : memref<80x125xi32, #tpu.memory_space<vmem>> -> memref<1x125xi32, #tpu.memory_space<vmem>>
    %dma_wait3A_123 = tpu.memref_squeeze %dma_wait3A_122 : memref<1x125xi32, #tpu.memory_space<vmem>> -> memref<125xi32, #tpu.memory_space<vmem>>
    %dma_wait3A_124 = arith.constant 0 : i32
    %dma_wait3A_125 = arith.constant 0 : i32
    %dma_wait3A_126 = tpu.memref_slice %arg15[%dma_wait3A_124, %dma_wait3A_125] : memref<10000x128xf32, #tpu.memory_space<vmem_shared>> -> memref<10000x128xf32, #tpu.memory_space<vmem_shared>>
    tpu.wait_indirect_dma semaphore(%arg13 : memref<!tpu.dma_semaphore, #tpu.memory_space<semaphore_mem>>) src(%arg9 : memref<125x128xf32, #tpu.memory_space<vmem>>) dst(%dma_wait3A_126 : memref<10000x128xf32, #tpu.memory_space<vmem_shared>>)
    %dma_wait3A_127 = arith.constant 0 : i32
    %dma_wait3A_128 = arith.constant 0 : i32
    %dma_wait3A_129 = tpu.memref_slice %arg8[%dma_wait3A_127, %dma_wait3A_128] : memref<80x125xi32, #tpu.memory_space<vmem>> -> memref<1x125xi32, #tpu.memory_space<vmem>>
    %dma_wait3A_130 = tpu.memref_squeeze %dma_wait3A_129 : memref<1x125xi32, #tpu.memory_space<vmem>> -> memref<125xi32, #tpu.memory_space<vmem>>
    %dma_wait3A_131 = arith.constant 0 : i32
    %dma_wait3A_132 = arith.constant 0 : i32
    %dma_wait3A_133 = tpu.memref_slice %arg15[%dma_wait3A_131, %dma_wait3A_132] : memref<10000x128xf32, #tpu.memory_space<vmem_shared>> -> memref<10000x128xf32, #tpu.memory_space<vmem_shared>>
    tpu.wait_indirect_dma semaphore(%arg14 : memref<!tpu.dma_semaphore, #tpu.memory_space<semaphore_mem>>) src(%arg10 : memref<125x128xf32, #tpu.memory_space<vmem>>) dst(%dma_wait3A_133 : memref<10000x128xf32, #tpu.memory_space<vmem_shared>>)
    %barrier3A_134 = arith.constant 0 : index
    tpu.barrier barrier_id(%barrier3A_134)
    %mul3A_135 = arith.constant 624 : i32
    %mul3A_136 = arith.muli %arg1, %mul3A_135 : i32
    %mul3A_137 = arith.constant 10000 : i32
    %mul3A_138 = arith.muli %arg0, %mul3A_137 : i32
    %add3A_139 = arith.addi %mul3A_138, %mul3A_136 : i32
    "tpu.region"() ({
      %run_scoped3A = tpu.sem_alloc : memref<!tpu.dma_semaphore, #tpu.memory_space<semaphore_mem>>
      %dma_start3A_145 = arith.constant 0 : i32
      %dma_start3A_146 = tpu.memref_slice %arg6[%add3A_139, %dma_start3A_145] : memref<20000x128xf32, #tpu.memory_space<hbm>> -> memref<624x128xf32, #tpu.memory_space<hbm>>
      %dma_start3A_147 = arith.constant 0 : i32
      %dma_start3A_148 = tpu.memref_slice %arg15[%mul3A_136, %dma_start3A_147] : memref<10000x128xf32, #tpu.memory_space<vmem_shared>> -> memref<624x128xf32, #tpu.memory_space<vmem_shared>>
      tpu.enqueue_dma source(%dma_start3A_148 : memref<624x128xf32, #tpu.memory_space<vmem_shared>>) target(%dma_start3A_146 : memref<624x128xf32, #tpu.memory_space<hbm>>) target_semaphore(%run_scoped3A : memref<!tpu.dma_semaphore, #tpu.memory_space<semaphore_mem>>)
      %dma_wait3A_149 = arith.constant 0 : i32
      %dma_wait3A_150 = tpu.memref_slice %arg6[%add3A_139, %dma_wait3A_149] : memref<20000x128xf32, #tpu.memory_space<hbm>> -> memref<624x128xf32, #tpu.memory_space<hbm>>
      %dma_wait3A_151 = arith.constant 0 : i32
      %dma_wait3A_152 = tpu.memref_slice %arg15[%mul3A_136, %dma_wait3A_151] : memref<10000x128xf32, #tpu.memory_space<vmem_shared>> -> memref<624x128xf32, #tpu.memory_space<vmem_shared>>
      tpu.wait_dma2 semaphore(%run_scoped3A : memref<!tpu.dma_semaphore, #tpu.memory_space<semaphore_mem>>) src(%dma_wait3A_152 : memref<624x128xf32, #tpu.memory_space<vmem_shared>>) dst(%dma_wait3A_150 : memref<624x128xf32, #tpu.memory_space<hbm>>)
      tpu.yield
    }) : () -> ()
    %eq3A_140 = arith.constant 0 : i32
    %eq3A_141 = arith.cmpi eq, %arg1, %eq3A_140 : i32
    %convert_element_type3A_142 = arith.extui %eq3A_141 : i1 to i32
    %cond3A_143 = arith.constant 0 : i32
    %cond3A_144 = arith.cmpi ne, %convert_element_type3A_142, %cond3A_143 : i32
    scf.if %cond3A_144 {
      %mul3A_145 = arith.constant 10000 : i32
      %mul3A_146 = arith.muli %arg0, %mul3A_145 : i32
      %add3A_147 = arith.constant 9984 : i32
      %add3A_148 = arith.addi %mul3A_146, %add3A_147 : i32
      "tpu.region"() ({
        %run_scoped3A = tpu.sem_alloc : memref<!tpu.dma_semaphore, #tpu.memory_space<semaphore_mem>>
        %dma_start3A_149 = arith.constant 0 : i32
        %dma_start3A_150 = tpu.memref_slice %arg6[%add3A_148, %dma_start3A_149] : memref<20000x128xf32, #tpu.memory_space<hbm>> -> memref<16x128xf32, #tpu.memory_space<hbm>>
        %dma_start3A_151 = arith.constant 9984 : i32
        %dma_start3A_152 = arith.constant 0 : i32
        %dma_start3A_153 = tpu.memref_slice %arg15[%dma_start3A_151, %dma_start3A_152] : memref<10000x128xf32, #tpu.memory_space<vmem_shared>> -> memref<16x128xf32, #tpu.memory_space<vmem_shared>>
        tpu.enqueue_dma source(%dma_start3A_153 : memref<16x128xf32, #tpu.memory_space<vmem_shared>>) target(%dma_start3A_150 : memref<16x128xf32, #tpu.memory_space<hbm>>) target_semaphore(%run_scoped3A : memref<!tpu.dma_semaphore, #tpu.memory_space<semaphore_mem>>)
        %dma_wait3A_154 = arith.constant 0 : i32
        %dma_wait3A_155 = tpu.memref_slice %arg6[%add3A_148, %dma_wait3A_154] : memref<20000x128xf32, #tpu.memory_space<hbm>> -> memref<16x128xf32, #tpu.memory_space<hbm>>
        %dma_wait3A_156 = arith.constant 9984 : i32
        %dma_wait3A_157 = arith.constant 0 : i32
        %dma_wait3A_158 = tpu.memref_slice %arg15[%dma_wait3A_156, %dma_wait3A_157] : memref<10000x128xf32, #tpu.memory_space<vmem_shared>> -> memref<16x128xf32, #tpu.memory_space<vmem_shared>>
        tpu.wait_dma2 semaphore(%run_scoped3A : memref<!tpu.dma_semaphore, #tpu.memory_space<semaphore_mem>>) src(%dma_wait3A_158 : memref<16x128xf32, #tpu.memory_space<vmem_shared>>) dst(%dma_wait3A_155 : memref<16x128xf32, #tpu.memory_space<hbm>>)
        tpu.yield
      }) : () -> ()
    } else {
    }
    return
  }
}

#map = affine_map<(d0, d1) -> (0, 0)>
#map1 = affine_map<(d0, d1) -> (0, 0, 0)>
module attributes {stable_mosaic.version = 14 : i64} {
  func.func @_agg_cnt_body(%arg0: i32, %arg1: i32, %arg2: memref<10000x128xf32, #tpu.memory_space<hbm>>, %arg3: memref<64x40x125xi32, #tpu.memory_space<hbm>>, %arg4: memref<32x80x125xi32, #tpu.memory_space<hbm>>, %arg5: memref<10000x128xf32, #tpu.memory_space<hbm>>, %arg6: memref<125x128xf32, #tpu.memory_space<hbm>>, %arg7: memref<20000x128xf32, #tpu.memory_space<hbm>>, %arg8: memref<20000x128xf32, #tpu.memory_space<hbm>>, %arg9: memref<40x125xi32, #tpu.memory_space<vmem>>, %arg10: memref<80x125xi32, #tpu.memory_space<vmem>>, %arg11: memref<125x128xf32, #tpu.memory_space<vmem>>, %arg12: memref<125x128xf32, #tpu.memory_space<vmem>>, %arg13: memref<!tpu.dma_semaphore, #tpu.memory_space<semaphore_mem>>, %arg14: memref<!tpu.dma_semaphore, #tpu.memory_space<semaphore_mem>>, %arg15: memref<!tpu.dma_semaphore, #tpu.memory_space<semaphore_mem>>, %arg16: memref<!tpu.dma_semaphore, #tpu.memory_space<semaphore_mem>>, %arg17: memref<10000x128xf32, #tpu.memory_space<vmem_shared>>) attributes {dimension_semantics = [#tpu.dimension_semantics<core_parallel>, #tpu.dimension_semantics<subcore_parallel>], iteration_bounds = array<i64: 2, 16>, scalar_prefetch = 0 : i64, scratch_operands = 9 : i64, tpu.core_type = #tpu.core_type<sc_vector_subcore>, window_params = [{transform_indices = #map}, {transform_indices = #map1}, {transform_indices = #map1}, {transform_indices = #map}, {transform_indices = #map}, {transform_indices = #map}, {transform_indices = #map}]} {
    %mul3A = arith.constant 2 : i32
    %mul3A_0 = arith.muli %arg1, %mul3A : i32
    %add3A = arith.addi %mul3A_0, %arg0 : i32
    %mul3A_1 = arith.constant 624 : i32
    %mul3A_2 = arith.muli %arg1, %mul3A_1 : i32
    "tpu.region"() ({
      %run_scoped3A = tpu.sem_alloc : memref<!tpu.dma_semaphore, #tpu.memory_space<semaphore_mem>>
      %dma_start3A_227 = arith.constant 0 : i32
      %dma_start3A_228 = tpu.memref_slice %arg17[%mul3A_2, %dma_start3A_227] : memref<10000x128xf32, #tpu.memory_space<vmem_shared>> -> memref<624x128xf32, #tpu.memory_space<vmem_shared>>
      %dma_start3A_229 = arith.constant 0 : i32
      %dma_start3A_230 = tpu.memref_slice %arg5[%mul3A_2, %dma_start3A_229] : memref<10000x128xf32, #tpu.memory_space<hbm>> -> memref<624x128xf32, #tpu.memory_space<hbm>>
      tpu.enqueue_dma source(%dma_start3A_230 : memref<624x128xf32, #tpu.memory_space<hbm>>) target(%dma_start3A_228 : memref<624x128xf32, #tpu.memory_space<vmem_shared>>) target_semaphore(%run_scoped3A : memref<!tpu.dma_semaphore, #tpu.memory_space<semaphore_mem>>)
      %dma_wait3A_231 = arith.constant 0 : i32
      %dma_wait3A_232 = tpu.memref_slice %arg17[%mul3A_2, %dma_wait3A_231] : memref<10000x128xf32, #tpu.memory_space<vmem_shared>> -> memref<624x128xf32, #tpu.memory_space<vmem_shared>>
      %dma_wait3A_233 = arith.constant 0 : i32
      %dma_wait3A_234 = tpu.memref_slice %arg5[%mul3A_2, %dma_wait3A_233] : memref<10000x128xf32, #tpu.memory_space<hbm>> -> memref<624x128xf32, #tpu.memory_space<hbm>>
      tpu.wait_dma2 semaphore(%run_scoped3A : memref<!tpu.dma_semaphore, #tpu.memory_space<semaphore_mem>>) src(%dma_wait3A_234 : memref<624x128xf32, #tpu.memory_space<hbm>>) dst(%dma_wait3A_232 : memref<624x128xf32, #tpu.memory_space<vmem_shared>>)
      tpu.yield
    }) : () -> ()
    %eq3A = arith.constant 0 : i32
    %eq3A_3 = arith.cmpi eq, %arg1, %eq3A : i32
    %convert_element_type3A = arith.extui %eq3A_3 : i1 to i32
    %cond3A = arith.constant 0 : i32
    %cond3A_4 = arith.cmpi ne, %convert_element_type3A, %cond3A : i32
    scf.if %cond3A_4 {
      "tpu.region"() ({
        %run_scoped3A = tpu.sem_alloc : memref<!tpu.dma_semaphore, #tpu.memory_space<semaphore_mem>>
        %dma_start3A_227 = arith.constant 9984 : i32
        %dma_start3A_228 = arith.constant 0 : i32
        %dma_start3A_229 = tpu.memref_slice %arg17[%dma_start3A_227, %dma_start3A_228] : memref<10000x128xf32, #tpu.memory_space<vmem_shared>> -> memref<16x128xf32, #tpu.memory_space<vmem_shared>>
        %dma_start3A_230 = arith.constant 9984 : i32
        %dma_start3A_231 = arith.constant 0 : i32
        %dma_start3A_232 = tpu.memref_slice %arg5[%dma_start3A_230, %dma_start3A_231] : memref<10000x128xf32, #tpu.memory_space<hbm>> -> memref<16x128xf32, #tpu.memory_space<hbm>>
        tpu.enqueue_dma source(%dma_start3A_232 : memref<16x128xf32, #tpu.memory_space<hbm>>) target(%dma_start3A_229 : memref<16x128xf32, #tpu.memory_space<vmem_shared>>) target_semaphore(%run_scoped3A : memref<!tpu.dma_semaphore, #tpu.memory_space<semaphore_mem>>)
        %dma_wait3A_233 = arith.constant 9984 : i32
        %dma_wait3A_234 = arith.constant 0 : i32
        %dma_wait3A_235 = tpu.memref_slice %arg17[%dma_wait3A_233, %dma_wait3A_234] : memref<10000x128xf32, #tpu.memory_space<vmem_shared>> -> memref<16x128xf32, #tpu.memory_space<vmem_shared>>
        %dma_wait3A_236 = arith.constant 9984 : i32
        %dma_wait3A_237 = arith.constant 0 : i32
        %dma_wait3A_238 = tpu.memref_slice %arg5[%dma_wait3A_236, %dma_wait3A_237] : memref<10000x128xf32, #tpu.memory_space<hbm>> -> memref<16x128xf32, #tpu.memory_space<hbm>>
        tpu.wait_dma2 semaphore(%run_scoped3A : memref<!tpu.dma_semaphore, #tpu.memory_space<semaphore_mem>>) src(%dma_wait3A_238 : memref<16x128xf32, #tpu.memory_space<hbm>>) dst(%dma_wait3A_235 : memref<16x128xf32, #tpu.memory_space<vmem_shared>>)
        tpu.yield
      }) : () -> ()
    } else {
    }
    "tpu.region"() ({
      %run_scoped3A = tpu.sem_alloc : memref<!tpu.dma_semaphore, #tpu.memory_space<semaphore_mem>>
      %dma_start3A_227 = arith.constant 0 : i32
      %dma_start3A_228 = arith.constant 0 : i32
      %dma_start3A_229 = tpu.memref_slice %arg4[%add3A, %dma_start3A_227, %dma_start3A_228] : memref<32x80x125xi32, #tpu.memory_space<hbm>> -> memref<1x80x125xi32, #tpu.memory_space<hbm>>
      %dma_start3A_230 = tpu.memref_squeeze %dma_start3A_229 : memref<1x80x125xi32, #tpu.memory_space<hbm>> -> memref<80x125xi32, #tpu.memory_space<hbm>>
      %dma_start3A_231 = arith.constant 0 : i32
      %dma_start3A_232 = arith.constant 0 : i32
      %dma_start3A_233 = tpu.memref_slice %arg4[%add3A, %dma_start3A_231, %dma_start3A_232] : memref<32x80x125xi32, #tpu.memory_space<hbm>> -> memref<1x80x125xi32, #tpu.memory_space<hbm>>
      %dma_start3A_234 = tpu.memref_squeeze %dma_start3A_233 : memref<1x80x125xi32, #tpu.memory_space<hbm>> -> memref<80x125xi32, #tpu.memory_space<hbm>>
      tpu.enqueue_dma source(%dma_start3A_234 : memref<80x125xi32, #tpu.memory_space<hbm>>) target(%arg10 : memref<80x125xi32, #tpu.memory_space<vmem>>) target_semaphore(%run_scoped3A : memref<!tpu.dma_semaphore, #tpu.memory_space<semaphore_mem>>)
      %dma_wait3A_235 = arith.constant 0 : i32
      %dma_wait3A_236 = arith.constant 0 : i32
      %dma_wait3A_237 = tpu.memref_slice %arg4[%add3A, %dma_wait3A_235, %dma_wait3A_236] : memref<32x80x125xi32, #tpu.memory_space<hbm>> -> memref<1x80x125xi32, #tpu.memory_space<hbm>>
      %dma_wait3A_238 = tpu.memref_squeeze %dma_wait3A_237 : memref<1x80x125xi32, #tpu.memory_space<hbm>> -> memref<80x125xi32, #tpu.memory_space<hbm>>
      %dma_wait3A_239 = arith.constant 0 : i32
      %dma_wait3A_240 = arith.constant 0 : i32
      %dma_wait3A_241 = tpu.memref_slice %arg4[%add3A, %dma_wait3A_239, %dma_wait3A_240] : memref<32x80x125xi32, #tpu.memory_space<hbm>> -> memref<1x80x125xi32, #tpu.memory_space<hbm>>
      %dma_wait3A_242 = tpu.memref_squeeze %dma_wait3A_241 : memref<1x80x125xi32, #tpu.memory_space<hbm>> -> memref<80x125xi32, #tpu.memory_space<hbm>>
      tpu.wait_dma2 semaphore(%run_scoped3A : memref<!tpu.dma_semaphore, #tpu.memory_space<semaphore_mem>>) src(%dma_wait3A_242 : memref<80x125xi32, #tpu.memory_space<hbm>>) dst(%arg10 : memref<80x125xi32, #tpu.memory_space<vmem>>)
      tpu.yield
    }) : () -> ()
    %barrier3A = arith.constant 0 : index
    tpu.barrier barrier_id(%barrier3A)
    %mul3A_5 = arith.constant 2 : i32
    %mul3A_6 = arith.muli %mul3A_5, %add3A : i32
    %add3A_7 = arith.constant 0 : i32
    %add3A_8 = arith.addi %mul3A_6, %add3A_7 : i32
    "tpu.region"() ({
      %run_scoped3A = tpu.sem_alloc : memref<!tpu.dma_semaphore, #tpu.memory_space<semaphore_mem>>
      %dma_start3A_227 = arith.constant 0 : i32
      %dma_start3A_228 = arith.constant 0 : i32
      %dma_start3A_229 = tpu.memref_slice %arg3[%add3A_8, %dma_start3A_227, %dma_start3A_228] : memref<64x40x125xi32, #tpu.memory_space<hbm>> -> memref<1x40x125xi32, #tpu.memory_space<hbm>>
      %dma_start3A_230 = tpu.memref_squeeze %dma_start3A_229 : memref<1x40x125xi32, #tpu.memory_space<hbm>> -> memref<40x125xi32, #tpu.memory_space<hbm>>
      %dma_start3A_231 = arith.constant 0 : i32
      %dma_start3A_232 = arith.constant 0 : i32
      %dma_start3A_233 = tpu.memref_slice %arg3[%add3A_8, %dma_start3A_231, %dma_start3A_232] : memref<64x40x125xi32, #tpu.memory_space<hbm>> -> memref<1x40x125xi32, #tpu.memory_space<hbm>>
      %dma_start3A_234 = tpu.memref_squeeze %dma_start3A_233 : memref<1x40x125xi32, #tpu.memory_space<hbm>> -> memref<40x125xi32, #tpu.memory_space<hbm>>
      tpu.enqueue_dma source(%dma_start3A_234 : memref<40x125xi32, #tpu.memory_space<hbm>>) target(%arg9 : memref<40x125xi32, #tpu.memory_space<vmem>>) target_semaphore(%run_scoped3A : memref<!tpu.dma_semaphore, #tpu.memory_space<semaphore_mem>>)
      %dma_wait3A_235 = arith.constant 0 : i32
      %dma_wait3A_236 = arith.constant 0 : i32
      %dma_wait3A_237 = tpu.memref_slice %arg3[%add3A_8, %dma_wait3A_235, %dma_wait3A_236] : memref<64x40x125xi32, #tpu.memory_space<hbm>> -> memref<1x40x125xi32, #tpu.memory_space<hbm>>
      %dma_wait3A_238 = tpu.memref_squeeze %dma_wait3A_237 : memref<1x40x125xi32, #tpu.memory_space<hbm>> -> memref<40x125xi32, #tpu.memory_space<hbm>>
      %dma_wait3A_239 = arith.constant 0 : i32
      %dma_wait3A_240 = arith.constant 0 : i32
      %dma_wait3A_241 = tpu.memref_slice %arg3[%add3A_8, %dma_wait3A_239, %dma_wait3A_240] : memref<64x40x125xi32, #tpu.memory_space<hbm>> -> memref<1x40x125xi32, #tpu.memory_space<hbm>>
      %dma_wait3A_242 = tpu.memref_squeeze %dma_wait3A_241 : memref<1x40x125xi32, #tpu.memory_space<hbm>> -> memref<40x125xi32, #tpu.memory_space<hbm>>
      tpu.wait_dma2 semaphore(%run_scoped3A : memref<!tpu.dma_semaphore, #tpu.memory_space<semaphore_mem>>) src(%dma_wait3A_242 : memref<40x125xi32, #tpu.memory_space<hbm>>) dst(%arg9 : memref<40x125xi32, #tpu.memory_space<vmem>>)
      tpu.yield
    }) : () -> ()
    %dma_start3A = arith.constant 0 : i32
    %dma_start3A_9 = arith.constant 0 : i32
    %dma_start3A_10 = tpu.memref_slice %arg9[%dma_start3A, %dma_start3A_9] : memref<40x125xi32, #tpu.memory_space<vmem>> -> memref<1x125xi32, #tpu.memory_space<vmem>>
    %dma_start3A_11 = tpu.memref_squeeze %dma_start3A_10 : memref<1x125xi32, #tpu.memory_space<vmem>> -> memref<125xi32, #tpu.memory_space<vmem>>
    %dma_start3A_12 = arith.constant 0 : i32
    %dma_start3A_13 = arith.constant 0 : i32
    %dma_start3A_14 = tpu.memref_slice %arg2[%dma_start3A_12, %dma_start3A_13] : memref<10000x128xf32, #tpu.memory_space<hbm>> -> memref<10000x128xf32, #tpu.memory_space<hbm>>
    tpu.enqueue_indirect_dma source(%dma_start3A_14 : memref<10000x128xf32, #tpu.memory_space<hbm>>) target(%arg11 : memref<125x128xf32, #tpu.memory_space<vmem>>) offsets(%dma_start3A_11 : memref<125xi32, #tpu.memory_space<vmem>>) semaphore(%arg13 : memref<!tpu.dma_semaphore, #tpu.memory_space<semaphore_mem>>)
    %dma_start3A_15 = arith.constant 1 : i32
    %dma_start3A_16 = arith.constant 0 : i32
    %dma_start3A_17 = tpu.memref_slice %arg9[%dma_start3A_15, %dma_start3A_16] : memref<40x125xi32, #tpu.memory_space<vmem>> -> memref<1x125xi32, #tpu.memory_space<vmem>>
    %dma_start3A_18 = tpu.memref_squeeze %dma_start3A_17 : memref<1x125xi32, #tpu.memory_space<vmem>> -> memref<125xi32, #tpu.memory_space<vmem>>
    %dma_start3A_19 = arith.constant 0 : i32
    %dma_start3A_20 = arith.constant 0 : i32
    %dma_start3A_21 = tpu.memref_slice %arg2[%dma_start3A_19, %dma_start3A_20] : memref<10000x128xf32, #tpu.memory_space<hbm>> -> memref<10000x128xf32, #tpu.memory_space<hbm>>
    tpu.enqueue_indirect_dma source(%dma_start3A_21 : memref<10000x128xf32, #tpu.memory_space<hbm>>) target(%arg12 : memref<125x128xf32, #tpu.memory_space<vmem>>) offsets(%dma_start3A_18 : memref<125xi32, #tpu.memory_space<vmem>>) semaphore(%arg14 : memref<!tpu.dma_semaphore, #tpu.memory_space<semaphore_mem>>)
    %scan3A = arith.constant 0 : i32
    %scan3A_22 = arith.constant 0 : i32
    %scan3A_23 = arith.constant 19 : i32
    %scan3A_24 = arith.addi %scan3A_22, %scan3A_23 : i32
    %scan3A_25 = arith.constant 1 : i32
    scf.for %scan3A_227 = %scan3A_22 to %scan3A_24 step %scan3A_25  : i32 {
      %mul3A_228 = arith.constant 2 : i32
      %mul3A_229 = arith.muli %mul3A_228, %scan3A_227 : i32
      %dma_wait3A_230 = arith.constant 0 : i32
      %dma_wait3A_231 = arith.constant 0 : i32
      %dma_wait3A_232 = tpu.memref_slice %arg9[%dma_wait3A_230, %dma_wait3A_231] : memref<40x125xi32, #tpu.memory_space<vmem>> -> memref<1x125xi32, #tpu.memory_space<vmem>>
      %dma_wait3A_233 = tpu.memref_squeeze %dma_wait3A_232 : memref<1x125xi32, #tpu.memory_space<vmem>> -> memref<125xi32, #tpu.memory_space<vmem>>
      %dma_wait3A_234 = arith.constant 0 : i32
      %dma_wait3A_235 = arith.constant 0 : i32
      %dma_wait3A_236 = tpu.memref_slice %arg2[%dma_wait3A_234, %dma_wait3A_235] : memref<10000x128xf32, #tpu.memory_space<hbm>> -> memref<10000x128xf32, #tpu.memory_space<hbm>>
      tpu.wait_indirect_dma semaphore(%arg13 : memref<!tpu.dma_semaphore, #tpu.memory_space<semaphore_mem>>) src(%dma_wait3A_236 : memref<10000x128xf32, #tpu.memory_space<hbm>>) dst(%arg11 : memref<125x128xf32, #tpu.memory_space<vmem>>)
      %add3A_237 = arith.constant 0 : i32
      %add3A_238 = arith.addi %add3A_237, %mul3A_229 : i32
      %dma_start3A_239 = arith.constant 0 : i32
      %dma_start3A_240 = tpu.memref_slice %arg10[%add3A_238, %dma_start3A_239] : memref<80x125xi32, #tpu.memory_space<vmem>> -> memref<1x125xi32, #tpu.memory_space<vmem>>
      %dma_start3A_241 = tpu.memref_squeeze %dma_start3A_240 : memref<1x125xi32, #tpu.memory_space<vmem>> -> memref<125xi32, #tpu.memory_space<vmem>>
      %dma_start3A_242 = arith.constant 0 : i32
      %dma_start3A_243 = arith.constant 0 : i32
      %dma_start3A_244 = tpu.memref_slice %arg17[%dma_start3A_242, %dma_start3A_243] : memref<10000x128xf32, #tpu.memory_space<vmem_shared>> -> memref<10000x128xf32, #tpu.memory_space<vmem_shared>>
      tpu.enqueue_indirect_dma source(%arg11 : memref<125x128xf32, #tpu.memory_space<vmem>>) target(%dma_start3A_244 : memref<10000x128xf32, #tpu.memory_space<vmem_shared>>) offsets(%dma_start3A_241 : memref<125xi32, #tpu.memory_space<vmem>>) semaphore(%arg15 : memref<!tpu.dma_semaphore, #tpu.memory_space<semaphore_mem>>) {add = true}
      %dma_wait3A_245 = arith.constant 0 : i32
      %dma_wait3A_246 = arith.constant 0 : i32
      %dma_wait3A_247 = tpu.memref_slice %arg9[%dma_wait3A_245, %dma_wait3A_246] : memref<40x125xi32, #tpu.memory_space<vmem>> -> memref<1x125xi32, #tpu.memory_space<vmem>>
      %dma_wait3A_248 = tpu.memref_squeeze %dma_wait3A_247 : memref<1x125xi32, #tpu.memory_space<vmem>> -> memref<125xi32, #tpu.memory_space<vmem>>
      %dma_wait3A_249 = arith.constant 0 : i32
      %dma_wait3A_250 = arith.constant 0 : i32
      %dma_wait3A_251 = tpu.memref_slice %arg2[%dma_wait3A_249, %dma_wait3A_250] : memref<10000x128xf32, #tpu.memory_space<hbm>> -> memref<10000x128xf32, #tpu.memory_space<hbm>>
      tpu.wait_indirect_dma semaphore(%arg14 : memref<!tpu.dma_semaphore, #tpu.memory_space<semaphore_mem>>) src(%dma_wait3A_251 : memref<10000x128xf32, #tpu.memory_space<hbm>>) dst(%arg12 : memref<125x128xf32, #tpu.memory_space<vmem>>)
      %add3A_252 = arith.constant 0 : i32
      %add3A_253 = arith.addi %add3A_252, %mul3A_229 : i32
      %add3A_254 = arith.constant 1 : i32
      %add3A_255 = arith.addi %add3A_253, %add3A_254 : i32
      %dma_start3A_256 = arith.constant 0 : i32
      %dma_start3A_257 = tpu.memref_slice %arg10[%add3A_255, %dma_start3A_256] : memref<80x125xi32, #tpu.memory_space<vmem>> -> memref<1x125xi32, #tpu.memory_space<vmem>>
      %dma_start3A_258 = tpu.memref_squeeze %dma_start3A_257 : memref<1x125xi32, #tpu.memory_space<vmem>> -> memref<125xi32, #tpu.memory_space<vmem>>
      %dma_start3A_259 = arith.constant 0 : i32
      %dma_start3A_260 = arith.constant 0 : i32
      %dma_start3A_261 = tpu.memref_slice %arg17[%dma_start3A_259, %dma_start3A_260] : memref<10000x128xf32, #tpu.memory_space<vmem_shared>> -> memref<10000x128xf32, #tpu.memory_space<vmem_shared>>
      tpu.enqueue_indirect_dma source(%arg12 : memref<125x128xf32, #tpu.memory_space<vmem>>) target(%dma_start3A_261 : memref<10000x128xf32, #tpu.memory_space<vmem_shared>>) offsets(%dma_start3A_258 : memref<125xi32, #tpu.memory_space<vmem>>) semaphore(%arg16 : memref<!tpu.dma_semaphore, #tpu.memory_space<semaphore_mem>>) {add = true}
      %dma_wait3A_262 = arith.constant 0 : i32
      %dma_wait3A_263 = arith.constant 0 : i32
      %dma_wait3A_264 = tpu.memref_slice %arg10[%dma_wait3A_262, %dma_wait3A_263] : memref<80x125xi32, #tpu.memory_space<vmem>> -> memref<1x125xi32, #tpu.memory_space<vmem>>
      %dma_wait3A_265 = tpu.memref_squeeze %dma_wait3A_264 : memref<1x125xi32, #tpu.memory_space<vmem>> -> memref<125xi32, #tpu.memory_space<vmem>>
      %dma_wait3A_266 = arith.constant 0 : i32
      %dma_wait3A_267 = arith.constant 0 : i32
      %dma_wait3A_268 = tpu.memref_slice %arg17[%dma_wait3A_266, %dma_wait3A_267] : memref<10000x128xf32, #tpu.memory_space<vmem_shared>> -> memref<10000x128xf32, #tpu.memory_space<vmem_shared>>
      tpu.wait_indirect_dma semaphore(%arg15 : memref<!tpu.dma_semaphore, #tpu.memory_space<semaphore_mem>>) src(%arg11 : memref<125x128xf32, #tpu.memory_space<vmem>>) dst(%dma_wait3A_268 : memref<10000x128xf32, #tpu.memory_space<vmem_shared>>)
      %add3A_269 = arith.constant 2 : i32
      %add3A_270 = arith.addi %mul3A_229, %add3A_269 : i32
      %dma_start3A_271 = arith.constant 0 : i32
      %dma_start3A_272 = tpu.memref_slice %arg9[%add3A_270, %dma_start3A_271] : memref<40x125xi32, #tpu.memory_space<vmem>> -> memref<1x125xi32, #tpu.memory_space<vmem>>
      %dma_start3A_273 = tpu.memref_squeeze %dma_start3A_272 : memref<1x125xi32, #tpu.memory_space<vmem>> -> memref<125xi32, #tpu.memory_space<vmem>>
      %dma_start3A_274 = arith.constant 0 : i32
      %dma_start3A_275 = arith.constant 0 : i32
      %dma_start3A_276 = tpu.memref_slice %arg2[%dma_start3A_274, %dma_start3A_275] : memref<10000x128xf32, #tpu.memory_space<hbm>> -> memref<10000x128xf32, #tpu.memory_space<hbm>>
      tpu.enqueue_indirect_dma source(%dma_start3A_276 : memref<10000x128xf32, #tpu.memory_space<hbm>>) target(%arg11 : memref<125x128xf32, #tpu.memory_space<vmem>>) offsets(%dma_start3A_273 : memref<125xi32, #tpu.memory_space<vmem>>) semaphore(%arg13 : memref<!tpu.dma_semaphore, #tpu.memory_space<semaphore_mem>>)
      %dma_wait3A_277 = arith.constant 0 : i32
      %dma_wait3A_278 = arith.constant 0 : i32
      %dma_wait3A_279 = tpu.memref_slice %arg10[%dma_wait3A_277, %dma_wait3A_278] : memref<80x125xi32, #tpu.memory_space<vmem>> -> memref<1x125xi32, #tpu.memory_space<vmem>>
      %dma_wait3A_280 = tpu.memref_squeeze %dma_wait3A_279 : memref<1x125xi32, #tpu.memory_space<vmem>> -> memref<125xi32, #tpu.memory_space<vmem>>
      %dma_wait3A_281 = arith.constant 0 : i32
      %dma_wait3A_282 = arith.constant 0 : i32
      %dma_wait3A_283 = tpu.memref_slice %arg17[%dma_wait3A_281, %dma_wait3A_282] : memref<10000x128xf32, #tpu.memory_space<vmem_shared>> -> memref<10000x128xf32, #tpu.memory_space<vmem_shared>>
      tpu.wait_indirect_dma semaphore(%arg16 : memref<!tpu.dma_semaphore, #tpu.memory_space<semaphore_mem>>) src(%arg12 : memref<125x128xf32, #tpu.memory_space<vmem>>) dst(%dma_wait3A_283 : memref<10000x128xf32, #tpu.memory_space<vmem_shared>>)
      %add3A_284 = arith.constant 3 : i32
      %add3A_285 = arith.addi %mul3A_229, %add3A_284 : i32
      %dma_start3A_286 = arith.constant 0 : i32
      %dma_start3A_287 = tpu.memref_slice %arg9[%add3A_285, %dma_start3A_286] : memref<40x125xi32, #tpu.memory_space<vmem>> -> memref<1x125xi32, #tpu.memory_space<vmem>>
      %dma_start3A_288 = tpu.memref_squeeze %dma_start3A_287 : memref<1x125xi32, #tpu.memory_space<vmem>> -> memref<125xi32, #tpu.memory_space<vmem>>
      %dma_start3A_289 = arith.constant 0 : i32
      %dma_start3A_290 = arith.constant 0 : i32
      %dma_start3A_291 = tpu.memref_slice %arg2[%dma_start3A_289, %dma_start3A_290] : memref<10000x128xf32, #tpu.memory_space<hbm>> -> memref<10000x128xf32, #tpu.memory_space<hbm>>
      tpu.enqueue_indirect_dma source(%dma_start3A_291 : memref<10000x128xf32, #tpu.memory_space<hbm>>) target(%arg12 : memref<125x128xf32, #tpu.memory_space<vmem>>) offsets(%dma_start3A_288 : memref<125xi32, #tpu.memory_space<vmem>>) semaphore(%arg14 : memref<!tpu.dma_semaphore, #tpu.memory_space<semaphore_mem>>)
    }
    %scan3A_26 = arith.constant 19 : i32
    %dma_wait3A = arith.constant 0 : i32
    %dma_wait3A_27 = arith.constant 0 : i32
    %dma_wait3A_28 = tpu.memref_slice %arg9[%dma_wait3A, %dma_wait3A_27] : memref<40x125xi32, #tpu.memory_space<vmem>> -> memref<1x125xi32, #tpu.memory_space<vmem>>
    %dma_wait3A_29 = tpu.memref_squeeze %dma_wait3A_28 : memref<1x125xi32, #tpu.memory_space<vmem>> -> memref<125xi32, #tpu.memory_space<vmem>>
    %dma_wait3A_30 = arith.constant 0 : i32
    %dma_wait3A_31 = arith.constant 0 : i32
    %dma_wait3A_32 = tpu.memref_slice %arg2[%dma_wait3A_30, %dma_wait3A_31] : memref<10000x128xf32, #tpu.memory_space<hbm>> -> memref<10000x128xf32, #tpu.memory_space<hbm>>
    tpu.wait_indirect_dma semaphore(%arg13 : memref<!tpu.dma_semaphore, #tpu.memory_space<semaphore_mem>>) src(%dma_wait3A_32 : memref<10000x128xf32, #tpu.memory_space<hbm>>) dst(%arg11 : memref<125x128xf32, #tpu.memory_space<vmem>>)
    %dma_start3A_33 = arith.constant 38 : i32
    %dma_start3A_34 = arith.constant 0 : i32
    %dma_start3A_35 = tpu.memref_slice %arg10[%dma_start3A_33, %dma_start3A_34] : memref<80x125xi32, #tpu.memory_space<vmem>> -> memref<1x125xi32, #tpu.memory_space<vmem>>
    %dma_start3A_36 = tpu.memref_squeeze %dma_start3A_35 : memref<1x125xi32, #tpu.memory_space<vmem>> -> memref<125xi32, #tpu.memory_space<vmem>>
    %dma_start3A_37 = arith.constant 0 : i32
    %dma_start3A_38 = arith.constant 0 : i32
    %dma_start3A_39 = tpu.memref_slice %arg17[%dma_start3A_37, %dma_start3A_38] : memref<10000x128xf32, #tpu.memory_space<vmem_shared>> -> memref<10000x128xf32, #tpu.memory_space<vmem_shared>>
    tpu.enqueue_indirect_dma source(%arg11 : memref<125x128xf32, #tpu.memory_space<vmem>>) target(%dma_start3A_39 : memref<10000x128xf32, #tpu.memory_space<vmem_shared>>) offsets(%dma_start3A_36 : memref<125xi32, #tpu.memory_space<vmem>>) semaphore(%arg15 : memref<!tpu.dma_semaphore, #tpu.memory_space<semaphore_mem>>) {add = true}
    %dma_wait3A_40 = arith.constant 0 : i32
    %dma_wait3A_41 = arith.constant 0 : i32
    %dma_wait3A_42 = tpu.memref_slice %arg9[%dma_wait3A_40, %dma_wait3A_41] : memref<40x125xi32, #tpu.memory_space<vmem>> -> memref<1x125xi32, #tpu.memory_space<vmem>>
    %dma_wait3A_43 = tpu.memref_squeeze %dma_wait3A_42 : memref<1x125xi32, #tpu.memory_space<vmem>> -> memref<125xi32, #tpu.memory_space<vmem>>
    %dma_wait3A_44 = arith.constant 0 : i32
    %dma_wait3A_45 = arith.constant 0 : i32
    %dma_wait3A_46 = tpu.memref_slice %arg2[%dma_wait3A_44, %dma_wait3A_45] : memref<10000x128xf32, #tpu.memory_space<hbm>> -> memref<10000x128xf32, #tpu.memory_space<hbm>>
    tpu.wait_indirect_dma semaphore(%arg14 : memref<!tpu.dma_semaphore, #tpu.memory_space<semaphore_mem>>) src(%dma_wait3A_46 : memref<10000x128xf32, #tpu.memory_space<hbm>>) dst(%arg12 : memref<125x128xf32, #tpu.memory_space<vmem>>)
    %dma_start3A_47 = arith.constant 39 : i32
    %dma_start3A_48 = arith.constant 0 : i32
    %dma_start3A_49 = tpu.memref_slice %arg10[%dma_start3A_47, %dma_start3A_48] : memref<80x125xi32, #tpu.memory_space<vmem>> -> memref<1x125xi32, #tpu.memory_space<vmem>>
    %dma_start3A_50 = tpu.memref_squeeze %dma_start3A_49 : memref<1x125xi32, #tpu.memory_space<vmem>> -> memref<125xi32, #tpu.memory_space<vmem>>
    %dma_start3A_51 = arith.constant 0 : i32
    %dma_start3A_52 = arith.constant 0 : i32
    %dma_start3A_53 = tpu.memref_slice %arg17[%dma_start3A_51, %dma_start3A_52] : memref<10000x128xf32, #tpu.memory_space<vmem_shared>> -> memref<10000x128xf32, #tpu.memory_space<vmem_shared>>
    tpu.enqueue_indirect_dma source(%arg12 : memref<125x128xf32, #tpu.memory_space<vmem>>) target(%dma_start3A_53 : memref<10000x128xf32, #tpu.memory_space<vmem_shared>>) offsets(%dma_start3A_50 : memref<125xi32, #tpu.memory_space<vmem>>) semaphore(%arg16 : memref<!tpu.dma_semaphore, #tpu.memory_space<semaphore_mem>>) {add = true}
    %mul3A_54 = arith.constant 2 : i32
    %mul3A_55 = arith.muli %mul3A_54, %add3A : i32
    %add3A_56 = arith.constant 1 : i32
    %add3A_57 = arith.addi %mul3A_55, %add3A_56 : i32
    "tpu.region"() ({
      %run_scoped3A = tpu.sem_alloc : memref<!tpu.dma_semaphore, #tpu.memory_space<semaphore_mem>>
      %dma_start3A_227 = arith.constant 0 : i32
      %dma_start3A_228 = arith.constant 0 : i32
      %dma_start3A_229 = tpu.memref_slice %arg3[%add3A_57, %dma_start3A_227, %dma_start3A_228] : memref<64x40x125xi32, #tpu.memory_space<hbm>> -> memref<1x40x125xi32, #tpu.memory_space<hbm>>
      %dma_start3A_230 = tpu.memref_squeeze %dma_start3A_229 : memref<1x40x125xi32, #tpu.memory_space<hbm>> -> memref<40x125xi32, #tpu.memory_space<hbm>>
      %dma_start3A_231 = arith.constant 0 : i32
      %dma_start3A_232 = arith.constant 0 : i32
      %dma_start3A_233 = tpu.memref_slice %arg3[%add3A_57, %dma_start3A_231, %dma_start3A_232] : memref<64x40x125xi32, #tpu.memory_space<hbm>> -> memref<1x40x125xi32, #tpu.memory_space<hbm>>
      %dma_start3A_234 = tpu.memref_squeeze %dma_start3A_233 : memref<1x40x125xi32, #tpu.memory_space<hbm>> -> memref<40x125xi32, #tpu.memory_space<hbm>>
      tpu.enqueue_dma source(%dma_start3A_234 : memref<40x125xi32, #tpu.memory_space<hbm>>) target(%arg9 : memref<40x125xi32, #tpu.memory_space<vmem>>) target_semaphore(%run_scoped3A : memref<!tpu.dma_semaphore, #tpu.memory_space<semaphore_mem>>)
      %dma_wait3A_235 = arith.constant 0 : i32
      %dma_wait3A_236 = arith.constant 0 : i32
      %dma_wait3A_237 = tpu.memref_slice %arg3[%add3A_57, %dma_wait3A_235, %dma_wait3A_236] : memref<64x40x125xi32, #tpu.memory_space<hbm>> -> memref<1x40x125xi32, #tpu.memory_space<hbm>>
      %dma_wait3A_238 = tpu.memref_squeeze %dma_wait3A_237 : memref<1x40x125xi32, #tpu.memory_space<hbm>> -> memref<40x125xi32, #tpu.memory_space<hbm>>
      %dma_wait3A_239 = arith.constant 0 : i32
      %dma_wait3A_240 = arith.constant 0 : i32
      %dma_wait3A_241 = tpu.memref_slice %arg3[%add3A_57, %dma_wait3A_239, %dma_wait3A_240] : memref<64x40x125xi32, #tpu.memory_space<hbm>> -> memref<1x40x125xi32, #tpu.memory_space<hbm>>
      %dma_wait3A_242 = tpu.memref_squeeze %dma_wait3A_241 : memref<1x40x125xi32, #tpu.memory_space<hbm>> -> memref<40x125xi32, #tpu.memory_space<hbm>>
      tpu.wait_dma2 semaphore(%run_scoped3A : memref<!tpu.dma_semaphore, #tpu.memory_space<semaphore_mem>>) src(%dma_wait3A_242 : memref<40x125xi32, #tpu.memory_space<hbm>>) dst(%arg9 : memref<40x125xi32, #tpu.memory_space<vmem>>)
      tpu.yield
    }) : () -> ()
    %dma_wait3A_58 = arith.constant 0 : i32
    %dma_wait3A_59 = arith.constant 0 : i32
    %dma_wait3A_60 = tpu.memref_slice %arg10[%dma_wait3A_58, %dma_wait3A_59] : memref<80x125xi32, #tpu.memory_space<vmem>> -> memref<1x125xi32, #tpu.memory_space<vmem>>
    %dma_wait3A_61 = tpu.memref_squeeze %dma_wait3A_60 : memref<1x125xi32, #tpu.memory_space<vmem>> -> memref<125xi32, #tpu.memory_space<vmem>>
    %dma_wait3A_62 = arith.constant 0 : i32
    %dma_wait3A_63 = arith.constant 0 : i32
    %dma_wait3A_64 = tpu.memref_slice %arg17[%dma_wait3A_62, %dma_wait3A_63] : memref<10000x128xf32, #tpu.memory_space<vmem_shared>> -> memref<10000x128xf32, #tpu.memory_space<vmem_shared>>
    tpu.wait_indirect_dma semaphore(%arg15 : memref<!tpu.dma_semaphore, #tpu.memory_space<semaphore_mem>>) src(%arg11 : memref<125x128xf32, #tpu.memory_space<vmem>>) dst(%dma_wait3A_64 : memref<10000x128xf32, #tpu.memory_space<vmem_shared>>)
    %dma_start3A_65 = arith.constant 0 : i32
    %dma_start3A_66 = arith.constant 0 : i32
    %dma_start3A_67 = tpu.memref_slice %arg9[%dma_start3A_65, %dma_start3A_66] : memref<40x125xi32, #tpu.memory_space<vmem>> -> memref<1x125xi32, #tpu.memory_space<vmem>>
    %dma_start3A_68 = tpu.memref_squeeze %dma_start3A_67 : memref<1x125xi32, #tpu.memory_space<vmem>> -> memref<125xi32, #tpu.memory_space<vmem>>
    %dma_start3A_69 = arith.constant 0 : i32
    %dma_start3A_70 = arith.constant 0 : i32
    %dma_start3A_71 = tpu.memref_slice %arg2[%dma_start3A_69, %dma_start3A_70] : memref<10000x128xf32, #tpu.memory_space<hbm>> -> memref<10000x128xf32, #tpu.memory_space<hbm>>
    tpu.enqueue_indirect_dma source(%dma_start3A_71 : memref<10000x128xf32, #tpu.memory_space<hbm>>) target(%arg11 : memref<125x128xf32, #tpu.memory_space<vmem>>) offsets(%dma_start3A_68 : memref<125xi32, #tpu.memory_space<vmem>>) semaphore(%arg13 : memref<!tpu.dma_semaphore, #tpu.memory_space<semaphore_mem>>)
    %dma_wait3A_72 = arith.constant 0 : i32
    %dma_wait3A_73 = arith.constant 0 : i32
    %dma_wait3A_74 = tpu.memref_slice %arg10[%dma_wait3A_72, %dma_wait3A_73] : memref<80x125xi32, #tpu.memory_space<vmem>> -> memref<1x125xi32, #tpu.memory_space<vmem>>
    %dma_wait3A_75 = tpu.memref_squeeze %dma_wait3A_74 : memref<1x125xi32, #tpu.memory_space<vmem>> -> memref<125xi32, #tpu.memory_space<vmem>>
    %dma_wait3A_76 = arith.constant 0 : i32
    %dma_wait3A_77 = arith.constant 0 : i32
    %dma_wait3A_78 = tpu.memref_slice %arg17[%dma_wait3A_76, %dma_wait3A_77] : memref<10000x128xf32, #tpu.memory_space<vmem_shared>> -> memref<10000x128xf32, #tpu.memory_space<vmem_shared>>
    tpu.wait_indirect_dma semaphore(%arg16 : memref<!tpu.dma_semaphore, #tpu.memory_space<semaphore_mem>>) src(%arg12 : memref<125x128xf32, #tpu.memory_space<vmem>>) dst(%dma_wait3A_78 : memref<10000x128xf32, #tpu.memory_space<vmem_shared>>)
    %dma_start3A_79 = arith.constant 1 : i32
    %dma_start3A_80 = arith.constant 0 : i32
    %dma_start3A_81 = tpu.memref_slice %arg9[%dma_start3A_79, %dma_start3A_80] : memref<40x125xi32, #tpu.memory_space<vmem>> -> memref<1x125xi32, #tpu.memory_space<vmem>>
    %dma_start3A_82 = tpu.memref_squeeze %dma_start3A_81 : memref<1x125xi32, #tpu.memory_space<vmem>> -> memref<125xi32, #tpu.memory_space<vmem>>
    %dma_start3A_83 = arith.constant 0 : i32
    %dma_start3A_84 = arith.constant 0 : i32
    %dma_start3A_85 = tpu.memref_slice %arg2[%dma_start3A_83, %dma_start3A_84] : memref<10000x128xf32, #tpu.memory_space<hbm>> -> memref<10000x128xf32, #tpu.memory_space<hbm>>
    tpu.enqueue_indirect_dma source(%dma_start3A_85 : memref<10000x128xf32, #tpu.memory_space<hbm>>) target(%arg12 : memref<125x128xf32, #tpu.memory_space<vmem>>) offsets(%dma_start3A_82 : memref<125xi32, #tpu.memory_space<vmem>>) semaphore(%arg14 : memref<!tpu.dma_semaphore, #tpu.memory_space<semaphore_mem>>)
    %scan3A_86 = arith.constant 0 : i32
    %scan3A_87 = arith.constant 0 : i32
    %scan3A_88 = arith.constant 19 : i32
    %scan3A_89 = arith.addi %scan3A_87, %scan3A_88 : i32
    %scan3A_90 = arith.constant 1 : i32
    scf.for %scan3A_227 = %scan3A_87 to %scan3A_89 step %scan3A_90  : i32 {
      %mul3A_228 = arith.constant 2 : i32
      %mul3A_229 = arith.muli %mul3A_228, %scan3A_227 : i32
      %dma_wait3A_230 = arith.constant 0 : i32
      %dma_wait3A_231 = arith.constant 0 : i32
      %dma_wait3A_232 = tpu.memref_slice %arg9[%dma_wait3A_230, %dma_wait3A_231] : memref<40x125xi32, #tpu.memory_space<vmem>> -> memref<1x125xi32, #tpu.memory_space<vmem>>
      %dma_wait3A_233 = tpu.memref_squeeze %dma_wait3A_232 : memref<1x125xi32, #tpu.memory_space<vmem>> -> memref<125xi32, #tpu.memory_space<vmem>>
      %dma_wait3A_234 = arith.constant 0 : i32
      %dma_wait3A_235 = arith.constant 0 : i32
      %dma_wait3A_236 = tpu.memref_slice %arg2[%dma_wait3A_234, %dma_wait3A_235] : memref<10000x128xf32, #tpu.memory_space<hbm>> -> memref<10000x128xf32, #tpu.memory_space<hbm>>
      tpu.wait_indirect_dma semaphore(%arg13 : memref<!tpu.dma_semaphore, #tpu.memory_space<semaphore_mem>>) src(%dma_wait3A_236 : memref<10000x128xf32, #tpu.memory_space<hbm>>) dst(%arg11 : memref<125x128xf32, #tpu.memory_space<vmem>>)
      %add3A_237 = arith.constant 40 : i32
      %add3A_238 = arith.addi %add3A_237, %mul3A_229 : i32
      %dma_start3A_239 = arith.constant 0 : i32
      %dma_start3A_240 = tpu.memref_slice %arg10[%add3A_238, %dma_start3A_239] : memref<80x125xi32, #tpu.memory_space<vmem>> -> memref<1x125xi32, #tpu.memory_space<vmem>>
      %dma_start3A_241 = tpu.memref_squeeze %dma_start3A_240 : memref<1x125xi32, #tpu.memory_space<vmem>> -> memref<125xi32, #tpu.memory_space<vmem>>
      %dma_start3A_242 = arith.constant 0 : i32
      %dma_start3A_243 = arith.constant 0 : i32
      %dma_start3A_244 = tpu.memref_slice %arg17[%dma_start3A_242, %dma_start3A_243] : memref<10000x128xf32, #tpu.memory_space<vmem_shared>> -> memref<10000x128xf32, #tpu.memory_space<vmem_shared>>
      tpu.enqueue_indirect_dma source(%arg11 : memref<125x128xf32, #tpu.memory_space<vmem>>) target(%dma_start3A_244 : memref<10000x128xf32, #tpu.memory_space<vmem_shared>>) offsets(%dma_start3A_241 : memref<125xi32, #tpu.memory_space<vmem>>) semaphore(%arg15 : memref<!tpu.dma_semaphore, #tpu.memory_space<semaphore_mem>>) {add = true}
      %dma_wait3A_245 = arith.constant 0 : i32
      %dma_wait3A_246 = arith.constant 0 : i32
      %dma_wait3A_247 = tpu.memref_slice %arg9[%dma_wait3A_245, %dma_wait3A_246] : memref<40x125xi32, #tpu.memory_space<vmem>> -> memref<1x125xi32, #tpu.memory_space<vmem>>
      %dma_wait3A_248 = tpu.memref_squeeze %dma_wait3A_247 : memref<1x125xi32, #tpu.memory_space<vmem>> -> memref<125xi32, #tpu.memory_space<vmem>>
      %dma_wait3A_249 = arith.constant 0 : i32
      %dma_wait3A_250 = arith.constant 0 : i32
      %dma_wait3A_251 = tpu.memref_slice %arg2[%dma_wait3A_249, %dma_wait3A_250] : memref<10000x128xf32, #tpu.memory_space<hbm>> -> memref<10000x128xf32, #tpu.memory_space<hbm>>
      tpu.wait_indirect_dma semaphore(%arg14 : memref<!tpu.dma_semaphore, #tpu.memory_space<semaphore_mem>>) src(%dma_wait3A_251 : memref<10000x128xf32, #tpu.memory_space<hbm>>) dst(%arg12 : memref<125x128xf32, #tpu.memory_space<vmem>>)
      %add3A_252 = arith.constant 40 : i32
      %add3A_253 = arith.addi %add3A_252, %mul3A_229 : i32
      %add3A_254 = arith.constant 1 : i32
      %add3A_255 = arith.addi %add3A_253, %add3A_254 : i32
      %dma_start3A_256 = arith.constant 0 : i32
      %dma_start3A_257 = tpu.memref_slice %arg10[%add3A_255, %dma_start3A_256] : memref<80x125xi32, #tpu.memory_space<vmem>> -> memref<1x125xi32, #tpu.memory_space<vmem>>
      %dma_start3A_258 = tpu.memref_squeeze %dma_start3A_257 : memref<1x125xi32, #tpu.memory_space<vmem>> -> memref<125xi32, #tpu.memory_space<vmem>>
      %dma_start3A_259 = arith.constant 0 : i32
      %dma_start3A_260 = arith.constant 0 : i32
      %dma_start3A_261 = tpu.memref_slice %arg17[%dma_start3A_259, %dma_start3A_260] : memref<10000x128xf32, #tpu.memory_space<vmem_shared>> -> memref<10000x128xf32, #tpu.memory_space<vmem_shared>>
      tpu.enqueue_indirect_dma source(%arg12 : memref<125x128xf32, #tpu.memory_space<vmem>>) target(%dma_start3A_261 : memref<10000x128xf32, #tpu.memory_space<vmem_shared>>) offsets(%dma_start3A_258 : memref<125xi32, #tpu.memory_space<vmem>>) semaphore(%arg16 : memref<!tpu.dma_semaphore, #tpu.memory_space<semaphore_mem>>) {add = true}
      %dma_wait3A_262 = arith.constant 0 : i32
      %dma_wait3A_263 = arith.constant 0 : i32
      %dma_wait3A_264 = tpu.memref_slice %arg10[%dma_wait3A_262, %dma_wait3A_263] : memref<80x125xi32, #tpu.memory_space<vmem>> -> memref<1x125xi32, #tpu.memory_space<vmem>>
      %dma_wait3A_265 = tpu.memref_squeeze %dma_wait3A_264 : memref<1x125xi32, #tpu.memory_space<vmem>> -> memref<125xi32, #tpu.memory_space<vmem>>
      %dma_wait3A_266 = arith.constant 0 : i32
      %dma_wait3A_267 = arith.constant 0 : i32
      %dma_wait3A_268 = tpu.memref_slice %arg17[%dma_wait3A_266, %dma_wait3A_267] : memref<10000x128xf32, #tpu.memory_space<vmem_shared>> -> memref<10000x128xf32, #tpu.memory_space<vmem_shared>>
      tpu.wait_indirect_dma semaphore(%arg15 : memref<!tpu.dma_semaphore, #tpu.memory_space<semaphore_mem>>) src(%arg11 : memref<125x128xf32, #tpu.memory_space<vmem>>) dst(%dma_wait3A_268 : memref<10000x128xf32, #tpu.memory_space<vmem_shared>>)
      %add3A_269 = arith.constant 2 : i32
      %add3A_270 = arith.addi %mul3A_229, %add3A_269 : i32
      %dma_start3A_271 = arith.constant 0 : i32
      %dma_start3A_272 = tpu.memref_slice %arg9[%add3A_270, %dma_start3A_271] : memref<40x125xi32, #tpu.memory_space<vmem>> -> memref<1x125xi32, #tpu.memory_space<vmem>>
      %dma_start3A_273 = tpu.memref_squeeze %dma_start3A_272 : memref<1x125xi32, #tpu.memory_space<vmem>> -> memref<125xi32, #tpu.memory_space<vmem>>
      %dma_start3A_274 = arith.constant 0 : i32
      %dma_start3A_275 = arith.constant 0 : i32
      %dma_start3A_276 = tpu.memref_slice %arg2[%dma_start3A_274, %dma_start3A_275] : memref<10000x128xf32, #tpu.memory_space<hbm>> -> memref<10000x128xf32, #tpu.memory_space<hbm>>
      tpu.enqueue_indirect_dma source(%dma_start3A_276 : memref<10000x128xf32, #tpu.memory_space<hbm>>) target(%arg11 : memref<125x128xf32, #tpu.memory_space<vmem>>) offsets(%dma_start3A_273 : memref<125xi32, #tpu.memory_space<vmem>>) semaphore(%arg13 : memref<!tpu.dma_semaphore, #tpu.memory_space<semaphore_mem>>)
      %dma_wait3A_277 = arith.constant 0 : i32
      %dma_wait3A_278 = arith.constant 0 : i32
      %dma_wait3A_279 = tpu.memref_slice %arg10[%dma_wait3A_277, %dma_wait3A_278] : memref<80x125xi32, #tpu.memory_space<vmem>> -> memref<1x125xi32, #tpu.memory_space<vmem>>
      %dma_wait3A_280 = tpu.memref_squeeze %dma_wait3A_279 : memref<1x125xi32, #tpu.memory_space<vmem>> -> memref<125xi32, #tpu.memory_space<vmem>>
      %dma_wait3A_281 = arith.constant 0 : i32
      %dma_wait3A_282 = arith.constant 0 : i32
      %dma_wait3A_283 = tpu.memref_slice %arg17[%dma_wait3A_281, %dma_wait3A_282] : memref<10000x128xf32, #tpu.memory_space<vmem_shared>> -> memref<10000x128xf32, #tpu.memory_space<vmem_shared>>
      tpu.wait_indirect_dma semaphore(%arg16 : memref<!tpu.dma_semaphore, #tpu.memory_space<semaphore_mem>>) src(%arg12 : memref<125x128xf32, #tpu.memory_space<vmem>>) dst(%dma_wait3A_283 : memref<10000x128xf32, #tpu.memory_space<vmem_shared>>)
      %add3A_284 = arith.constant 3 : i32
      %add3A_285 = arith.addi %mul3A_229, %add3A_284 : i32
      %dma_start3A_286 = arith.constant 0 : i32
      %dma_start3A_287 = tpu.memref_slice %arg9[%add3A_285, %dma_start3A_286] : memref<40x125xi32, #tpu.memory_space<vmem>> -> memref<1x125xi32, #tpu.memory_space<vmem>>
      %dma_start3A_288 = tpu.memref_squeeze %dma_start3A_287 : memref<1x125xi32, #tpu.memory_space<vmem>> -> memref<125xi32, #tpu.memory_space<vmem>>
      %dma_start3A_289 = arith.constant 0 : i32
      %dma_start3A_290 = arith.constant 0 : i32
      %dma_start3A_291 = tpu.memref_slice %arg2[%dma_start3A_289, %dma_start3A_290] : memref<10000x128xf32, #tpu.memory_space<hbm>> -> memref<10000x128xf32, #tpu.memory_space<hbm>>
      tpu.enqueue_indirect_dma source(%dma_start3A_291 : memref<10000x128xf32, #tpu.memory_space<hbm>>) target(%arg12 : memref<125x128xf32, #tpu.memory_space<vmem>>) offsets(%dma_start3A_288 : memref<125xi32, #tpu.memory_space<vmem>>) semaphore(%arg14 : memref<!tpu.dma_semaphore, #tpu.memory_space<semaphore_mem>>)
    }
    %scan3A_91 = arith.constant 19 : i32
    %dma_wait3A_92 = arith.constant 0 : i32
    %dma_wait3A_93 = arith.constant 0 : i32
    %dma_wait3A_94 = tpu.memref_slice %arg9[%dma_wait3A_92, %dma_wait3A_93] : memref<40x125xi32, #tpu.memory_space<vmem>> -> memref<1x125xi32, #tpu.memory_space<vmem>>
    %dma_wait3A_95 = tpu.memref_squeeze %dma_wait3A_94 : memref<1x125xi32, #tpu.memory_space<vmem>> -> memref<125xi32, #tpu.memory_space<vmem>>
    %dma_wait3A_96 = arith.constant 0 : i32
    %dma_wait3A_97 = arith.constant 0 : i32
    %dma_wait3A_98 = tpu.memref_slice %arg2[%dma_wait3A_96, %dma_wait3A_97] : memref<10000x128xf32, #tpu.memory_space<hbm>> -> memref<10000x128xf32, #tpu.memory_space<hbm>>
    tpu.wait_indirect_dma semaphore(%arg13 : memref<!tpu.dma_semaphore, #tpu.memory_space<semaphore_mem>>) src(%dma_wait3A_98 : memref<10000x128xf32, #tpu.memory_space<hbm>>) dst(%arg11 : memref<125x128xf32, #tpu.memory_space<vmem>>)
    %dma_start3A_99 = arith.constant 78 : i32
    %dma_start3A_100 = arith.constant 0 : i32
    %dma_start3A_101 = tpu.memref_slice %arg10[%dma_start3A_99, %dma_start3A_100] : memref<80x125xi32, #tpu.memory_space<vmem>> -> memref<1x125xi32, #tpu.memory_space<vmem>>
    %dma_start3A_102 = tpu.memref_squeeze %dma_start3A_101 : memref<1x125xi32, #tpu.memory_space<vmem>> -> memref<125xi32, #tpu.memory_space<vmem>>
    %dma_start3A_103 = arith.constant 0 : i32
    %dma_start3A_104 = arith.constant 0 : i32
    %dma_start3A_105 = tpu.memref_slice %arg17[%dma_start3A_103, %dma_start3A_104] : memref<10000x128xf32, #tpu.memory_space<vmem_shared>> -> memref<10000x128xf32, #tpu.memory_space<vmem_shared>>
    tpu.enqueue_indirect_dma source(%arg11 : memref<125x128xf32, #tpu.memory_space<vmem>>) target(%dma_start3A_105 : memref<10000x128xf32, #tpu.memory_space<vmem_shared>>) offsets(%dma_start3A_102 : memref<125xi32, #tpu.memory_space<vmem>>) semaphore(%arg15 : memref<!tpu.dma_semaphore, #tpu.memory_space<semaphore_mem>>) {add = true}
    %dma_wait3A_106 = arith.constant 0 : i32
    %dma_wait3A_107 = arith.constant 0 : i32
    %dma_wait3A_108 = tpu.memref_slice %arg9[%dma_wait3A_106, %dma_wait3A_107] : memref<40x125xi32, #tpu.memory_space<vmem>> -> memref<1x125xi32, #tpu.memory_space<vmem>>
    %dma_wait3A_109 = tpu.memref_squeeze %dma_wait3A_108 : memref<1x125xi32, #tpu.memory_space<vmem>> -> memref<125xi32, #tpu.memory_space<vmem>>
    %dma_wait3A_110 = arith.constant 0 : i32
    %dma_wait3A_111 = arith.constant 0 : i32
    %dma_wait3A_112 = tpu.memref_slice %arg2[%dma_wait3A_110, %dma_wait3A_111] : memref<10000x128xf32, #tpu.memory_space<hbm>> -> memref<10000x128xf32, #tpu.memory_space<hbm>>
    tpu.wait_indirect_dma semaphore(%arg14 : memref<!tpu.dma_semaphore, #tpu.memory_space<semaphore_mem>>) src(%dma_wait3A_112 : memref<10000x128xf32, #tpu.memory_space<hbm>>) dst(%arg12 : memref<125x128xf32, #tpu.memory_space<vmem>>)
    %dma_start3A_113 = arith.constant 79 : i32
    %dma_start3A_114 = arith.constant 0 : i32
    %dma_start3A_115 = tpu.memref_slice %arg10[%dma_start3A_113, %dma_start3A_114] : memref<80x125xi32, #tpu.memory_space<vmem>> -> memref<1x125xi32, #tpu.memory_space<vmem>>
    %dma_start3A_116 = tpu.memref_squeeze %dma_start3A_115 : memref<1x125xi32, #tpu.memory_space<vmem>> -> memref<125xi32, #tpu.memory_space<vmem>>
    %dma_start3A_117 = arith.constant 0 : i32
    %dma_start3A_118 = arith.constant 0 : i32
    %dma_start3A_119 = tpu.memref_slice %arg17[%dma_start3A_117, %dma_start3A_118] : memref<10000x128xf32, #tpu.memory_space<vmem_shared>> -> memref<10000x128xf32, #tpu.memory_space<vmem_shared>>
    tpu.enqueue_indirect_dma source(%arg12 : memref<125x128xf32, #tpu.memory_space<vmem>>) target(%dma_start3A_119 : memref<10000x128xf32, #tpu.memory_space<vmem_shared>>) offsets(%dma_start3A_116 : memref<125xi32, #tpu.memory_space<vmem>>) semaphore(%arg16 : memref<!tpu.dma_semaphore, #tpu.memory_space<semaphore_mem>>) {add = true}
    %dma_wait3A_120 = arith.constant 0 : i32
    %dma_wait3A_121 = arith.constant 0 : i32
    %dma_wait3A_122 = tpu.memref_slice %arg10[%dma_wait3A_120, %dma_wait3A_121] : memref<80x125xi32, #tpu.memory_space<vmem>> -> memref<1x125xi32, #tpu.memory_space<vmem>>
    %dma_wait3A_123 = tpu.memref_squeeze %dma_wait3A_122 : memref<1x125xi32, #tpu.memory_space<vmem>> -> memref<125xi32, #tpu.memory_space<vmem>>
    %dma_wait3A_124 = arith.constant 0 : i32
    %dma_wait3A_125 = arith.constant 0 : i32
    %dma_wait3A_126 = tpu.memref_slice %arg17[%dma_wait3A_124, %dma_wait3A_125] : memref<10000x128xf32, #tpu.memory_space<vmem_shared>> -> memref<10000x128xf32, #tpu.memory_space<vmem_shared>>
    tpu.wait_indirect_dma semaphore(%arg15 : memref<!tpu.dma_semaphore, #tpu.memory_space<semaphore_mem>>) src(%arg11 : memref<125x128xf32, #tpu.memory_space<vmem>>) dst(%dma_wait3A_126 : memref<10000x128xf32, #tpu.memory_space<vmem_shared>>)
    %dma_wait3A_127 = arith.constant 0 : i32
    %dma_wait3A_128 = arith.constant 0 : i32
    %dma_wait3A_129 = tpu.memref_slice %arg10[%dma_wait3A_127, %dma_wait3A_128] : memref<80x125xi32, #tpu.memory_space<vmem>> -> memref<1x125xi32, #tpu.memory_space<vmem>>
    %dma_wait3A_130 = tpu.memref_squeeze %dma_wait3A_129 : memref<1x125xi32, #tpu.memory_space<vmem>> -> memref<125xi32, #tpu.memory_space<vmem>>
    %dma_wait3A_131 = arith.constant 0 : i32
    %dma_wait3A_132 = arith.constant 0 : i32
    %dma_wait3A_133 = tpu.memref_slice %arg17[%dma_wait3A_131, %dma_wait3A_132] : memref<10000x128xf32, #tpu.memory_space<vmem_shared>> -> memref<10000x128xf32, #tpu.memory_space<vmem_shared>>
    tpu.wait_indirect_dma semaphore(%arg16 : memref<!tpu.dma_semaphore, #tpu.memory_space<semaphore_mem>>) src(%arg12 : memref<125x128xf32, #tpu.memory_space<vmem>>) dst(%dma_wait3A_133 : memref<10000x128xf32, #tpu.memory_space<vmem_shared>>)
    %barrier3A_134 = arith.constant 0 : index
    tpu.barrier barrier_id(%barrier3A_134)
    %mul3A_135 = arith.constant 624 : i32
    %mul3A_136 = arith.muli %arg1, %mul3A_135 : i32
    %mul3A_137 = arith.constant 10000 : i32
    %mul3A_138 = arith.muli %arg0, %mul3A_137 : i32
    %add3A_139 = arith.addi %mul3A_138, %mul3A_136 : i32
    "tpu.region"() ({
      %run_scoped3A = tpu.sem_alloc : memref<!tpu.dma_semaphore, #tpu.memory_space<semaphore_mem>>
      %dma_start3A_227 = arith.constant 0 : i32
      %dma_start3A_228 = tpu.memref_slice %arg7[%add3A_139, %dma_start3A_227] : memref<20000x128xf32, #tpu.memory_space<hbm>> -> memref<624x128xf32, #tpu.memory_space<hbm>>
      %dma_start3A_229 = arith.constant 0 : i32
      %dma_start3A_230 = tpu.memref_slice %arg17[%mul3A_136, %dma_start3A_229] : memref<10000x128xf32, #tpu.memory_space<vmem_shared>> -> memref<624x128xf32, #tpu.memory_space<vmem_shared>>
      tpu.enqueue_dma source(%dma_start3A_230 : memref<624x128xf32, #tpu.memory_space<vmem_shared>>) target(%dma_start3A_228 : memref<624x128xf32, #tpu.memory_space<hbm>>) target_semaphore(%run_scoped3A : memref<!tpu.dma_semaphore, #tpu.memory_space<semaphore_mem>>)
      %dma_wait3A_231 = arith.constant 0 : i32
      %dma_wait3A_232 = tpu.memref_slice %arg7[%add3A_139, %dma_wait3A_231] : memref<20000x128xf32, #tpu.memory_space<hbm>> -> memref<624x128xf32, #tpu.memory_space<hbm>>
      %dma_wait3A_233 = arith.constant 0 : i32
      %dma_wait3A_234 = tpu.memref_slice %arg17[%mul3A_136, %dma_wait3A_233] : memref<10000x128xf32, #tpu.memory_space<vmem_shared>> -> memref<624x128xf32, #tpu.memory_space<vmem_shared>>
      tpu.wait_dma2 semaphore(%run_scoped3A : memref<!tpu.dma_semaphore, #tpu.memory_space<semaphore_mem>>) src(%dma_wait3A_234 : memref<624x128xf32, #tpu.memory_space<vmem_shared>>) dst(%dma_wait3A_232 : memref<624x128xf32, #tpu.memory_space<hbm>>)
      tpu.yield
    }) : () -> ()
    %eq3A_140 = arith.constant 0 : i32
    %eq3A_141 = arith.cmpi eq, %arg1, %eq3A_140 : i32
    %convert_element_type3A_142 = arith.extui %eq3A_141 : i1 to i32
    %cond3A_143 = arith.constant 0 : i32
    %cond3A_144 = arith.cmpi ne, %convert_element_type3A_142, %cond3A_143 : i32
    scf.if %cond3A_144 {
      %mul3A_227 = arith.constant 10000 : i32
      %mul3A_228 = arith.muli %arg0, %mul3A_227 : i32
      %add3A_229 = arith.constant 9984 : i32
      %add3A_230 = arith.addi %mul3A_228, %add3A_229 : i32
      "tpu.region"() ({
        %run_scoped3A = tpu.sem_alloc : memref<!tpu.dma_semaphore, #tpu.memory_space<semaphore_mem>>
        %dma_start3A_231 = arith.constant 0 : i32
        %dma_start3A_232 = tpu.memref_slice %arg7[%add3A_230, %dma_start3A_231] : memref<20000x128xf32, #tpu.memory_space<hbm>> -> memref<16x128xf32, #tpu.memory_space<hbm>>
        %dma_start3A_233 = arith.constant 9984 : i32
        %dma_start3A_234 = arith.constant 0 : i32
        %dma_start3A_235 = tpu.memref_slice %arg17[%dma_start3A_233, %dma_start3A_234] : memref<10000x128xf32, #tpu.memory_space<vmem_shared>> -> memref<16x128xf32, #tpu.memory_space<vmem_shared>>
        tpu.enqueue_dma source(%dma_start3A_235 : memref<16x128xf32, #tpu.memory_space<vmem_shared>>) target(%dma_start3A_232 : memref<16x128xf32, #tpu.memory_space<hbm>>) target_semaphore(%run_scoped3A : memref<!tpu.dma_semaphore, #tpu.memory_space<semaphore_mem>>)
        %dma_wait3A_236 = arith.constant 0 : i32
        %dma_wait3A_237 = tpu.memref_slice %arg7[%add3A_230, %dma_wait3A_236] : memref<20000x128xf32, #tpu.memory_space<hbm>> -> memref<16x128xf32, #tpu.memory_space<hbm>>
        %dma_wait3A_238 = arith.constant 9984 : i32
        %dma_wait3A_239 = arith.constant 0 : i32
        %dma_wait3A_240 = tpu.memref_slice %arg17[%dma_wait3A_238, %dma_wait3A_239] : memref<10000x128xf32, #tpu.memory_space<vmem_shared>> -> memref<16x128xf32, #tpu.memory_space<vmem_shared>>
        tpu.wait_dma2 semaphore(%run_scoped3A : memref<!tpu.dma_semaphore, #tpu.memory_space<semaphore_mem>>) src(%dma_wait3A_240 : memref<16x128xf32, #tpu.memory_space<vmem_shared>>) dst(%dma_wait3A_237 : memref<16x128xf32, #tpu.memory_space<hbm>>)
        tpu.yield
      }) : () -> ()
    } else {
    }
    %barrier3A_145 = arith.constant 0 : index
    tpu.barrier barrier_id(%barrier3A_145)
    %mul3A_146 = arith.constant 624 : i32
    %mul3A_147 = arith.muli %arg1, %mul3A_146 : i32
    "tpu.region"() ({
      %run_scoped3A = tpu.sem_alloc : memref<!tpu.dma_semaphore, #tpu.memory_space<semaphore_mem>>
      %dma_start3A_227 = arith.constant 0 : i32
      %dma_start3A_228 = tpu.memref_slice %arg17[%mul3A_147, %dma_start3A_227] : memref<10000x128xf32, #tpu.memory_space<vmem_shared>> -> memref<624x128xf32, #tpu.memory_space<vmem_shared>>
      %dma_start3A_229 = arith.constant 0 : i32
      %dma_start3A_230 = tpu.memref_slice %arg5[%mul3A_147, %dma_start3A_229] : memref<10000x128xf32, #tpu.memory_space<hbm>> -> memref<624x128xf32, #tpu.memory_space<hbm>>
      tpu.enqueue_dma source(%dma_start3A_230 : memref<624x128xf32, #tpu.memory_space<hbm>>) target(%dma_start3A_228 : memref<624x128xf32, #tpu.memory_space<vmem_shared>>) target_semaphore(%run_scoped3A : memref<!tpu.dma_semaphore, #tpu.memory_space<semaphore_mem>>)
      %dma_wait3A_231 = arith.constant 0 : i32
      %dma_wait3A_232 = tpu.memref_slice %arg17[%mul3A_147, %dma_wait3A_231] : memref<10000x128xf32, #tpu.memory_space<vmem_shared>> -> memref<624x128xf32, #tpu.memory_space<vmem_shared>>
      %dma_wait3A_233 = arith.constant 0 : i32
      %dma_wait3A_234 = tpu.memref_slice %arg5[%mul3A_147, %dma_wait3A_233] : memref<10000x128xf32, #tpu.memory_space<hbm>> -> memref<624x128xf32, #tpu.memory_space<hbm>>
      tpu.wait_dma2 semaphore(%run_scoped3A : memref<!tpu.dma_semaphore, #tpu.memory_space<semaphore_mem>>) src(%dma_wait3A_234 : memref<624x128xf32, #tpu.memory_space<hbm>>) dst(%dma_wait3A_232 : memref<624x128xf32, #tpu.memory_space<vmem_shared>>)
      tpu.yield
    }) : () -> ()
    %eq3A_148 = arith.constant 0 : i32
    %eq3A_149 = arith.cmpi eq, %arg1, %eq3A_148 : i32
    %convert_element_type3A_150 = arith.extui %eq3A_149 : i1 to i32
    %cond3A_151 = arith.constant 0 : i32
    %cond3A_152 = arith.cmpi ne, %convert_element_type3A_150, %cond3A_151 : i32
    scf.if %cond3A_152 {
      "tpu.region"() ({
        %run_scoped3A = tpu.sem_alloc : memref<!tpu.dma_semaphore, #tpu.memory_space<semaphore_mem>>
        %dma_start3A_227 = arith.constant 9984 : i32
        %dma_start3A_228 = arith.constant 0 : i32
        %dma_start3A_229 = tpu.memref_slice %arg17[%dma_start3A_227, %dma_start3A_228] : memref<10000x128xf32, #tpu.memory_space<vmem_shared>> -> memref<16x128xf32, #tpu.memory_space<vmem_shared>>
        %dma_start3A_230 = arith.constant 9984 : i32
        %dma_start3A_231 = arith.constant 0 : i32
        %dma_start3A_232 = tpu.memref_slice %arg5[%dma_start3A_230, %dma_start3A_231] : memref<10000x128xf32, #tpu.memory_space<hbm>> -> memref<16x128xf32, #tpu.memory_space<hbm>>
        tpu.enqueue_dma source(%dma_start3A_232 : memref<16x128xf32, #tpu.memory_space<hbm>>) target(%dma_start3A_229 : memref<16x128xf32, #tpu.memory_space<vmem_shared>>) target_semaphore(%run_scoped3A : memref<!tpu.dma_semaphore, #tpu.memory_space<semaphore_mem>>)
        %dma_wait3A_233 = arith.constant 9984 : i32
        %dma_wait3A_234 = arith.constant 0 : i32
        %dma_wait3A_235 = tpu.memref_slice %arg17[%dma_wait3A_233, %dma_wait3A_234] : memref<10000x128xf32, #tpu.memory_space<vmem_shared>> -> memref<16x128xf32, #tpu.memory_space<vmem_shared>>
        %dma_wait3A_236 = arith.constant 9984 : i32
        %dma_wait3A_237 = arith.constant 0 : i32
        %dma_wait3A_238 = tpu.memref_slice %arg5[%dma_wait3A_236, %dma_wait3A_237] : memref<10000x128xf32, #tpu.memory_space<hbm>> -> memref<16x128xf32, #tpu.memory_space<hbm>>
        tpu.wait_dma2 semaphore(%run_scoped3A : memref<!tpu.dma_semaphore, #tpu.memory_space<semaphore_mem>>) src(%dma_wait3A_238 : memref<16x128xf32, #tpu.memory_space<hbm>>) dst(%dma_wait3A_235 : memref<16x128xf32, #tpu.memory_space<vmem_shared>>)
        tpu.yield
      }) : () -> ()
    } else {
    }
    "tpu.region"() ({
      %run_scoped3A = tpu.sem_alloc : memref<!tpu.dma_semaphore, #tpu.memory_space<semaphore_mem>>
      tpu.enqueue_dma source(%arg6 : memref<125x128xf32, #tpu.memory_space<hbm>>) target(%arg11 : memref<125x128xf32, #tpu.memory_space<vmem>>) target_semaphore(%run_scoped3A : memref<!tpu.dma_semaphore, #tpu.memory_space<semaphore_mem>>)
      tpu.wait_dma2 semaphore(%run_scoped3A : memref<!tpu.dma_semaphore, #tpu.memory_space<semaphore_mem>>) src(%arg6 : memref<125x128xf32, #tpu.memory_space<hbm>>) dst(%arg11 : memref<125x128xf32, #tpu.memory_space<vmem>>)
      tpu.yield
    }) : () -> ()
    %barrier3A_153 = arith.constant 0 : index
    tpu.barrier barrier_id(%barrier3A_153)
    %dma_start3A_154 = arith.constant 0 : i32
    %dma_start3A_155 = arith.constant 0 : i32
    %dma_start3A_156 = tpu.memref_slice %arg10[%dma_start3A_154, %dma_start3A_155] : memref<80x125xi32, #tpu.memory_space<vmem>> -> memref<1x125xi32, #tpu.memory_space<vmem>>
    %dma_start3A_157 = tpu.memref_squeeze %dma_start3A_156 : memref<1x125xi32, #tpu.memory_space<vmem>> -> memref<125xi32, #tpu.memory_space<vmem>>
    %dma_start3A_158 = arith.constant 0 : i32
    %dma_start3A_159 = arith.constant 0 : i32
    %dma_start3A_160 = tpu.memref_slice %arg17[%dma_start3A_158, %dma_start3A_159] : memref<10000x128xf32, #tpu.memory_space<vmem_shared>> -> memref<10000x128xf32, #tpu.memory_space<vmem_shared>>
    tpu.enqueue_indirect_dma source(%arg11 : memref<125x128xf32, #tpu.memory_space<vmem>>) target(%dma_start3A_160 : memref<10000x128xf32, #tpu.memory_space<vmem_shared>>) offsets(%dma_start3A_157 : memref<125xi32, #tpu.memory_space<vmem>>) semaphore(%arg13 : memref<!tpu.dma_semaphore, #tpu.memory_space<semaphore_mem>>) {add = true}
    %dma_start3A_161 = arith.constant 1 : i32
    %dma_start3A_162 = arith.constant 0 : i32
    %dma_start3A_163 = tpu.memref_slice %arg10[%dma_start3A_161, %dma_start3A_162] : memref<80x125xi32, #tpu.memory_space<vmem>> -> memref<1x125xi32, #tpu.memory_space<vmem>>
    %dma_start3A_164 = tpu.memref_squeeze %dma_start3A_163 : memref<1x125xi32, #tpu.memory_space<vmem>> -> memref<125xi32, #tpu.memory_space<vmem>>
    %dma_start3A_165 = arith.constant 0 : i32
    %dma_start3A_166 = arith.constant 0 : i32
    %dma_start3A_167 = tpu.memref_slice %arg17[%dma_start3A_165, %dma_start3A_166] : memref<10000x128xf32, #tpu.memory_space<vmem_shared>> -> memref<10000x128xf32, #tpu.memory_space<vmem_shared>>
    tpu.enqueue_indirect_dma source(%arg11 : memref<125x128xf32, #tpu.memory_space<vmem>>) target(%dma_start3A_167 : memref<10000x128xf32, #tpu.memory_space<vmem_shared>>) offsets(%dma_start3A_164 : memref<125xi32, #tpu.memory_space<vmem>>) semaphore(%arg14 : memref<!tpu.dma_semaphore, #tpu.memory_space<semaphore_mem>>) {add = true}
    %dma_start3A_168 = arith.constant 2 : i32
    %dma_start3A_169 = arith.constant 0 : i32
    %dma_start3A_170 = tpu.memref_slice %arg10[%dma_start3A_168, %dma_start3A_169] : memref<80x125xi32, #tpu.memory_space<vmem>> -> memref<1x125xi32, #tpu.memory_space<vmem>>
    %dma_start3A_171 = tpu.memref_squeeze %dma_start3A_170 : memref<1x125xi32, #tpu.memory_space<vmem>> -> memref<125xi32, #tpu.memory_space<vmem>>
    %dma_start3A_172 = arith.constant 0 : i32
    %dma_start3A_173 = arith.constant 0 : i32
    %dma_start3A_174 = tpu.memref_slice %arg17[%dma_start3A_172, %dma_start3A_173] : memref<10000x128xf32, #tpu.memory_space<vmem_shared>> -> memref<10000x128xf32, #tpu.memory_space<vmem_shared>>
    tpu.enqueue_indirect_dma source(%arg11 : memref<125x128xf32, #tpu.memory_space<vmem>>) target(%dma_start3A_174 : memref<10000x128xf32, #tpu.memory_space<vmem_shared>>) offsets(%dma_start3A_171 : memref<125xi32, #tpu.memory_space<vmem>>) semaphore(%arg15 : memref<!tpu.dma_semaphore, #tpu.memory_space<semaphore_mem>>) {add = true}
    %dma_start3A_175 = arith.constant 3 : i32
    %dma_start3A_176 = arith.constant 0 : i32
    %dma_start3A_177 = tpu.memref_slice %arg10[%dma_start3A_175, %dma_start3A_176] : memref<80x125xi32, #tpu.memory_space<vmem>> -> memref<1x125xi32, #tpu.memory_space<vmem>>
    %dma_start3A_178 = tpu.memref_squeeze %dma_start3A_177 : memref<1x125xi32, #tpu.memory_space<vmem>> -> memref<125xi32, #tpu.memory_space<vmem>>
    %dma_start3A_179 = arith.constant 0 : i32
    %dma_start3A_180 = arith.constant 0 : i32
    %dma_start3A_181 = tpu.memref_slice %arg17[%dma_start3A_179, %dma_start3A_180] : memref<10000x128xf32, #tpu.memory_space<vmem_shared>> -> memref<10000x128xf32, #tpu.memory_space<vmem_shared>>
    tpu.enqueue_indirect_dma source(%arg11 : memref<125x128xf32, #tpu.memory_space<vmem>>) target(%dma_start3A_181 : memref<10000x128xf32, #tpu.memory_space<vmem_shared>>) offsets(%dma_start3A_178 : memref<125xi32, #tpu.memory_space<vmem>>) semaphore(%arg16 : memref<!tpu.dma_semaphore, #tpu.memory_space<semaphore_mem>>) {add = true}
    %scan3A_182 = arith.constant 0 : i32
    %scan3A_183 = arith.constant 0 : i32
    %scan3A_184 = arith.constant 19 : i32
    %scan3A_185 = arith.addi %scan3A_183, %scan3A_184 : i32
    %scan3A_186 = arith.constant 1 : i32
    scf.for %scan3A_227 = %scan3A_183 to %scan3A_185 step %scan3A_186  : i32 {
      %dma_wait3A_228 = arith.constant 0 : i32
      %dma_wait3A_229 = arith.constant 0 : i32
      %dma_wait3A_230 = tpu.memref_slice %arg10[%dma_wait3A_228, %dma_wait3A_229] : memref<80x125xi32, #tpu.memory_space<vmem>> -> memref<1x125xi32, #tpu.memory_space<vmem>>
      %dma_wait3A_231 = tpu.memref_squeeze %dma_wait3A_230 : memref<1x125xi32, #tpu.memory_space<vmem>> -> memref<125xi32, #tpu.memory_space<vmem>>
      %dma_wait3A_232 = arith.constant 0 : i32
      %dma_wait3A_233 = arith.constant 0 : i32
      %dma_wait3A_234 = tpu.memref_slice %arg17[%dma_wait3A_232, %dma_wait3A_233] : memref<10000x128xf32, #tpu.memory_space<vmem_shared>> -> memref<10000x128xf32, #tpu.memory_space<vmem_shared>>
      tpu.wait_indirect_dma semaphore(%arg13 : memref<!tpu.dma_semaphore, #tpu.memory_space<semaphore_mem>>) src(%arg11 : memref<125x128xf32, #tpu.memory_space<vmem>>) dst(%dma_wait3A_234 : memref<10000x128xf32, #tpu.memory_space<vmem_shared>>)
      %mul3A_235 = arith.constant 4 : i32
      %mul3A_236 = arith.muli %mul3A_235, %scan3A_227 : i32
      %add3A_237 = arith.constant 4 : i32
      %add3A_238 = arith.addi %mul3A_236, %add3A_237 : i32
      %add3A_239 = arith.constant 0 : i32
      %add3A_240 = arith.addi %add3A_238, %add3A_239 : i32
      %dma_start3A_241 = arith.constant 0 : i32
      %dma_start3A_242 = tpu.memref_slice %arg10[%add3A_240, %dma_start3A_241] : memref<80x125xi32, #tpu.memory_space<vmem>> -> memref<1x125xi32, #tpu.memory_space<vmem>>
      %dma_start3A_243 = tpu.memref_squeeze %dma_start3A_242 : memref<1x125xi32, #tpu.memory_space<vmem>> -> memref<125xi32, #tpu.memory_space<vmem>>
      %dma_start3A_244 = arith.constant 0 : i32
      %dma_start3A_245 = arith.constant 0 : i32
      %dma_start3A_246 = tpu.memref_slice %arg17[%dma_start3A_244, %dma_start3A_245] : memref<10000x128xf32, #tpu.memory_space<vmem_shared>> -> memref<10000x128xf32, #tpu.memory_space<vmem_shared>>
      tpu.enqueue_indirect_dma source(%arg11 : memref<125x128xf32, #tpu.memory_space<vmem>>) target(%dma_start3A_246 : memref<10000x128xf32, #tpu.memory_space<vmem_shared>>) offsets(%dma_start3A_243 : memref<125xi32, #tpu.memory_space<vmem>>) semaphore(%arg13 : memref<!tpu.dma_semaphore, #tpu.memory_space<semaphore_mem>>) {add = true}
      %dma_wait3A_247 = arith.constant 0 : i32
      %dma_wait3A_248 = arith.constant 0 : i32
      %dma_wait3A_249 = tpu.memref_slice %arg10[%dma_wait3A_247, %dma_wait3A_248] : memref<80x125xi32, #tpu.memory_space<vmem>> -> memref<1x125xi32, #tpu.memory_space<vmem>>
      %dma_wait3A_250 = tpu.memref_squeeze %dma_wait3A_249 : memref<1x125xi32, #tpu.memory_space<vmem>> -> memref<125xi32, #tpu.memory_space<vmem>>
      %dma_wait3A_251 = arith.constant 0 : i32
      %dma_wait3A_252 = arith.constant 0 : i32
      %dma_wait3A_253 = tpu.memref_slice %arg17[%dma_wait3A_251, %dma_wait3A_252] : memref<10000x128xf32, #tpu.memory_space<vmem_shared>> -> memref<10000x128xf32, #tpu.memory_space<vmem_shared>>
      tpu.wait_indirect_dma semaphore(%arg14 : memref<!tpu.dma_semaphore, #tpu.memory_space<semaphore_mem>>) src(%arg11 : memref<125x128xf32, #tpu.memory_space<vmem>>) dst(%dma_wait3A_253 : memref<10000x128xf32, #tpu.memory_space<vmem_shared>>)
      %mul3A_254 = arith.constant 4 : i32
      %mul3A_255 = arith.muli %mul3A_254, %scan3A_227 : i32
      %add3A_256 = arith.constant 4 : i32
      %add3A_257 = arith.addi %mul3A_255, %add3A_256 : i32
      %add3A_258 = arith.constant 1 : i32
      %add3A_259 = arith.addi %add3A_257, %add3A_258 : i32
      %dma_start3A_260 = arith.constant 0 : i32
      %dma_start3A_261 = tpu.memref_slice %arg10[%add3A_259, %dma_start3A_260] : memref<80x125xi32, #tpu.memory_space<vmem>> -> memref<1x125xi32, #tpu.memory_space<vmem>>
      %dma_start3A_262 = tpu.memref_squeeze %dma_start3A_261 : memref<1x125xi32, #tpu.memory_space<vmem>> -> memref<125xi32, #tpu.memory_space<vmem>>
      %dma_start3A_263 = arith.constant 0 : i32
      %dma_start3A_264 = arith.constant 0 : i32
      %dma_start3A_265 = tpu.memref_slice %arg17[%dma_start3A_263, %dma_start3A_264] : memref<10000x128xf32, #tpu.memory_space<vmem_shared>> -> memref<10000x128xf32, #tpu.memory_space<vmem_shared>>
      tpu.enqueue_indirect_dma source(%arg11 : memref<125x128xf32, #tpu.memory_space<vmem>>) target(%dma_start3A_265 : memref<10000x128xf32, #tpu.memory_space<vmem_shared>>) offsets(%dma_start3A_262 : memref<125xi32, #tpu.memory_space<vmem>>) semaphore(%arg14 : memref<!tpu.dma_semaphore, #tpu.memory_space<semaphore_mem>>) {add = true}
      %dma_wait3A_266 = arith.constant 0 : i32
      %dma_wait3A_267 = arith.constant 0 : i32
      %dma_wait3A_268 = tpu.memref_slice %arg10[%dma_wait3A_266, %dma_wait3A_267] : memref<80x125xi32, #tpu.memory_space<vmem>> -> memref<1x125xi32, #tpu.memory_space<vmem>>
      %dma_wait3A_269 = tpu.memref_squeeze %dma_wait3A_268 : memref<1x125xi32, #tpu.memory_space<vmem>> -> memref<125xi32, #tpu.memory_space<vmem>>
      %dma_wait3A_270 = arith.constant 0 : i32
      %dma_wait3A_271 = arith.constant 0 : i32
      %dma_wait3A_272 = tpu.memref_slice %arg17[%dma_wait3A_270, %dma_wait3A_271] : memref<10000x128xf32, #tpu.memory_space<vmem_shared>> -> memref<10000x128xf32, #tpu.memory_space<vmem_shared>>
      tpu.wait_indirect_dma semaphore(%arg15 : memref<!tpu.dma_semaphore, #tpu.memory_space<semaphore_mem>>) src(%arg11 : memref<125x128xf32, #tpu.memory_space<vmem>>) dst(%dma_wait3A_272 : memref<10000x128xf32, #tpu.memory_space<vmem_shared>>)
      %mul3A_273 = arith.constant 4 : i32
      %mul3A_274 = arith.muli %mul3A_273, %scan3A_227 : i32
      %add3A_275 = arith.constant 4 : i32
      %add3A_276 = arith.addi %mul3A_274, %add3A_275 : i32
      %add3A_277 = arith.constant 2 : i32
      %add3A_278 = arith.addi %add3A_276, %add3A_277 : i32
      %dma_start3A_279 = arith.constant 0 : i32
      %dma_start3A_280 = tpu.memref_slice %arg10[%add3A_278, %dma_start3A_279] : memref<80x125xi32, #tpu.memory_space<vmem>> -> memref<1x125xi32, #tpu.memory_space<vmem>>
      %dma_start3A_281 = tpu.memref_squeeze %dma_start3A_280 : memref<1x125xi32, #tpu.memory_space<vmem>> -> memref<125xi32, #tpu.memory_space<vmem>>
      %dma_start3A_282 = arith.constant 0 : i32
      %dma_start3A_283 = arith.constant 0 : i32
      %dma_start3A_284 = tpu.memref_slice %arg17[%dma_start3A_282, %dma_start3A_283] : memref<10000x128xf32, #tpu.memory_space<vmem_shared>> -> memref<10000x128xf32, #tpu.memory_space<vmem_shared>>
      tpu.enqueue_indirect_dma source(%arg11 : memref<125x128xf32, #tpu.memory_space<vmem>>) target(%dma_start3A_284 : memref<10000x128xf32, #tpu.memory_space<vmem_shared>>) offsets(%dma_start3A_281 : memref<125xi32, #tpu.memory_space<vmem>>) semaphore(%arg15 : memref<!tpu.dma_semaphore, #tpu.memory_space<semaphore_mem>>) {add = true}
      %dma_wait3A_285 = arith.constant 0 : i32
      %dma_wait3A_286 = arith.constant 0 : i32
      %dma_wait3A_287 = tpu.memref_slice %arg10[%dma_wait3A_285, %dma_wait3A_286] : memref<80x125xi32, #tpu.memory_space<vmem>> -> memref<1x125xi32, #tpu.memory_space<vmem>>
      %dma_wait3A_288 = tpu.memref_squeeze %dma_wait3A_287 : memref<1x125xi32, #tpu.memory_space<vmem>> -> memref<125xi32, #tpu.memory_space<vmem>>
      %dma_wait3A_289 = arith.constant 0 : i32
      %dma_wait3A_290 = arith.constant 0 : i32
      %dma_wait3A_291 = tpu.memref_slice %arg17[%dma_wait3A_289, %dma_wait3A_290] : memref<10000x128xf32, #tpu.memory_space<vmem_shared>> -> memref<10000x128xf32, #tpu.memory_space<vmem_shared>>
      tpu.wait_indirect_dma semaphore(%arg16 : memref<!tpu.dma_semaphore, #tpu.memory_space<semaphore_mem>>) src(%arg11 : memref<125x128xf32, #tpu.memory_space<vmem>>) dst(%dma_wait3A_291 : memref<10000x128xf32, #tpu.memory_space<vmem_shared>>)
      %mul3A_292 = arith.constant 4 : i32
      %mul3A_293 = arith.muli %mul3A_292, %scan3A_227 : i32
      %add3A_294 = arith.constant 4 : i32
      %add3A_295 = arith.addi %mul3A_293, %add3A_294 : i32
      %add3A_296 = arith.constant 3 : i32
      %add3A_297 = arith.addi %add3A_295, %add3A_296 : i32
      %dma_start3A_298 = arith.constant 0 : i32
      %dma_start3A_299 = tpu.memref_slice %arg10[%add3A_297, %dma_start3A_298] : memref<80x125xi32, #tpu.memory_space<vmem>> -> memref<1x125xi32, #tpu.memory_space<vmem>>
      %dma_start3A_300 = tpu.memref_squeeze %dma_start3A_299 : memref<1x125xi32, #tpu.memory_space<vmem>> -> memref<125xi32, #tpu.memory_space<vmem>>
      %dma_start3A_301 = arith.constant 0 : i32
      %dma_start3A_302 = arith.constant 0 : i32
      %dma_start3A_303 = tpu.memref_slice %arg17[%dma_start3A_301, %dma_start3A_302] : memref<10000x128xf32, #tpu.memory_space<vmem_shared>> -> memref<10000x128xf32, #tpu.memory_space<vmem_shared>>
      tpu.enqueue_indirect_dma source(%arg11 : memref<125x128xf32, #tpu.memory_space<vmem>>) target(%dma_start3A_303 : memref<10000x128xf32, #tpu.memory_space<vmem_shared>>) offsets(%dma_start3A_300 : memref<125xi32, #tpu.memory_space<vmem>>) semaphore(%arg16 : memref<!tpu.dma_semaphore, #tpu.memory_space<semaphore_mem>>) {add = true}
    }
    %scan3A_187 = arith.constant 19 : i32
    %dma_wait3A_188 = arith.constant 0 : i32
    %dma_wait3A_189 = arith.constant 0 : i32
    %dma_wait3A_190 = tpu.memref_slice %arg10[%dma_wait3A_188, %dma_wait3A_189] : memref<80x125xi32, #tpu.memory_space<vmem>> -> memref<1x125xi32, #tpu.memory_space<vmem>>
    %dma_wait3A_191 = tpu.memref_squeeze %dma_wait3A_190 : memref<1x125xi32, #tpu.memory_space<vmem>> -> memref<125xi32, #tpu.memory_space<vmem>>
    %dma_wait3A_192 = arith.constant 0 : i32
    %dma_wait3A_193 = arith.constant 0 : i32
    %dma_wait3A_194 = tpu.memref_slice %arg17[%dma_wait3A_192, %dma_wait3A_193] : memref<10000x128xf32, #tpu.memory_space<vmem_shared>> -> memref<10000x128xf32, #tpu.memory_space<vmem_shared>>
    tpu.wait_indirect_dma semaphore(%arg13 : memref<!tpu.dma_semaphore, #tpu.memory_space<semaphore_mem>>) src(%arg11 : memref<125x128xf32, #tpu.memory_space<vmem>>) dst(%dma_wait3A_194 : memref<10000x128xf32, #tpu.memory_space<vmem_shared>>)
    %dma_wait3A_195 = arith.constant 0 : i32
    %dma_wait3A_196 = arith.constant 0 : i32
    %dma_wait3A_197 = tpu.memref_slice %arg10[%dma_wait3A_195, %dma_wait3A_196] : memref<80x125xi32, #tpu.memory_space<vmem>> -> memref<1x125xi32, #tpu.memory_space<vmem>>
    %dma_wait3A_198 = tpu.memref_squeeze %dma_wait3A_197 : memref<1x125xi32, #tpu.memory_space<vmem>> -> memref<125xi32, #tpu.memory_space<vmem>>
    %dma_wait3A_199 = arith.constant 0 : i32
    %dma_wait3A_200 = arith.constant 0 : i32
    %dma_wait3A_201 = tpu.memref_slice %arg17[%dma_wait3A_199, %dma_wait3A_200] : memref<10000x128xf32, #tpu.memory_space<vmem_shared>> -> memref<10000x128xf32, #tpu.memory_space<vmem_shared>>
    tpu.wait_indirect_dma semaphore(%arg14 : memref<!tpu.dma_semaphore, #tpu.memory_space<semaphore_mem>>) src(%arg11 : memref<125x128xf32, #tpu.memory_space<vmem>>) dst(%dma_wait3A_201 : memref<10000x128xf32, #tpu.memory_space<vmem_shared>>)
    %dma_wait3A_202 = arith.constant 0 : i32
    %dma_wait3A_203 = arith.constant 0 : i32
    %dma_wait3A_204 = tpu.memref_slice %arg10[%dma_wait3A_202, %dma_wait3A_203] : memref<80x125xi32, #tpu.memory_space<vmem>> -> memref<1x125xi32, #tpu.memory_space<vmem>>
    %dma_wait3A_205 = tpu.memref_squeeze %dma_wait3A_204 : memref<1x125xi32, #tpu.memory_space<vmem>> -> memref<125xi32, #tpu.memory_space<vmem>>
    %dma_wait3A_206 = arith.constant 0 : i32
    %dma_wait3A_207 = arith.constant 0 : i32
    %dma_wait3A_208 = tpu.memref_slice %arg17[%dma_wait3A_206, %dma_wait3A_207] : memref<10000x128xf32, #tpu.memory_space<vmem_shared>> -> memref<10000x128xf32, #tpu.memory_space<vmem_shared>>
    tpu.wait_indirect_dma semaphore(%arg15 : memref<!tpu.dma_semaphore, #tpu.memory_space<semaphore_mem>>) src(%arg11 : memref<125x128xf32, #tpu.memory_space<vmem>>) dst(%dma_wait3A_208 : memref<10000x128xf32, #tpu.memory_space<vmem_shared>>)
    %dma_wait3A_209 = arith.constant 0 : i32
    %dma_wait3A_210 = arith.constant 0 : i32
    %dma_wait3A_211 = tpu.memref_slice %arg10[%dma_wait3A_209, %dma_wait3A_210] : memref<80x125xi32, #tpu.memory_space<vmem>> -> memref<1x125xi32, #tpu.memory_space<vmem>>
    %dma_wait3A_212 = tpu.memref_squeeze %dma_wait3A_211 : memref<1x125xi32, #tpu.memory_space<vmem>> -> memref<125xi32, #tpu.memory_space<vmem>>
    %dma_wait3A_213 = arith.constant 0 : i32
    %dma_wait3A_214 = arith.constant 0 : i32
    %dma_wait3A_215 = tpu.memref_slice %arg17[%dma_wait3A_213, %dma_wait3A_214] : memref<10000x128xf32, #tpu.memory_space<vmem_shared>> -> memref<10000x128xf32, #tpu.memory_space<vmem_shared>>
    tpu.wait_indirect_dma semaphore(%arg16 : memref<!tpu.dma_semaphore, #tpu.memory_space<semaphore_mem>>) src(%arg11 : memref<125x128xf32, #tpu.memory_space<vmem>>) dst(%dma_wait3A_215 : memref<10000x128xf32, #tpu.memory_space<vmem_shared>>)
    %barrier3A_216 = arith.constant 0 : index
    tpu.barrier barrier_id(%barrier3A_216)
    %mul3A_217 = arith.constant 624 : i32
    %mul3A_218 = arith.muli %arg1, %mul3A_217 : i32
    %mul3A_219 = arith.constant 10000 : i32
    %mul3A_220 = arith.muli %arg0, %mul3A_219 : i32
    %add3A_221 = arith.addi %mul3A_220, %mul3A_218 : i32
    "tpu.region"() ({
      %run_scoped3A = tpu.sem_alloc : memref<!tpu.dma_semaphore, #tpu.memory_space<semaphore_mem>>
      %dma_start3A_227 = arith.constant 0 : i32
      %dma_start3A_228 = tpu.memref_slice %arg8[%add3A_221, %dma_start3A_227] : memref<20000x128xf32, #tpu.memory_space<hbm>> -> memref<624x128xf32, #tpu.memory_space<hbm>>
      %dma_start3A_229 = arith.constant 0 : i32
      %dma_start3A_230 = tpu.memref_slice %arg17[%mul3A_218, %dma_start3A_229] : memref<10000x128xf32, #tpu.memory_space<vmem_shared>> -> memref<624x128xf32, #tpu.memory_space<vmem_shared>>
      tpu.enqueue_dma source(%dma_start3A_230 : memref<624x128xf32, #tpu.memory_space<vmem_shared>>) target(%dma_start3A_228 : memref<624x128xf32, #tpu.memory_space<hbm>>) target_semaphore(%run_scoped3A : memref<!tpu.dma_semaphore, #tpu.memory_space<semaphore_mem>>)
      %dma_wait3A_231 = arith.constant 0 : i32
      %dma_wait3A_232 = tpu.memref_slice %arg8[%add3A_221, %dma_wait3A_231] : memref<20000x128xf32, #tpu.memory_space<hbm>> -> memref<624x128xf32, #tpu.memory_space<hbm>>
      %dma_wait3A_233 = arith.constant 0 : i32
      %dma_wait3A_234 = tpu.memref_slice %arg17[%mul3A_218, %dma_wait3A_233] : memref<10000x128xf32, #tpu.memory_space<vmem_shared>> -> memref<624x128xf32, #tpu.memory_space<vmem_shared>>
      tpu.wait_dma2 semaphore(%run_scoped3A : memref<!tpu.dma_semaphore, #tpu.memory_space<semaphore_mem>>) src(%dma_wait3A_234 : memref<624x128xf32, #tpu.memory_space<vmem_shared>>) dst(%dma_wait3A_232 : memref<624x128xf32, #tpu.memory_space<hbm>>)
      tpu.yield
    }) : () -> ()
    %eq3A_222 = arith.constant 0 : i32
    %eq3A_223 = arith.cmpi eq, %arg1, %eq3A_222 : i32
    %convert_element_type3A_224 = arith.extui %eq3A_223 : i1 to i32
    %cond3A_225 = arith.constant 0 : i32
    %cond3A_226 = arith.cmpi ne, %convert_element_type3A_224, %cond3A_225 : i32
    scf.if %cond3A_226 {
      %mul3A_227 = arith.constant 10000 : i32
      %mul3A_228 = arith.muli %arg0, %mul3A_227 : i32
      %add3A_229 = arith.constant 9984 : i32
      %add3A_230 = arith.addi %mul3A_228, %add3A_229 : i32
      "tpu.region"() ({
        %run_scoped3A = tpu.sem_alloc : memref<!tpu.dma_semaphore, #tpu.memory_space<semaphore_mem>>
        %dma_start3A_231 = arith.constant 0 : i32
        %dma_start3A_232 = tpu.memref_slice %arg8[%add3A_230, %dma_start3A_231] : memref<20000x128xf32, #tpu.memory_space<hbm>> -> memref<16x128xf32, #tpu.memory_space<hbm>>
        %dma_start3A_233 = arith.constant 9984 : i32
        %dma_start3A_234 = arith.constant 0 : i32
        %dma_start3A_235 = tpu.memref_slice %arg17[%dma_start3A_233, %dma_start3A_234] : memref<10000x128xf32, #tpu.memory_space<vmem_shared>> -> memref<16x128xf32, #tpu.memory_space<vmem_shared>>
        tpu.enqueue_dma source(%dma_start3A_235 : memref<16x128xf32, #tpu.memory_space<vmem_shared>>) target(%dma_start3A_232 : memref<16x128xf32, #tpu.memory_space<hbm>>) target_semaphore(%run_scoped3A : memref<!tpu.dma_semaphore, #tpu.memory_space<semaphore_mem>>)
        %dma_wait3A_236 = arith.constant 0 : i32
        %dma_wait3A_237 = tpu.memref_slice %arg8[%add3A_230, %dma_wait3A_236] : memref<20000x128xf32, #tpu.memory_space<hbm>> -> memref<16x128xf32, #tpu.memory_space<hbm>>
        %dma_wait3A_238 = arith.constant 9984 : i32
        %dma_wait3A_239 = arith.constant 0 : i32
        %dma_wait3A_240 = tpu.memref_slice %arg17[%dma_wait3A_238, %dma_wait3A_239] : memref<10000x128xf32, #tpu.memory_space<vmem_shared>> -> memref<16x128xf32, #tpu.memory_space<vmem_shared>>
        tpu.wait_dma2 semaphore(%run_scoped3A : memref<!tpu.dma_semaphore, #tpu.memory_space<semaphore_mem>>) src(%dma_wait3A_240 : memref<16x128xf32, #tpu.memory_space<vmem_shared>>) dst(%dma_wait3A_237 : memref<16x128xf32, #tpu.memory_space<hbm>>)
        tpu.yield
      }) : () -> ()
    } else {
    }
    return
  }
}

module attributes {stable_mosaic.version = 14 : i64} {
  func.func @_dense1_body(%arg0: i32, %arg1: memref<2000x128xf32, #tpu.memory_space<vmem>>, %arg2: memref<2000x128xf32, #tpu.memory_space<vmem>>, %arg3: memref<2000x128xf32, #tpu.memory_space<vmem>>, %arg4: memref<2000x128xf32, #tpu.memory_space<vmem>>, %arg5: memref<2000x128xf32, #tpu.memory_space<vmem>>, %arg6: memref<128x128xf32, #tpu.memory_space<vmem>>, %arg7: memref<128x128xf32, #tpu.memory_space<vmem>>, %arg8: memref<1x128xf32, #tpu.memory_space<vmem>>, %arg9: memref<1x128xf32, #tpu.memory_space<vmem>>, %arg10: memref<1x128xf32, #tpu.memory_space<vmem>>, %arg11: memref<2000x128xf32, #tpu.memory_space<vmem>>, %arg12: memref<2000x8xf32, #tpu.memory_space<vmem>>) attributes {dimension_semantics = [#tpu.dimension_semantics<arbitrary>], iteration_bounds = array<i64: 5>, scalar_prefetch = 0 : i64, scratch_operands = 0 : i64, tpu.core_type = #tpu.core_type<tc>, window_params = [{transform_indices = @transform_0, window_bounds = array<i64: 2000, 128>}, {transform_indices = @transform_1, window_bounds = array<i64: 2000, 128>}, {transform_indices = @transform_2, window_bounds = array<i64: 2000, 128>}, {transform_indices = @transform_3, window_bounds = array<i64: 2000, 128>}, {transform_indices = @transform_4, window_bounds = array<i64: 2000, 128>}, {pipeline_mode = #tpu.pipeline_mode<synchronous>, transform_indices = @transform_5, window_bounds = array<i64: 128, 128>}, {pipeline_mode = #tpu.pipeline_mode<synchronous>, transform_indices = @transform_6, window_bounds = array<i64: 128, 128>}, {pipeline_mode = #tpu.pipeline_mode<synchronous>, transform_indices = @transform_7, window_bounds = array<i64: 1, 128>}, {pipeline_mode = #tpu.pipeline_mode<synchronous>, transform_indices = @transform_8, window_bounds = array<i64: 1, 128>}, {pipeline_mode = #tpu.pipeline_mode<synchronous>, transform_indices = @transform_9, window_bounds = array<i64: 1, 128>}, {transform_indices = @transform_10, window_bounds = array<i64: 2000, 128>}, {transform_indices = @transform_11, window_bounds = array<i64: 2000, 8>}]} {
    %get3A = arith.constant 0 : index
    %get3A_0 = arith.constant 0 : index
    %get3A_1 = vector.load %arg1[%get3A, %get3A_0] : memref<2000x128xf32, #tpu.memory_space<vmem>>, vector<2000x128xf32>
    %get3A_2 = arith.constant 0 : index
    %get3A_3 = arith.constant 0 : index
    %get3A_4 = vector.load %arg2[%get3A_2, %get3A_3] : memref<2000x128xf32, #tpu.memory_space<vmem>>, vector<2000x128xf32>
    %add3A = arith.addf %get3A_1, %get3A_4 : vector<2000x128xf32>
    %get3A_5 = arith.constant 0 : index
    %get3A_6 = arith.constant 0 : index
    %get3A_7 = vector.load %arg3[%get3A_5, %get3A_6] : memref<2000x128xf32, #tpu.memory_space<vmem>>, vector<2000x1xf32>
    %get3A_8 = arith.constant 0 : index
    %get3A_9 = arith.constant 0 : index
    %get3A_10 = vector.load %arg4[%get3A_8, %get3A_9] : memref<2000x128xf32, #tpu.memory_space<vmem>>, vector<2000x1xf32>
    %add3A_11 = arith.addf %get3A_7, %get3A_10 : vector<2000x1xf32>
    %max3A = arith.constant 1.000000e+00 : f32
    %max3A_12 = vector.broadcast %max3A : f32 to vector<2000x1xf32>
    %max3A_13 = arith.maximumf %add3A_11, %max3A_12 : vector<2000x1xf32>
    %div3A = vector.broadcast %max3A_13 : vector<2000x1xf32> to vector<2000x128xf32>
    %div3A_14 = arith.divf %add3A, %div3A : vector<2000x128xf32>
    %get3A_15 = arith.constant 0 : index
    %get3A_16 = arith.constant 0 : index
    %get3A_17 = vector.load %arg5[%get3A_15, %get3A_16] : memref<2000x128xf32, #tpu.memory_space<vmem>>, vector<2000x128xf32>
    %get3A_18 = arith.constant 0 : index
    %get3A_19 = arith.constant 0 : index
    %get3A_20 = vector.load %arg6[%get3A_18, %get3A_19] : memref<128x128xf32, #tpu.memory_space<vmem>>, vector<128x128xf32>
    %dot_general3A = arith.constant dense<0.000000e+00> : vector<2000x128xf32>
    %dot_general3A_21 = tpu.matmul %div3A_14, %get3A_20, %dot_general3A {dimension_numbers = #tpu.dot_dimension_numbers<[1], [0], [0], [1], [0, 0, 1, 1], [], []>, precision = #tpu.contract_precision<fp32>, transpose_lhs_hint = false} : vector<2000x128xf32>, vector<128x128xf32>, vector<2000x128xf32> -> vector<2000x128xf32>
    %get3A_22 = arith.constant 0 : index
    %get3A_23 = arith.constant 0 : index
    %get3A_24 = vector.load %arg8[%get3A_22, %get3A_23] : memref<1x128xf32, #tpu.memory_space<vmem>>, vector<1x128xf32>
    %add3A_25 = vector.broadcast %get3A_24 : vector<1x128xf32> to vector<2000x128xf32>
    %add3A_26 = arith.addf %dot_general3A_21, %add3A_25 : vector<2000x128xf32>
    %get3A_27 = arith.constant 0 : index
    %get3A_28 = arith.constant 0 : index
    %get3A_29 = vector.load %arg7[%get3A_27, %get3A_28] : memref<128x128xf32, #tpu.memory_space<vmem>>, vector<128x128xf32>
    %dot_general3A_30 = arith.constant dense<0.000000e+00> : vector<2000x128xf32>
    %dot_general3A_31 = tpu.matmul %get3A_17, %get3A_29, %dot_general3A_30 {dimension_numbers = #tpu.dot_dimension_numbers<[1], [0], [0], [1], [0, 0, 1, 1], [], []>, precision = #tpu.contract_precision<fp32>, transpose_lhs_hint = false} : vector<2000x128xf32>, vector<128x128xf32>, vector<2000x128xf32> -> vector<2000x128xf32>
    %add3A_32 = arith.addf %add3A_26, %dot_general3A_31 : vector<2000x128xf32>
    %reduce_sum3A = arith.constant dense<0.000000e+00> : vector<2000xf32>
    %reduce_sum3A_33 = vector.multi_reduction <add>, %add3A_32, %reduce_sum3A [1] : vector<2000x128xf32> to vector<2000xf32>
    %broadcast_in_dim3A = vector.shape_cast %reduce_sum3A_33 : vector<2000xf32> to vector<2000x1xf32>
    %div3A_34 = arith.constant 1.280000e+02 : f32
    %div3A_35 = vector.broadcast %div3A_34 : f32 to vector<2000x1xf32>
    %div3A_36 = arith.divf %broadcast_in_dim3A, %div3A_35 : vector<2000x1xf32>
    %sub3A = vector.broadcast %div3A_36 : vector<2000x1xf32> to vector<2000x128xf32>
    %sub3A_37 = arith.subf %add3A_32, %sub3A : vector<2000x128xf32>
    %mul3A = arith.mulf %sub3A_37, %sub3A_37 : vector<2000x128xf32>
    %reduce_sum3A_38 = arith.constant dense<0.000000e+00> : vector<2000xf32>
    %reduce_sum3A_39 = vector.multi_reduction <add>, %mul3A, %reduce_sum3A_38 [1] : vector<2000x128xf32> to vector<2000xf32>
    %broadcast_in_dim3A_40 = vector.shape_cast %reduce_sum3A_39 : vector<2000xf32> to vector<2000x1xf32>
    %div3A_41 = arith.constant 1.280000e+02 : f32
    %div3A_42 = vector.broadcast %div3A_41 : f32 to vector<2000x1xf32>
    %div3A_43 = arith.divf %broadcast_in_dim3A_40, %div3A_42 : vector<2000x1xf32>
    %add3A_44 = arith.constant 9.99999974E-6 : f32
    %add3A_45 = vector.broadcast %add3A_44 : f32 to vector<2000x1xf32>
    %add3A_46 = arith.addf %div3A_43, %add3A_45 : vector<2000x1xf32>
    %rsqrt3A = math.rsqrt %add3A_46 : vector<2000x1xf32>
    %mul3A_47 = vector.broadcast %rsqrt3A : vector<2000x1xf32> to vector<2000x128xf32>
    %mul3A_48 = arith.mulf %sub3A_37, %mul3A_47 : vector<2000x128xf32>
    %get3A_49 = arith.constant 0 : index
    %get3A_50 = arith.constant 0 : index
    %get3A_51 = vector.load %arg9[%get3A_49, %get3A_50] : memref<1x128xf32, #tpu.memory_space<vmem>>, vector<1x128xf32>
    %mul3A_52 = vector.broadcast %get3A_51 : vector<1x128xf32> to vector<2000x128xf32>
    %mul3A_53 = arith.mulf %mul3A_48, %mul3A_52 : vector<2000x128xf32>
    %get3A_54 = arith.constant 0 : index
    %get3A_55 = arith.constant 0 : index
    %get3A_56 = vector.load %arg10[%get3A_54, %get3A_55] : memref<1x128xf32, #tpu.memory_space<vmem>>, vector<1x128xf32>
    %add3A_57 = vector.broadcast %get3A_56 : vector<1x128xf32> to vector<2000x128xf32>
    %add3A_58 = arith.addf %mul3A_53, %add3A_57 : vector<2000x128xf32>
    %max3A_59 = arith.constant 0.000000e+00 : f32
    %max3A_60 = vector.broadcast %max3A_59 : f32 to vector<2000x128xf32>
    %max3A_61 = arith.maximumf %add3A_58, %max3A_60 : vector<2000x128xf32>
    %add3A_62 = arith.addf %max3A_61, %get3A_17 : vector<2000x128xf32>
    %swap3A = arith.constant 0 : index
    %swap3A_63 = arith.constant 0 : index
    %swap3A_64 = vector.load %arg11[%swap3A, %swap3A_63] : memref<2000x128xf32, #tpu.memory_space<vmem>>, vector<2000x128xf32>
    tpu.vector_store %arg11[%swap3A, %swap3A_63], %add3A_62 {strides = array<i32>} : memref<2000x128xf32, #tpu.memory_space<vmem>>, vector<2000x128xf32>,
    %broadcast_in_dim3A_65 = vector.shape_cast %max3A_13 : vector<2000x1xf32> to vector<2000x1xf32>
    %broadcast_in_dim3A_66 = vector.broadcast %broadcast_in_dim3A_65 : vector<2000x1xf32> to vector<2000x8xf32>
    %swap3A_67 = arith.constant 0 : index
    %swap3A_68 = arith.constant 0 : index
    %swap3A_69 = vector.load %arg12[%swap3A_67, %swap3A_68] : memref<2000x8xf32, #tpu.memory_space<vmem>>, vector<2000x8xf32>
    tpu.vector_store %arg12[%swap3A_67, %swap3A_68], %broadcast_in_dim3A_66 {strides = array<i32>} : memref<2000x8xf32, #tpu.memory_space<vmem>>, vector<2000x8xf32>,
    return
  }
  func.func @transform_0(%arg0: i32) -> (i32, i32) {
    %c0_i32 = arith.constant 0 : i32
    %c0_i32_0 = arith.constant 0 : i32
    return %arg0, %c0_i32 : i32, i32
  }
  func.func @transform_1(%arg0: i32) -> (i32, i32) {
    %add3A = arith.constant 5 : i32
    %add3A_0 = arith.addi %add3A, %arg0 : i32
    %c0_i32 = arith.constant 0 : i32
    %c0_i32_1 = arith.constant 0 : i32
    return %add3A_0, %c0_i32 : i32, i32
  }
  func.func @transform_2(%arg0: i32) -> (i32, i32) {
    %c0_i32 = arith.constant 0 : i32
    %c0_i32_0 = arith.constant 0 : i32
    return %arg0, %c0_i32 : i32, i32
  }
  func.func @transform_3(%arg0: i32) -> (i32, i32) {
    %add3A = arith.constant 5 : i32
    %add3A_0 = arith.addi %add3A, %arg0 : i32
    %c0_i32 = arith.constant 0 : i32
    %c0_i32_1 = arith.constant 0 : i32
    return %add3A_0, %c0_i32 : i32, i32
  }
  func.func @transform_4(%arg0: i32) -> (i32, i32) {
    %c0_i32 = arith.constant 0 : i32
    %c0_i32_0 = arith.constant 0 : i32
    return %arg0, %c0_i32 : i32, i32
  }
  func.func @transform_5(%arg0: i32) -> (i32, i32) {
    %c0_i32 = arith.constant 0 : i32
    %c0_i32_0 = arith.constant 0 : i32
    %c0_i32_1 = arith.constant 0 : i32
    return %c0_i32, %c0_i32_0 : i32, i32
  }
  func.func @transform_6(%arg0: i32) -> (i32, i32) {
    %c0_i32 = arith.constant 0 : i32
    %c0_i32_0 = arith.constant 0 : i32
    %c0_i32_1 = arith.constant 0 : i32
    return %c0_i32, %c0_i32_0 : i32, i32
  }
  func.func @transform_7(%arg0: i32) -> (i32, i32) {
    %c0_i32 = arith.constant 0 : i32
    %c0_i32_0 = arith.constant 0 : i32
    %c0_i32_1 = arith.constant 0 : i32
    return %c0_i32, %c0_i32_0 : i32, i32
  }
  func.func @transform_8(%arg0: i32) -> (i32, i32) {
    %c0_i32 = arith.constant 0 : i32
    %c0_i32_0 = arith.constant 0 : i32
    %c0_i32_1 = arith.constant 0 : i32
    return %c0_i32, %c0_i32_0 : i32, i32
  }
  func.func @transform_9(%arg0: i32) -> (i32, i32) {
    %c0_i32 = arith.constant 0 : i32
    %c0_i32_0 = arith.constant 0 : i32
    %c0_i32_1 = arith.constant 0 : i32
    return %c0_i32, %c0_i32_0 : i32, i32
  }
  func.func @transform_10(%arg0: i32) -> (i32, i32) {
    %c0_i32 = arith.constant 0 : i32
    %c0_i32_0 = arith.constant 0 : i32
    return %arg0, %c0_i32 : i32, i32
  }
  func.func @transform_11(%arg0: i32) -> (i32, i32) {
    %c0_i32 = arith.constant 0 : i32
    %c0_i32_0 = arith.constant 0 : i32
    return %arg0, %c0_i32 : i32, i32
  }
}

module attributes {stable_mosaic.version = 14 : i64} {
  func.func @_dense2_body(%arg0: i32, %arg1: memref<2000x128xf32, #tpu.memory_space<vmem>>, %arg2: memref<2000x128xf32, #tpu.memory_space<vmem>>, %arg3: memref<2000x8xf32, #tpu.memory_space<vmem>>, %arg4: memref<2000x128xf32, #tpu.memory_space<vmem>>, %arg5: memref<128x128xf32, #tpu.memory_space<vmem>>, %arg6: memref<128x128xf32, #tpu.memory_space<vmem>>, %arg7: memref<1x128xf32, #tpu.memory_space<vmem>>, %arg8: memref<1x128xf32, #tpu.memory_space<vmem>>, %arg9: memref<1x128xf32, #tpu.memory_space<vmem>>, %arg10: memref<2000x128xf32, #tpu.memory_space<vmem>>) attributes {dimension_semantics = [#tpu.dimension_semantics<arbitrary>], iteration_bounds = array<i64: 5>, scalar_prefetch = 0 : i64, scratch_operands = 0 : i64, tpu.core_type = #tpu.core_type<tc>, window_params = [{transform_indices = @transform_0, window_bounds = array<i64: 2000, 128>}, {transform_indices = @transform_1, window_bounds = array<i64: 2000, 128>}, {transform_indices = @transform_2, window_bounds = array<i64: 2000, 8>}, {transform_indices = @transform_3, window_bounds = array<i64: 2000, 128>}, {pipeline_mode = #tpu.pipeline_mode<synchronous>, transform_indices = @transform_4, window_bounds = array<i64: 128, 128>}, {pipeline_mode = #tpu.pipeline_mode<synchronous>, transform_indices = @transform_5, window_bounds = array<i64: 128, 128>}, {pipeline_mode = #tpu.pipeline_mode<synchronous>, transform_indices = @transform_6, window_bounds = array<i64: 1, 128>}, {pipeline_mode = #tpu.pipeline_mode<synchronous>, transform_indices = @transform_7, window_bounds = array<i64: 1, 128>}, {pipeline_mode = #tpu.pipeline_mode<synchronous>, transform_indices = @transform_8, window_bounds = array<i64: 1, 128>}, {transform_indices = @transform_9, window_bounds = array<i64: 2000, 128>}]} {
    %get3A = arith.constant 0 : index
    %get3A_0 = arith.constant 0 : index
    %get3A_1 = vector.load %arg1[%get3A, %get3A_0] : memref<2000x128xf32, #tpu.memory_space<vmem>>, vector<2000x128xf32>
    %get3A_2 = arith.constant 0 : index
    %get3A_3 = arith.constant 0 : index
    %get3A_4 = vector.load %arg2[%get3A_2, %get3A_3] : memref<2000x128xf32, #tpu.memory_space<vmem>>, vector<2000x128xf32>
    %add3A = arith.addf %get3A_1, %get3A_4 : vector<2000x128xf32>
    %get3A_5 = arith.constant 0 : index
    %get3A_6 = arith.constant 0 : index
    %get3A_7 = vector.load %arg3[%get3A_5, %get3A_6] : memref<2000x8xf32, #tpu.memory_space<vmem>>, vector<2000x1xf32>
    %div3A = vector.broadcast %get3A_7 : vector<2000x1xf32> to vector<2000x128xf32>
    %div3A_8 = arith.divf %add3A, %div3A : vector<2000x128xf32>
    %get3A_9 = arith.constant 0 : index
    %get3A_10 = arith.constant 0 : index
    %get3A_11 = vector.load %arg4[%get3A_9, %get3A_10] : memref<2000x128xf32, #tpu.memory_space<vmem>>, vector<2000x128xf32>
    %get3A_12 = arith.constant 0 : index
    %get3A_13 = arith.constant 0 : index
    %get3A_14 = vector.load %arg5[%get3A_12, %get3A_13] : memref<128x128xf32, #tpu.memory_space<vmem>>, vector<128x128xf32>
    %dot_general3A = arith.constant dense<0.000000e+00> : vector<2000x128xf32>
    %dot_general3A_15 = tpu.matmul %div3A_8, %get3A_14, %dot_general3A {dimension_numbers = #tpu.dot_dimension_numbers<[1], [0], [0], [1], [0, 0, 1, 1], [], []>, precision = #tpu.contract_precision<fp32>, transpose_lhs_hint = false} : vector<2000x128xf32>, vector<128x128xf32>, vector<2000x128xf32> -> vector<2000x128xf32>
    %get3A_16 = arith.constant 0 : index
    %get3A_17 = arith.constant 0 : index
    %get3A_18 = vector.load %arg7[%get3A_16, %get3A_17] : memref<1x128xf32, #tpu.memory_space<vmem>>, vector<1x128xf32>
    %add3A_19 = vector.broadcast %get3A_18 : vector<1x128xf32> to vector<2000x128xf32>
    %add3A_20 = arith.addf %dot_general3A_15, %add3A_19 : vector<2000x128xf32>
    %get3A_21 = arith.constant 0 : index
    %get3A_22 = arith.constant 0 : index
    %get3A_23 = vector.load %arg6[%get3A_21, %get3A_22] : memref<128x128xf32, #tpu.memory_space<vmem>>, vector<128x128xf32>
    %dot_general3A_24 = arith.constant dense<0.000000e+00> : vector<2000x128xf32>
    %dot_general3A_25 = tpu.matmul %get3A_11, %get3A_23, %dot_general3A_24 {dimension_numbers = #tpu.dot_dimension_numbers<[1], [0], [0], [1], [0, 0, 1, 1], [], []>, precision = #tpu.contract_precision<fp32>, transpose_lhs_hint = false} : vector<2000x128xf32>, vector<128x128xf32>, vector<2000x128xf32> -> vector<2000x128xf32>
    %add3A_26 = arith.addf %add3A_20, %dot_general3A_25 : vector<2000x128xf32>
    %reduce_sum3A = arith.constant dense<0.000000e+00> : vector<2000xf32>
    %reduce_sum3A_27 = vector.multi_reduction <add>, %add3A_26, %reduce_sum3A [1] : vector<2000x128xf32> to vector<2000xf32>
    %broadcast_in_dim3A = vector.shape_cast %reduce_sum3A_27 : vector<2000xf32> to vector<2000x1xf32>
    %div3A_28 = arith.constant 1.280000e+02 : f32
    %div3A_29 = vector.broadcast %div3A_28 : f32 to vector<2000x1xf32>
    %div3A_30 = arith.divf %broadcast_in_dim3A, %div3A_29 : vector<2000x1xf32>
    %sub3A = vector.broadcast %div3A_30 : vector<2000x1xf32> to vector<2000x128xf32>
    %sub3A_31 = arith.subf %add3A_26, %sub3A : vector<2000x128xf32>
    %mul3A = arith.mulf %sub3A_31, %sub3A_31 : vector<2000x128xf32>
    %reduce_sum3A_32 = arith.constant dense<0.000000e+00> : vector<2000xf32>
    %reduce_sum3A_33 = vector.multi_reduction <add>, %mul3A, %reduce_sum3A_32 [1] : vector<2000x128xf32> to vector<2000xf32>
    %broadcast_in_dim3A_34 = vector.shape_cast %reduce_sum3A_33 : vector<2000xf32> to vector<2000x1xf32>
    %div3A_35 = arith.constant 1.280000e+02 : f32
    %div3A_36 = vector.broadcast %div3A_35 : f32 to vector<2000x1xf32>
    %div3A_37 = arith.divf %broadcast_in_dim3A_34, %div3A_36 : vector<2000x1xf32>
    %add3A_38 = arith.constant 9.99999974E-6 : f32
    %add3A_39 = vector.broadcast %add3A_38 : f32 to vector<2000x1xf32>
    %add3A_40 = arith.addf %div3A_37, %add3A_39 : vector<2000x1xf32>
    %rsqrt3A = math.rsqrt %add3A_40 : vector<2000x1xf32>
    %mul3A_41 = vector.broadcast %rsqrt3A : vector<2000x1xf32> to vector<2000x128xf32>
    %mul3A_42 = arith.mulf %sub3A_31, %mul3A_41 : vector<2000x128xf32>
    %get3A_43 = arith.constant 0 : index
    %get3A_44 = arith.constant 0 : index
    %get3A_45 = vector.load %arg8[%get3A_43, %get3A_44] : memref<1x128xf32, #tpu.memory_space<vmem>>, vector<1x128xf32>
    %mul3A_46 = vector.broadcast %get3A_45 : vector<1x128xf32> to vector<2000x128xf32>
    %mul3A_47 = arith.mulf %mul3A_42, %mul3A_46 : vector<2000x128xf32>
    %get3A_48 = arith.constant 0 : index
    %get3A_49 = arith.constant 0 : index
    %get3A_50 = vector.load %arg9[%get3A_48, %get3A_49] : memref<1x128xf32, #tpu.memory_space<vmem>>, vector<1x128xf32>
    %add3A_51 = vector.broadcast %get3A_50 : vector<1x128xf32> to vector<2000x128xf32>
    %add3A_52 = arith.addf %mul3A_47, %add3A_51 : vector<2000x128xf32>
    %add3A_53 = arith.addf %add3A_52, %get3A_11 : vector<2000x128xf32>
    %swap3A = arith.constant 0 : index
    %swap3A_54 = arith.constant 0 : index
    %swap3A_55 = vector.load %arg10[%swap3A, %swap3A_54] : memref<2000x128xf32, #tpu.memory_space<vmem>>, vector<2000x128xf32>
    tpu.vector_store %arg10[%swap3A, %swap3A_54], %add3A_53 {strides = array<i32>} : memref<2000x128xf32, #tpu.memory_space<vmem>>, vector<2000x128xf32>,
    return
  }
  func.func @transform_0(%arg0: i32) -> (i32, i32) {
    %c0_i32 = arith.constant 0 : i32
    %c0_i32_0 = arith.constant 0 : i32
    return %arg0, %c0_i32 : i32, i32
  }
  func.func @transform_1(%arg0: i32) -> (i32, i32) {
    %add3A = arith.constant 5 : i32
    %add3A_0 = arith.addi %add3A, %arg0 : i32
    %c0_i32 = arith.constant 0 : i32
    %c0_i32_1 = arith.constant 0 : i32
    return %add3A_0, %c0_i32 : i32, i32
  }
  func.func @transform_2(%arg0: i32) -> (i32, i32) {
    %c0_i32 = arith.constant 0 : i32
    %c0_i32_0 = arith.constant 0 : i32
    return %arg0, %c0_i32 : i32, i32
  }
  func.func @transform_3(%arg0: i32) -> (i32, i32) {
    %c0_i32 = arith.constant 0 : i32
    %c0_i32_0 = arith.constant 0 : i32
    return %arg0, %c0_i32 : i32, i32
  }
  func.func @transform_4(%arg0: i32) -> (i32, i32) {
    %c0_i32 = arith.constant 0 : i32
    %c0_i32_0 = arith.constant 0 : i32
    %c0_i32_1 = arith.constant 0 : i32
    return %c0_i32, %c0_i32_0 : i32, i32
  }
  func.func @transform_5(%arg0: i32) -> (i32, i32) {
    %c0_i32 = arith.constant 0 : i32
    %c0_i32_0 = arith.constant 0 : i32
    %c0_i32_1 = arith.constant 0 : i32
    return %c0_i32, %c0_i32_0 : i32, i32
  }
  func.func @transform_6(%arg0: i32) -> (i32, i32) {
    %c0_i32 = arith.constant 0 : i32
    %c0_i32_0 = arith.constant 0 : i32
    %c0_i32_1 = arith.constant 0 : i32
    return %c0_i32, %c0_i32_0 : i32, i32
  }
  func.func @transform_7(%arg0: i32) -> (i32, i32) {
    %c0_i32 = arith.constant 0 : i32
    %c0_i32_0 = arith.constant 0 : i32
    %c0_i32_1 = arith.constant 0 : i32
    return %c0_i32, %c0_i32_0 : i32, i32
  }
  func.func @transform_8(%arg0: i32) -> (i32, i32) {
    %c0_i32 = arith.constant 0 : i32
    %c0_i32_0 = arith.constant 0 : i32
    %c0_i32_1 = arith.constant 0 : i32
    return %c0_i32, %c0_i32_0 : i32, i32
  }
  func.func @transform_9(%arg0: i32) -> (i32, i32) {
    %c0_i32 = arith.constant 0 : i32
    %c0_i32_0 = arith.constant 0 : i32
    return %arg0, %c0_i32 : i32, i32
  }
}

</mosaic_0001>

<sc_bundles>
// kernel: kernel.6.cloned.1.call-start
scs
__scs_entry_jumppad:
0x0: {  	(pc) =	sbr.rel $0x88, $3  }
0x1: {  	(tag) =	ssettag $0x0;
	lr =	simm.s32 $0x1  }
0x2: {  	[smem:$0x3F95] =	sst lr;
	_ =	strace $0xD0000000  }
0x3: {  	_ = 	snop  }
0x4: {  	_ = 	snop  }
0x5: {  	_ = 	snop  }
0x6: {  	_ = 	snop  }
0x7: {  	_ = 	snop  }
__scs_overlays_trampoline_lowered:
0x8: {  	[smem:$0x3FA4] =	sst s0  }
0x9: {  	[smem:$0x3FA5] =	sst s1  }
0xa: {  	[smem:$0x3FA6] =	sst s2  }
0xb: {  	[smem:$0x3FA7] =	sst s3  }
0xc: {  	[smem:$0x3FA8] =	sst s4  }
0xd: {  	[smem:$0x3FA9] =	sst s5  }
0xe: {  	[smem:$0x3FAA] =	sst s6  }
0xf: {  	[smem:$0x3FAB] =	sst s7  }
0x10: {  	[smem:$0x3FAC] =	sst s8  }
0x11: {  	[smem:$0x3FAD] =	sst s9;
	s0 =	simm.s32 @!p0 $0x0  }
0x12: {  	s1 =	sld [smem:$0x3F93];
	s0 =	simm.s32 @p0 $0x1  }
0x13: {  	[smem:$0x3FAE] =	sst s0;
	s0 =	simm.s32 @!p1 $0x0  }
0x14: {  	s2 =	sld [smem:$0x3F92];
	s0 =	simm.s32 @p1 $0x1  }
0x15: {  	[smem:$0x3FAF] =	sst s0;
	s0 =	simm.s32 @!p2 $0x0  }
0x16: {  	s3 =	sld [smem:$0x3FDB];
	s0 =	simm.s32 @p2 $0x1  }
0x17: {  	s4 =	simm.s32 $0x1BF5;
	[smem:$0x3FB1] =	sst s0  }
0x18: {  	s0 =	sld [smem:$0x3F94];
	_ =	swait.ge [sflag:s4], $0x0  }
0x19: {  	s7 =	sld [smem:$0x3F95]  }
0x1a: {  	s8 =	sadd.s32 $0xFFFFE003, lr  }
0x1b: {  	s9 =	sadd.s32 $0xFFFFFEF7, lr;
	s5 =	simm.s32 $0xFFFFFFFF;
	p2 =	slt.u32 s8, $0xFFFFF086  }
0x1c: {  	p1 =	slt.u32 s9, $0xF7A;
	s5 =	simm.s32 @!p2 $0x0  }
0x1d: {  	s5 =	simm.s32 @p1 $0x1;
	p0 =	seq.s32 s7, s2  }
0x1e: {  	s7 =	smul.u32 @!p0 $0xF7A, s2;
	p2 =	seq.s32 @!p0 s5, $0x0  }
0x1f: {  	s9 =	smul.u32 $0xF7A, s1;
	s8 =	simm.s32 @!p0 $0x1BF5;
	p2 =	por !p2, p0  }
0x20: {  	[sflag:s8] =	ssyncset.s32 @!p0 $0xFFFFF086;
	s6 =	sadd.s32 @!p0 s3, s7;
	s7 =	simm.s32 @!p0 $0x108  }
0x21: {  	s3 =	sadd.s32 s3, s9;
	s6 =	sadd.s32 @!p0 $0x88, s6;
	s7 =	simm.s32 @p2 $0x1082  }
0x22: {  	[simem:s7], [sflag:s8] =	dma.local @!p0 [hbm:s6], $0xF7A  }
0x23: {  	s9 =	sor.u32 $0xD0000000, s2;
	s6 =	simm.s32 $0x108;
	_ =	swait.ge @!p0 [sflag:s8], $0x0  }
0x24: {  	s3 =	sadd.s32 $0x88, s3;
	s6 =	simm.s32 @!p1 $0x1082;
	[sflag:s4] =	ssyncset.s32 $0xFFFFF086  }
0x25: {  	[simem:s6], [sflag:s4] =	dma.local [hbm:s3], $0xF7A  }
0x26: {  	[smem:$0x3F95] =	sst s1;
	(tag) =	ssettag s2;
	_ =	strace s9  }
0x27: {  	s1 =	sld [smem:$0x3FA5]  }
0x28: {  	s2 =	sld [smem:$0x3FA6]  }
0x29: {  	s4 =	sld [smem:$0x3FA8]  }
0x2a: {  	p0 =	seq.s32 s5, $0x0;
	s5 =	sld [smem:$0x3FA9]  }
0x2b: {  	s6 =	sld [smem:$0x3FAA]  }
0x2c: {  	s7 =	sld [smem:$0x3FAB]  }
0x2d: {  	s3 =	simm.s32 $0x108;
	s8 =	sld [smem:$0x3FAC]  }
0x2e: {  	s3 =	simm.s32 @!p0 $0x1082;
	s9 =	sld [smem:$0x3FAD]  }
0x2f: {  	lr =	sadd.s32 s0, s3;
	s0 =	sld [smem:$0x3FA4]  }
0x30: {  	s3 =	sld [smem:$0x3FA7]  }
0x31: {  	[smem:$0x3FB0] =	sst s10  }
0x32: {  	s10 =	sld [smem:$0x3FAE];
	_ =	sdelay $0x3  }
0x33: {  	p0 =	seq.s32 s10, $0x1;
	s10 =	sld [smem:$0x3FB0];
	_ =	sdelay $0x3  }
0x34: {  	[smem:$0x3FB0] =	sst s10  }
0x35: {  	s10 =	sld [smem:$0x3FAF];
	_ =	sdelay $0x3  }
0x36: {  	p1 =	seq.s32 s10, $0x1;
	s10 =	sld [smem:$0x3FB0];
	_ =	sdelay $0x3  }
0x37: {  	[smem:$0x3FB0] =	sst s10  }
0x38: {  	s10 =	sld [smem:$0x3FB1]  }
0x39: {  	_ = 	snop;
	(pc) =	sbr.ind lr, $3  }
0x3a: {  	_ = 	snop  }
0x3b: {  	_ = 	snop  }
0x3c: {  	p2 =	seq.s32 s10, $0x1;
	s10 =	sld [smem:$0x3FB0]  }
0x3d: {  	_ =	shalt  }
0x3e: {  	_ =	shalt  }
0x3f: {  	_ =	shalt  }
0x40: {  	_ =	shalt  }
0x41: {  	_ =	shalt  }
0x42: {  	_ =	shalt  }
0x43: {  	_ =	shalt  }
0x44: {  	_ =	shalt  }
0x45: {  	_ =	shalt  }
0x46: {  	_ =	shalt  }
0x47: {  	_ =	shalt  }
0x48: {  	_ =	shalt  }
0x49: {  	_ =	shalt  }
0x4a: {  	_ =	shalt  }
0x4b: {  	_ =	shalt  }
0x4c: {  	_ =	shalt  }
0x4d: {  	_ =	shalt  }
0x4e: {  	_ =	shalt  }
0x4f: {  	_ =	shalt  }
0x50: {  	_ =	shalt  }
0x51: {  	_ =	shalt  }
0x52: {  	_ =	shalt  }
0x53: {  	_ =	shalt  }
0x54: {  	_ =	shalt  }
0x55: {  	_ =	shalt  }
0x56: {  	_ =	shalt  }
0x57: {  	_ =	shalt  }
0x58: {  	_ =	shalt  }
0x59: {  	_ =	shalt  }
0x5a: {  	_ =	shalt  }
0x5b: {  	_ =	shalt  }
0x5c: {  	_ =	shalt  }
0x5d: {  	_ =	shalt  }
0x5e: {  	_ =	shalt  }
0x5f: {  	_ =	shalt  }
0x60: {  	_ =	shalt  }
0x61: {  	_ =	shalt  }
0x62: {  	_ =	shalt  }
0x63: {  	_ =	shalt  }
0x64: {  	_ =	shalt  }
0x65: {  	_ =	shalt  }
0x66: {  	_ =	shalt  }
0x67: {  	_ =	shalt  }
0x68: {  	_ =	shalt  }
0x69: {  	_ =	shalt  }
0x6a: {  	_ =	shalt  }
0x6b: {  	_ =	shalt  }
0x6c: {  	_ =	shalt  }
0x6d: {  	_ =	shalt  }
0x6e: {  	_ =	shalt  }
0x6f: {  	_ =	shalt  }
0x70: {  	_ =	shalt  }
0x71: {  	_ =	shalt  }
0x72: {  	_ =	shalt  }
0x73: {  	_ =	shalt  }
0x74: {  	_ =	shalt  }
0x75: {  	_ =	shalt  }
0x76: {  	_ =	shalt  }
0x77: {  	_ =	shalt  }
0x78: {  	_ =	shalt  }
0x79: {  	_ =	shalt  }
0x7a: {  	_ =	shalt  }
0x7b: {  	_ =	shalt  }
0x7c: {  	_ =	shalt  }
0x7d: {  	_ =	shalt  }
0x7e: {  	_ =	shalt  }
0x7f: {  	_ =	shalt  }
0x80: {  	_ =	shalt  }
0x81: {  	_ =	shalt  }
0x82: {  	_ =	shalt  }
0x83: {  	_ =	shalt  }
0x84: {  	_ =	shalt  }
0x85: {  	_ =	shalt  }
0x86: {  	_ =	shalt  }
0x87: {  	_ =	shalt  }
.Lfunc_end0:
.L_simem_size_0:
called_computation_lowered:
.L_overlay_start_0:
0x88: {  	s2 =	sld [smem:$0x3FD9]  }
0x89: {  	s3 =	sld [smem:$0x3FFE];
	_ =	sdelay $0x1  }
0x8a: {  	s1 =	srdreg.scid  }
0x8b: {  	s0 =	sand.u32 $0x1, s1  }
0x8c: {  	s17 =	sshll.u32 s0, $0xA;
	s2 =	sadd.s32 s3, s2  }
0x8d: {  	s2 =	sadd.s32 s2, s17  }
0x8e: {  	[smem:$0x3FBC] =	sst s2  }
0x8f: {  	_ = 	snop  }
0x90: {  	s2 =	sld [smem:$0x3FC9]  }
0x91: {  	s18 =	sld [smem:$0x3FD0];
	(tm) =	ssettm $0x1  }
0x92: {  	s4 =	sld [smem:$0x3FFB];
	_ =	sdelay $0x3  }
0x93: {  	_ =	strace s4  }
0x94: {  	s4 =	sld [smem:$0x3FFC];
	_ =	sdelay $0x3  }
0x95: {  	_ =	strace s4  }
0x96: {  	s4 =	sld [smem:$0x3FFD];
	_ =	sdelay $0x3  }
0x97: {  	_ =	strace s4  }
0x98: {  	_ =	strace $0x8FFFFFFF  }
0x99: {  	s19 =	sld [smem:$0x3FDB];
	_ =	sdelay $0x1  }
0x9a: {  	s5 =	simm.s32 $_scs_section_size  }
0x9b: {  	s6 =	simm.s32 $_size__tile_overlayer_lowered;
	s7 =	simm.s32 $_tile_overlayer_lowered  }
0x9c: {  	s22 =	simm.s32 $0x1BFF;
	s21 =	sshll.u32 s7, $0x1;
	s4 =	sadd.s32 s5, s19  }
0x9d: {  	s8 =	simm.s32 $0x0;
	s20 =	sshll.u32 s6, $0x1;
	s6 =	sadd.s32 s21, s4  }
0x9e: {  	[timem:s8], [sflag:s22] =	dma.local [hbm:s6], s20  }
0x9f: {  	_ =	swait.ge [sflag:s22], s20  }
0xa0: {  	s5 =	ssub.s32 $0x0, s20;
	[sflag:s22] =	ssyncset.done $0x0  }
0xa1: {  	[sflag:s22] =	ssyncadd.s32 s5;
	_ =	sdelay $0x1  }
0xa2: {  	s23 =	simm.s32 $0x1B8B  }
0xa3: {  	_ =	swait.ge [sflag:s23], $0x1  }
0xa4: {  	[sflag:s23] =	ssyncset.done $0x0  }
0xa5: {  	s25 =	simm.s32 $0x1B8E;
	s24 =	sld [smem:$0x3FFE];
	[sflag:s23] =	ssyncadd.s32 $0xFFFFFFFF  }
0xa6: {  	s26 =	simm.s32 $execute0_lowered;
	[smem:$0x3FD2] =	sst s25  }
0xa7: {  	s6 =	sshll.u32 s26, $0x1;
	_ =	strace $0x80000046;
	[dreg:$0x1] =	wrdreg $0xFFFFFFFF  }
0xa8: {  	s28 =	simm.s32 $_size_execute0_lowered;
	s4 =	sadd.s32 s4, s6;
	[dreg:$0x0] =	wrdreg $0x0  }
0xa9: {  	s6 =	sshll.u32 s28, $0x1;
	[dreg:$0x2] =	wrdreg s4  }
0xaa: {  	[dreg:$0x3] =	wrdreg s6  }
0xab: {  	[dreg:$0x4] =	wrdreg $0xC0  }
0xac: {  	_ =	task [dreg:s8], $0x5FFFF  }
0xad: {  	[dreg:$0x1] =	wrdreg $0xFFFFFFFF  }
0xae: {  	[dreg:$0x0] =	wrdreg $0x60  }
0xaf: {  	[dreg:$0x2] =	wrdreg s2  }
0xb0: {  	[dreg:$0x3] =	wrdreg s24  }
0xb1: {  	[dreg:$0x4] =	wrdreg s18  }
0xb2: {  	[dreg:$0x5] =	wrdreg $0xBC000  }
0xb3: {  	[dreg:$0x6] =	wrdreg $0x9  }
0xb4: {  	_ =	task.clear_ibuf [dreg:s8], $0x7FFFF;
	_ =	strace $0x90000046  }
0xb5: {  	s29 =	simm.s32 $0x9;
	_ =	strace $0x80000048  }
0xb6: {  	_ =	swait.ge [sflag:s29], $0x1  }
0xb7: {  	[sflag:s29] =	ssyncadd.s32 $0xFFFFFFFF  }
0xb8: {  	_ =	strace $0x90000048  }
0xb9: {  	_ =	sfence  }
0xba: {  	s30 =	sld [smem:$0x0];
	_ =	sdelay $0x2  }
0xbb: {  	s31 =	sshll.u32 s1, $0xD;
	s1 =	sshrl.u32 s1, $0x2  }
0xbc: {  	s3 =	sand.u32 $0x4000, s31;
	s1 =	sadd.s32 s1, s30  }
0xbd: {  	s0 =	sor.u32 s3, s0;
	s1 =	sshll.u32 s1, $0x11  }
0xbe: {  	s0 =	sor.u32 s1, s0  }
0xbf: {  	s0 =	sadd.s32 $0x8F2B, s0  }
0xc0: {  	[sflag:s0] =	ssyncadd.remote.s32 $0x1  }
0xc1: {  	_ =	sfence.sel $0xFFFF  }
0xc2: {  	[dreg:$0x0] =	wrdreg $0xFFFFFFFF;
	(pc) =	sbr.abs _section_cstart, $3  }
0xc3: {  	[dreg:$0x1] =	wrdreg $0xFFFFFFFF  }
0xc4: {  	_ =	task.clear_ibuf [dreg:s8], $0x2FFFF;
	_ =	strace $0x9FFFFFFF  }
0xc5: {  	(tm) =	ssettm $0x7FFFFFFF  }
tec
execute0_lowered:
.L_overlay_start_1:
0x0: {  	(tag) =	ssettag $0x1  }
0x1: {  	s0 =	rddreg [dreg:$0x0]  }
0x2: {  	s1 =	rddreg [dreg:$0x1]  }
0x3: {  	s4 =	rddreg [dreg:$0x2];
	s3 =	srdreg.scid  }
0x4: {  	s18 =	stileid.u32;
	s2 =	rddreg [dreg:$0x3]  }
0x5: {  	s20 =	simm.s32 $0x1400;
	s21 =	simm.s32 $0x7D;
	s28 =	simm.s32 $0x3  }
0x6: {  	s29 =	simm.s32 $0x4;
	s31 =	simm.s32 $0x0;
	s11 =	sand.u32 $0x1, s3  }
0x7: {  	s5 =	sshll.u32 s18, $0x1;
	s3 =	simm.s32 $0x0;
	s23 =	smul.u32 $0x4E000, s18  }
0x8: {  	s13 =	sadd.s32 $0x2E00, s1;
	s22 =	sadd.s32 $0x16E00, s1;
	s9 =	smul.u32 $0x2700, s18  }
0x9: {  	s14 =	sadd.s32 $0x17600, s1;
	s15 =	smul.u32 $0x270, s18;
	s24 =	sshll.u32 s18, $0x6  }
0xa: {  	s25 =	sadd.s32 $0x138000, s2;
	p0 =	sne.s32 s18, $0x0;
	s19 =	smul.u32 $0x2710, s11  }
0xb: {  	s7 =	sor.u32 s11, s5;
	[smem:$0x7FF] =	sst s3;
	s26 =	smul.u32 $0x138800, s11  }
0xc: {  	s6 =	ssub.s32 $0x2, s11;
	s12 =	smul.u32 $0x500, s7;
	_ =	strace $0x80000047  }
0xd: {  	[dreg:$0x5] =	wrdreg s22;
	s8 =	sshrl.u32 s6, $0x1;
	s5 =	sshrl.u32 s23, $0x2  }
0xe: {  	s16 =	smul.u32 $0x2800, s7;
	s7 =	sor.u32 $0x1C05, s24;
	[dreg:$0x6] =	wrdreg s25  }
0xf: {  	s22 =	simm.s32 $0x3C00;
	s23 =	simm.s32 $0x80;
	s24 =	simm.s32 $0x7C00  }
0x10: {  	s25 =	simm.s32 $0x1;
	s17 =	ssub.s32 s6, s8;
	s5 =	sadd.s32 s5, s2  }
0x11: {  	s6 =	sadd.s32 s4, s9;
	s9 =	sadd.s32 $0x27000, s4;
	s15 =	sadd.s32 s15, s19  }
0x12: {  	s4 =	sshrl.u32 s26, $0x3;
	s19 =	simm.s32 $0x5;
	s26 =	simm.s32 $0x2  }
0x13: {  	s10 =	sadd.s32 s12, s1;
	s1 =	sadd.s32 $0x65800, s1;
	s11 =	sadd.s32 s13, s12  }
0x14: {  	s30 =	sshrl.u32 s16, $0x3;
	s15 =	sshll.u32 s15, $0x4;
	s4 =	sadd.s32 $0x27000, s4  }
0x15: {  	s17 =	smax.u32 s17, $0x1;
	s18 =	sshrl.u32 s5, $0x3;
	s10 =	sadd.s32 $0xCE00, s10  }
0x16: {  	s12 =	sadd.s32 s13, s30;
	s13 =	sadd.s32 s14, s15;
	s14 =	sadd.s32 s14, s4  }
0x17: {  	s15 =	sadd.s32 s1, s15;
	s16 =	sadd.s32 s1, s4;
	s12 =	sadd.s32 $0x280, s12  }
.LBB2_1:
0x18: {  	[spmem:s18], [sflag:s7] =	dma.local [hbm:s6], $0x2700  }
0x19: {  	_ =	swait.ge [sflag:s19], $0x2700  }
0x1a: {  	[sflag:s19] =	ssyncset.done $0x0;
	s1 =	rddreg [dreg:$0x6]  }
0x1b: {  	s4 =	simm.s32 @!p0 $0x5;
	[sflag:s19] =	ssyncadd.s32 $0xFFFFD900;
	s1 =	sshrl.u32 @!p0 s1, $0x3  }
0x1c: {  	[spmem:s1], [sflag:s7] =	dma.local @!p0 [hbm:s9], $0x100  }
0x1d: {  	_ =	swait.ge @!p0 [sflag:s4], $0x100  }
0x1e: {  	[sflag:s4] =	ssyncset.done @!p0 $0x0  }
0x1f: {  	[sflag:s4] =	ssyncadd.s32 @!p0 $0xFFFFFF00  }
0x20: {  	[tilespmem:s20], [sflag:$0x5] =	stream.linear.gather [hbm4b:s10+s3], $0x2800, $0x38;
	[tilespmem:$0x1F480] =	vst v63  }
0x21: {  	_ =	swait.ge [sflag:s19], $0x2800  }
0x22: {  	[sflag:s19] =	ssyncset.done $0x0  }
0x23: {  	[sflag:s19] =	ssyncadd.s32 $0xFFFFD800  }
0x24: {  	[bflag:$0x0] =	sbarrier.arrive $0xFFFF  }
0x25: {  	[tilespmem:s3], [sflag:$0x5] =	stream.linear.gather [hbm4b:s11+s3], $0x1400, $0x38;
	[tilespmem:$0x1F480] =	vst v63  }
0x26: {  	_ =	swait.ge [sflag:s19], $0x1400  }
0x27: {  	[sflag:s19] =	ssyncset.done $0x0  }
0x28: {  	[sflag:s19] =	ssyncadd.s32 $0xFFFFEC00  }
0x29: {  	[tilespmem:s22], [sflag:$0x1] =	stream.indirect.gather [hbm4b:s0+s21], $0x80, s3, s21, $0xb8;
	[tilespmem:$0x1F480] =	vst v63  }
0x2a: {  	_ = 	snop  }
0x2b: {  	[tilespmem:s24], [sflag:$0x2] =	stream.indirect.gather [hbm4b:s0+s21], $0x80, s23, s21, $0xb8;
	[tilespmem:$0x1F480] =	vst v63  }
0x2c: {  	_ =	swait.ge [sflag:s25], $0x3E80  }
0x2d: {  	[sflag:s25] =	ssyncset.done $0x0  }
0x2e: {  	s8 =	simm.s32 $0x1400;
	[sflag:s25] =	ssyncadd.s32 $0xFFFFC180  }
0x2f: {  	[spmem:s2] =	stream.indirect.scatter.add.f32 [tilespmem:s22], [sflag:$0x3], $0x80, s8, s21, $0xb8;
	[tilespmem:$0x1F480] =	vst v63  }
0x30: {  	_ =	swait.ge [sflag:s26], $0x3E80  }
0x31: {  	[sflag:s26] =	ssyncset.done $0x0  }
0x32: {  	s8 =	simm.s32 $0x1480;
	[sflag:s26] =	ssyncadd.s32 $0xFFFFC180  }
0x33: {  	[spmem:s2] =	stream.indirect.scatter.add.f32 [tilespmem:s24], [sflag:$0x4], $0x80, s8, s21, $0xb8;
	[tilespmem:$0x1F480] =	vst v63  }
0x34: {  	_ =	swait.ge [sflag:s28], $0x3E80  }
0x35: {  	[sflag:s28] =	ssyncset.done $0x0  }
0x36: {  	s8 =	simm.s32 $0x100;
	[sflag:s28] =	ssyncadd.s32 $0xFFFFC180  }
0x37: {  	[tilespmem:s22], [sflag:$0x1] =	stream.indirect.gather [hbm4b:s0+s21], $0x80, s8, s21, $0xb8;
	[tilespmem:$0x1F480] =	vst v63  }
0x38: {  	_ =	swait.ge [sflag:s29], $0x3E80  }
0x39: {  	[sflag:s29] =	ssyncset.done $0x0  }
0x3a: {  	s30 =	simm.s32 $0x400;
	s4 =	simm.s32 $0x180;
	[sflag:s29] =	ssyncadd.s32 $0xFFFFC180  }
.LBB2_2:
0x3b: {  	[tilespmem:s24], [sflag:$0x2] =	stream.indirect.gather [hbm4b:s0+s21], $0x80, s4, s21, $0xb8;
	[tilespmem:$0x1F480] =	vst v63  }
0x3c: {  	s4 =	smov.u32 s30  }
0x3d: {  	p1 =	sne.s32 s30, $0x4800;
	s30 =	sadd.s32 $0x400, s30;
	_ =	swait.ge [sflag:s25], $0x3E80  }
0x3e: {  	s4 =	sshra.s32 s4, $0x2;
	[sflag:s25] =	ssyncset.done $0x0  }
0x3f: {  	s8 =	sadd.s32 $0x1400, s4;
	[sflag:s25] =	ssyncadd.s32 $0xFFFFC180  }
0x40: {  	[spmem:s2] =	stream.indirect.scatter.add.f32 [tilespmem:s22], [sflag:$0x3], $0x80, s8, s21, $0xb8;
	[tilespmem:$0x1F480] =	vst v63  }
0x41: {  	_ =	swait.ge [sflag:s26], $0x3E80  }
0x42: {  	[sflag:s26] =	ssyncset.done $0x0  }
0x43: {  	s8 =	sadd.s32 $0x1480, s4;
	[sflag:s26] =	ssyncadd.s32 $0xFFFFC180  }
0x44: {  	[spmem:s2] =	stream.indirect.scatter.add.f32 [tilespmem:s24], [sflag:$0x4], $0x80, s8, s21, $0xb8;
	[tilespmem:$0x1F480] =	vst v63  }
0x45: {  	_ =	swait.ge [sflag:s28], $0x3E80  }
0x46: {  	[sflag:s28] =	ssyncset.done $0x0  }
.Ltmp0:
0x47: {  	s8 =	sadd.s32 $0x100, s4;
	[sflag:s28] =	ssyncadd.s32 $0xFFFFC180;
	(pc) =	sbr.rel @p1 .LBB2_2-.Ltmp0, $4  }
0x48: {  	[tilespmem:s22], [sflag:$0x1] =	stream.indirect.gather [hbm4b:s0+s21], $0x80, s8, s21, $0xb8;
	[tilespmem:$0x1F480] =	vst v63  }
0x49: {  	_ =	swait.ge [sflag:s29], $0x3E80  }
0x4a: {  	[sflag:s29] =	ssyncset.done $0x0  }
0x4b: {  	s4 =	sadd.s32 $0x180, s4;
	[sflag:s29] =	ssyncadd.s32 $0xFFFFC180  }
0x4c: {  	[tilespmem:s24], [sflag:$0x2] =	stream.indirect.gather [hbm4b:s0+s21], $0x80, s4, s21, $0xb8;
	[tilespmem:$0x1F480] =	vst v63  }
0x4d: {  	_ =	swait.ge [sflag:s25], $0x3E80  }
0x4e: {  	[sflag:s25] =	ssyncset.done $0x0  }
0x4f: {  	s8 =	simm.s32 $0x2700;
	[sflag:s25] =	ssyncadd.s32 $0xFFFFC180  }
0x50: {  	[spmem:s2] =	stream.indirect.scatter.add.f32 [tilespmem:s22], [sflag:$0x3], $0x80, s8, s21, $0xb8;
	[tilespmem:$0x1F480] =	vst v63  }
0x51: {  	_ =	swait.ge [sflag:s26], $0x3E80  }
0x52: {  	[sflag:s26] =	ssyncset.done $0x0  }
0x53: {  	s8 =	simm.s32 $0x2780;
	[sflag:s26] =	ssyncadd.s32 $0xFFFFC180  }
0x54: {  	[spmem:s2] =	stream.indirect.scatter.add.f32 [tilespmem:s24], [sflag:$0x4], $0x80, s8, s21, $0xb8;
	[tilespmem:$0x1F480] =	vst v63  }
0x55: {  	_ = 	snop  }
0x56: {  	[tilespmem:s3], [sflag:$0x5] =	stream.linear.gather [hbm4b:s12+s3], $0x1400, $0x38;
	[tilespmem:$0x1F480] =	vst v63  }
0x57: {  	_ =	swait.ge [sflag:s19], $0x1400  }
0x58: {  	[sflag:s19] =	ssyncset.done $0x0  }
0x59: {  	[sflag:s19] =	ssyncadd.s32 $0xFFFFEC00  }
0x5a: {  	_ =	swait.ge [sflag:s28], $0x3E80  }
0x5b: {  	[sflag:s28] =	ssyncset.done $0x0  }
0x5c: {  	[sflag:s28] =	ssyncadd.s32 $0xFFFFC180  }
0x5d: {  	[tilespmem:s22], [sflag:$0x1] =	stream.indirect.gather [hbm4b:s0+s21], $0x80, s3, s21, $0xb8;
	[tilespmem:$0x1F480] =	vst v63  }
0x5e: {  	_ =	swait.ge [sflag:s29], $0x3E80  }
0x5f: {  	[sflag:s29] =	ssyncset.done $0x0  }
0x60: {  	[sflag:s29] =	ssyncadd.s32 $0xFFFFC180  }
0x61: {  	[tilespmem:s24], [sflag:$0x2] =	stream.indirect.gather [hbm4b:s0+s21], $0x80, s23, s21, $0xb8;
	[tilespmem:$0x1F480] =	vst v63  }
0x62: {  	_ =	swait.ge [sflag:s25], $0x3E80  }
0x63: {  	[sflag:s25] =	ssyncset.done $0x0  }
0x64: {  	s8 =	simm.s32 $0x2800;
	[sflag:s25] =	ssyncadd.s32 $0xFFFFC180  }
0x65: {  	[spmem:s2] =	stream.indirect.scatter.add.f32 [tilespmem:s22], [sflag:$0x3], $0x80, s8, s21, $0xb8;
	[tilespmem:$0x1F480] =	vst v63  }
0x66: {  	_ =	swait.ge [sflag:s26], $0x3E80  }
0x67: {  	[sflag:s26] =	ssyncset.done $0x0  }
0x68: {  	s8 =	simm.s32 $0x2880;
	[sflag:s26] =	ssyncadd.s32 $0xFFFFC180  }
0x69: {  	[spmem:s2] =	stream.indirect.scatter.add.f32 [tilespmem:s24], [sflag:$0x4], $0x80, s8, s21, $0xb8;
	[tilespmem:$0x1F480] =	vst v63  }
0x6a: {  	_ =	swait.ge [sflag:s28], $0x3E80  }
0x6b: {  	[sflag:s28] =	ssyncset.done $0x0  }
0x6c: {  	s8 =	simm.s32 $0x100;
	[sflag:s28] =	ssyncadd.s32 $0xFFFFC180  }
0x6d: {  	[tilespmem:s22], [sflag:$0x1] =	stream.indirect.gather [hbm4b:s0+s21], $0x80, s8, s21, $0xb8;
	[tilespmem:$0x1F480] =	vst v63  }
0x6e: {  	_ =	swait.ge [sflag:s29], $0x3E80  }
0x6f: {  	[sflag:s29] =	ssyncset.done $0x0  }
0x70: {  	s30 =	simm.s32 $0xFFFFB800;
	s4 =	simm.s32 $0x180;
	[sflag:s29] =	ssyncadd.s32 $0xFFFFC180  }
.LBB2_4:
0x71: {  	[tilespmem:s24], [sflag:$0x2] =	stream.indirect.gather [hbm4b:s0+s21], $0x80, s4, s21, $0xb8;
	[tilespmem:$0x1F480] =	vst v63  }
0x72: {  	s4 =	smov.u32 s30  }
0x73: {  	p1 =	sne.s32 s30, $0xFFFFFC00;
	s30 =	sadd.s32 $0x400, s30;
	_ =	swait.ge [sflag:s25], $0x3E80  }
0x74: {  	s4 =	sshra.s32 s4, $0x2;
	[sflag:s25] =	ssyncset.done $0x0  }
0x75: {  	s8 =	sadd.s32 $0x3B00, s4;
	[sflag:s25] =	ssyncadd.s32 $0xFFFFC180  }
0x76: {  	[spmem:s2] =	stream.indirect.scatter.add.f32 [tilespmem:s22], [sflag:$0x3], $0x80, s8, s21, $0xb8;
	[tilespmem:$0x1F480] =	vst v63  }
0x77: {  	_ =	swait.ge [sflag:s26], $0x3E80  }
0x78: {  	[sflag:s26] =	ssyncset.done $0x0  }
0x79: {  	s8 =	sadd.s32 $0x3B80, s4;
	[sflag:s26] =	ssyncadd.s32 $0xFFFFC180  }
0x7a: {  	[spmem:s2] =	stream.indirect.scatter.add.f32 [tilespmem:s24], [sflag:$0x4], $0x80, s8, s21, $0xb8;
	[tilespmem:$0x1F480] =	vst v63  }
0x7b: {  	_ =	swait.ge [sflag:s28], $0x3E80  }
0x7c: {  	[sflag:s28] =	ssyncset.done $0x0  }
.Ltmp1:
0x7d: {  	s8 =	sadd.s32 $0x1400, s4;
	[sflag:s28] =	ssyncadd.s32 $0xFFFFC180;
	(pc) =	sbr.rel @p1 .LBB2_4-.Ltmp1, $4  }
0x7e: {  	[tilespmem:s22], [sflag:$0x1] =	stream.indirect.gather [hbm4b:s0+s21], $0x80, s8, s21, $0xb8;
	[tilespmem:$0x1F480] =	vst v63  }
0x7f: {  	_ =	swait.ge [sflag:s29], $0x3E80  }
0x80: {  	[sflag:s29] =	ssyncset.done $0x0  }
0x81: {  	s4 =	sadd.s32 $0x1480, s4;
	[sflag:s29] =	ssyncadd.s32 $0xFFFFC180  }
0x82: {  	[tilespmem:s24], [sflag:$0x2] =	stream.indirect.gather [hbm4b:s0+s21], $0x80, s4, s21, $0xb8;
	[tilespmem:$0x1F480] =	vst v63  }
0x83: {  	_ =	swait.ge [sflag:s25], $0x3E80  }
0x84: {  	[sflag:s25] =	ssyncset.done $0x0  }
0x85: {  	s8 =	simm.s32 $0x3B00;
	[sflag:s25] =	ssyncadd.s32 $0xFFFFC180  }
0x86: {  	[spmem:s2] =	stream.indirect.scatter.add.f32 [tilespmem:s22], [sflag:$0x3], $0x80, s8, s21, $0xb8;
	[tilespmem:$0x1F480] =	vst v63  }
0x87: {  	_ =	swait.ge [sflag:s26], $0x3E80  }
0x88: {  	[sflag:s26] =	ssyncset.done $0x0  }
0x89: {  	s8 =	simm.s32 $0x3B80;
	[sflag:s26] =	ssyncadd.s32 $0xFFFFC180  }
0x8a: {  	[spmem:s2] =	stream.indirect.scatter.add.f32 [tilespmem:s24], [sflag:$0x4], $0x80, s8, s21, $0xb8;
	[tilespmem:$0x1F480] =	vst v63  }
0x8b: {  	_ =	swait.ge [sflag:s28], $0x3E80  }
0x8c: {  	[sflag:s28] =	ssyncset.done $0x0  }
0x8d: {  	[sflag:s28] =	ssyncadd.s32 $0xFFFFC180  }
0x8e: {  	_ =	swait.ge [sflag:s29], $0x3E80  }
0x8f: {  	[sflag:s29] =	ssyncset.done $0x0  }
0x90: {  	[sflag:s29] =	ssyncadd.s32 $0xFFFFC180  }
0x91: {  	[bflag:$0x0] =	sbarrier.arrive $0xFFFF  }
0x92: {  	[hbm:s13], [sflag:s7] =	dma.local [spmem:s18], $0x2700  }
0x93: {  	_ =	swait.ge [sflag:s19], $0x2700  }
0x94: {  	[sflag:s19] =	ssyncset.done $0x0  }
0x95: {  	[sflag:s19] =	ssyncadd.s32 $0xFFFFD900  }
0x96: {  	s4 =	sshrl.u32 @p0 s5, $0x3;
	[bflag:$0x0] =	sbarrier.arrive @p0 $0xFFFF  }
0x97: {  	[spmem:s4], [sflag:s7] =	dma.local @p0 [hbm:s6], $0x2700  }
0x98: {  	s4 =	simm.s32 @p0 $0x5  }
0x99: {  	_ =	swait.ge @p0 [sflag:s4], $0x2700  }
0x9a: {  	[sflag:s4] =	ssyncset.done @p0 $0x0  }
0x9b: {  	[sflag:s4] =	ssyncadd.s32 @p0 $0xFFFFD900;
	s4 =	simm.s32 @!p0 $0x5  }
0x9c: {  	[hbm:s14], [sflag:s7] =	dma.local @!p0 [spmem:s1], $0x100  }
0x9d: {  	_ =	swait.ge @!p0 [sflag:s4], $0x100  }
0x9e: {  	[sflag:s4] =	ssyncset.done @!p0 $0x0  }
0x9f: {  	[sflag:s4] =	ssyncadd.s32 @!p0 $0xFFFFFF00  }
0xa0: {  	s8 =	sshrl.u32 @!p0 s5, $0x3;
	[bflag:$0x0] =	sbarrier.arrive @!p0 $0xFFFF  }
0xa1: {  	[spmem:s8], [sflag:s7] =	dma.local @!p0 [hbm:s6], $0x2700  }
0xa2: {  	_ =	swait.ge @!p0 [sflag:s4], $0x2700  }
0xa3: {  	[sflag:s4] =	ssyncset.done @!p0 $0x0  }
0xa4: {  	[sflag:s4] =	ssyncadd.s32 @!p0 $0xFFFFD900  }
0xa5: {  	[spmem:s1], [sflag:s7] =	dma.local @!p0 [hbm:s9], $0x100  }
0xa6: {  	_ =	swait.ge @!p0 [sflag:s4], $0x100  }
0xa7: {  	[sflag:s4] =	ssyncset.done @!p0 $0x0  }
0xa8: {  	s8 =	rddreg [dreg:$0x5];
	[sflag:s4] =	ssyncadd.s32 @!p0 $0xFFFFFF00  }
0xa9: {  	[tilespmem:s22], [sflag:$0x5] =	stream.linear.gather [hbm4b:s8+s3], $0x3E80, $0x38;
	[tilespmem:$0x1F480] =	vst v63  }
0xaa: {  	_ =	swait.ge [sflag:s19], $0x3E80  }
0xab: {  	[sflag:s19] =	ssyncset.done $0x0  }
0xac: {  	[sflag:s19] =	ssyncadd.s32 $0xFFFFC180  }
0xad: {  	[bflag:$0x0] =	sbarrier.arrive $0xFFFF  }
0xae: {  	[spmem:s2] =	stream.indirect.scatter.add.f32 [tilespmem:s22], [sflag:$0x1], $0x80, s20, s21, $0xb8;
	[tilespmem:$0x1F480] =	vst v63  }
0xaf: {  	s8 =	simm.s32 $0x1480  }
0xb0: {  	[spmem:s2] =	stream.indirect.scatter.add.f32 [tilespmem:s22], [sflag:$0x2], $0x80, s8, s21, $0xb8;
	[tilespmem:$0x1F480] =	vst v63  }
0xb1: {  	s8 =	simm.s32 $0x1500  }
0xb2: {  	[spmem:s2] =	stream.indirect.scatter.add.f32 [tilespmem:s22], [sflag:$0x3], $0x80, s8, s21, $0xb8;
	[tilespmem:$0x1F480] =	vst v63  }
0xb3: {  	s8 =	simm.s32 $0x1580  }
0xb4: {  	[spmem:s2] =	stream.indirect.scatter.add.f32 [tilespmem:s22], [sflag:$0x4], $0x80, s8, s21, $0xb8;
	[tilespmem:$0x1F480] =	vst v63  }
0xb5: {  	_ =	swait.ge [sflag:s25], $0x3E80  }
0xb6: {  	[sflag:s25] =	ssyncset.done $0x0  }
0xb7: {  	s8 =	simm.s32 $0x1600;
	[sflag:s25] =	ssyncadd.s32 $0xFFFFC180  }
0xb8: {  	[spmem:s2] =	stream.indirect.scatter.add.f32 [tilespmem:s22], [sflag:$0x1], $0x80, s8, s21, $0xb8;
	[tilespmem:$0x1F480] =	vst v63  }
0xb9: {  	_ =	swait.ge [sflag:s26], $0x3E80  }
0xba: {  	[sflag:s26] =	ssyncset.done $0x0  }
0xbb: {  	s8 =	simm.s32 $0x1680;
	[sflag:s26] =	ssyncadd.s32 $0xFFFFC180  }
0xbc: {  	[spmem:s2] =	stream.indirect.scatter.add.f32 [tilespmem:s22], [sflag:$0x2], $0x80, s8, s21, $0xb8;
	[tilespmem:$0x1F480] =	vst v63  }
0xbd: {  	_ =	swait.ge [sflag:s28], $0x3E80  }
0xbe: {  	[sflag:s28] =	ssyncset.done $0x0  }
0xbf: {  	s8 =	simm.s32 $0x1700;
	[sflag:s28] =	ssyncadd.s32 $0xFFFFC180  }
0xc0: {  	[spmem:s2] =	stream.indirect.scatter.add.f32 [tilespmem:s22], [sflag:$0x3], $0x80, s8, s21, $0xb8;
	[tilespmem:$0x1F480] =	vst v63  }
0xc1: {  	_ =	swait.ge [sflag:s29], $0x3E80  }
0xc2: {  	[sflag:s29] =	ssyncset.done $0x0  }
0xc3: {  	s30 =	simm.s32 $0xFFFF7000;
	s4 =	simm.s32 $0x1780;
	[sflag:s29] =	ssyncadd.s32 $0xFFFFC180  }
.LBB2_6:
0xc4: {  	[spmem:s2] =	stream.indirect.scatter.add.f32 [tilespmem:s22], [sflag:$0x4], $0x80, s4, s21, $0xb8;
	[tilespmem:$0x1F480] =	vst v63  }
0xc5: {  	s4 =	smov.u32 s30  }
0xc6: {  	p1 =	sne.s32 s30, $0xFFFFF800;
	s30 =	sadd.s32 $0x800, s30;
	_ =	swait.ge [sflag:s25], $0x3E80  }
0xc7: {  	s4 =	sshra.s32 s4, $0x2;
	[sflag:s25] =	ssyncset.done $0x0  }
0xc8: {  	s8 =	sadd.s32 $0x3C00, s4;
	[sflag:s25] =	ssyncadd.s32 $0xFFFFC180  }
0xc9: {  	[spmem:s2] =	stream.indirect.scatter.add.f32 [tilespmem:s22], [sflag:$0x1], $0x80, s8, s21, $0xb8;
	[tilespmem:$0x1F480] =	vst v63  }
0xca: {  	_ =	swait.ge [sflag:s26], $0x3E80  }
0xcb: {  	[sflag:s26] =	ssyncset.done $0x0  }
0xcc: {  	s8 =	sadd.s32 $0x3C80, s4;
	[sflag:s26] =	ssyncadd.s32 $0xFFFFC180  }
0xcd: {  	[spmem:s2] =	stream.indirect.scatter.add.f32 [tilespmem:s22], [sflag:$0x2], $0x80, s8, s21, $0xb8;
	[tilespmem:$0x1F480] =	vst v63  }
0xce: {  	_ =	swait.ge [sflag:s28], $0x3E80  }
0xcf: {  	[sflag:s28] =	ssyncset.done $0x0  }
.Ltmp2:
0xd0: {  	s8 =	sadd.s32 $0x3D00, s4;
	[sflag:s28] =	ssyncadd.s32 $0xFFFFC180;
	(pc) =	sbr.rel @p1 .LBB2_6-.Ltmp2, $4  }
0xd1: {  	[spmem:s2] =	stream.indirect.scatter.add.f32 [tilespmem:s22], [sflag:$0x3], $0x80, s8, s21, $0xb8;
	[tilespmem:$0x1F480] =	vst v63  }
0xd2: {  	_ =	swait.ge [sflag:s29], $0x3E80  }
0xd3: {  	[sflag:s29] =	ssyncset.done $0x0  }
0xd4: {  	s4 =	sadd.s32 $0x3D80, s4;
	[sflag:s29] =	ssyncadd.s32 $0xFFFFC180  }
0xd5: {  	[spmem:s2] =	stream.indirect.scatter.add.f32 [tilespmem:s22], [sflag:$0x4], $0x80, s4, s21, $0xb8;
	[tilespmem:$0x1F480] =	vst v63  }
0xd6: {  	_ =	swait.ge [sflag:s25], $0x3E80  }
0xd7: {  	[sflag:s25] =	ssyncset.done $0x0  }
0xd8: {  	[sflag:s25] =	ssyncadd.s32 $0xFFFFC180  }
0xd9: {  	_ =	swait.ge [sflag:s26], $0x3E80  }
0xda: {  	[sflag:s26] =	ssyncset.done $0x0  }
0xdb: {  	[sflag:s26] =	ssyncadd.s32 $0xFFFFC180  }
0xdc: {  	_ =	swait.ge [sflag:s28], $0x3E80  }
0xdd: {  	[sflag:s28] =	ssyncset.done $0x0  }
0xde: {  	[sflag:s28] =	ssyncadd.s32 $0xFFFFC180  }
0xdf: {  	_ =	swait.ge [sflag:s29], $0x3E80  }
0xe0: {  	[sflag:s29] =	ssyncset.done $0x0  }
0xe1: {  	[sflag:s29] =	ssyncadd.s32 $0xFFFFC180  }
0xe2: {  	[bflag:$0x0] =	sbarrier.arrive $0xFFFF  }
0xe3: {  	[hbm:s15], [sflag:s7] =	dma.local [spmem:s18], $0x2700  }
0xe4: {  	_ =	swait.ge [sflag:s19], $0x2700  }
0xe5: {  	s31 =	sadd.s32 $0x1, s31;
	[sflag:s19] =	ssyncset.done $0x0  }
0xe6: {  	p1 =	sne.s32 s31, s17;
	[sflag:s19] =	ssyncadd.s32 $0xFFFFD900  }
0xe7: {  	[hbm:s16], [sflag:s7] =	dma.local @!p0 [spmem:s1], $0x100  }
.Ltmp3:
0xe8: {  	_ = 	snop;
	(pc) =	sbr.rel @p1 .LBB2_1-.Ltmp3, $4  }
0xe9: {  	s1 =	simm.s32 @!p0 $0x5  }
0xea: {  	_ =	swait.ge @!p0 [sflag:s1], $0x100  }
0xeb: {  	[sflag:s1] =	ssyncset.done @!p0 $0x0  }
0xec: {  	[sflag:s1] =	ssyncadd.s32 @!p0 $0xFFFFFF00  }
0xed: {  	_ =	sfence.sel $0x180000  }
0xee: {  	[bflag:$0x0] =	sbarrier.arrive $0xFFFF  }
0xef: {  	_ =	strace $0x90000047  }
0xf0: {  	[bflag:$0x2] =	sbarrier.arrive $0xFFFF  }
0xf1: {  	s0 =	rddreg [dreg:$0x4]  }
0xf2: {  	s0 =	sadd.s32 @!p0 $0x100000, s0  }
0xf3: {  	[sflag:s0] =	ssyncadd.tile.s32 @!p0 $0x1;
	_ =	shalt  }
.Lfunc_end2:
_tile_overlayer_lowered:
.L_overlay_start_2:
0xf4: {  	(tag) =	ssettag $0x2  }
0xf5: {  	s0 =	rddreg [dreg:$0x0];
	s2 =	stileid.u32  }
0xf6: {  	s1 =	rddreg [dreg:$0x1];
	p0 =	sne.s32 s2, $0x0  }
0xf7: {  	s3 =	rddreg [dreg:$0x2];
	[bflag:$0x3] =	sbarrier.arrive $0xFFFF;
	s2 =	simm.s32 @!p0 $0x1C05  }
0xf8: {  	[timem:s3], [sflag:s2] =	dma.local @!p0 [hbm:s0], s1  }
0xf9: {  	s0 =	simm.s32 @!p0 $0x5  }
0xfa: {  	_ =	swait.ge @!p0 [sflag:s0], s1  }
0xfb: {  	s1 =	ssub.s32 @!p0 $0x0, s1;
	[sflag:s0] =	ssyncset.done @!p0 $0x0  }
0xfc: {  	[sflag:s0] =	ssyncadd.s32 @!p0 s1  }
0xfd: {  	[bflag:$0x3] =	sbarrier.arrive $0xFFFF  }
0xfe: {  	_ =	shalt  }

// kernel: kernel.9.cloned.1.call-start
scs
__scs_entry_jumppad:
0x0: {  	(pc) =	sbr.rel $0x88, $3  }
0x1: {  	(tag) =	ssettag $0x0;
	lr =	simm.s32 $0x1  }
0x2: {  	[smem:$0x3F95] =	sst lr;
	_ =	strace $0xD0000000  }
0x3: {  	_ = 	snop  }
0x4: {  	_ = 	snop  }
0x5: {  	_ = 	snop  }
0x6: {  	_ = 	snop  }
0x7: {  	_ = 	snop  }
__scs_overlays_trampoline_lowered:
0x8: {  	[smem:$0x3FA4] =	sst s0  }
0x9: {  	[smem:$0x3FA5] =	sst s1  }
0xa: {  	[smem:$0x3FA6] =	sst s2  }
0xb: {  	[smem:$0x3FA7] =	sst s3  }
0xc: {  	[smem:$0x3FA8] =	sst s4  }
0xd: {  	[smem:$0x3FA9] =	sst s5  }
0xe: {  	[smem:$0x3FAA] =	sst s6  }
0xf: {  	[smem:$0x3FAB] =	sst s7  }
0x10: {  	[smem:$0x3FAC] =	sst s8  }
0x11: {  	[smem:$0x3FAD] =	sst s9;
	s0 =	simm.s32 @!p0 $0x0  }
0x12: {  	s1 =	sld [smem:$0x3F93];
	s0 =	simm.s32 @p0 $0x1  }
0x13: {  	[smem:$0x3FAE] =	sst s0;
	s0 =	simm.s32 @!p1 $0x0  }
0x14: {  	s2 =	sld [smem:$0x3F92];
	s0 =	simm.s32 @p1 $0x1  }
0x15: {  	[smem:$0x3FAF] =	sst s0;
	s0 =	simm.s32 @!p2 $0x0  }
0x16: {  	s3 =	sld [smem:$0x3FDB];
	s0 =	simm.s32 @p2 $0x1  }
0x17: {  	s4 =	simm.s32 $0x1BF5;
	[smem:$0x3FB1] =	sst s0  }
0x18: {  	s0 =	sld [smem:$0x3F94];
	_ =	swait.ge [sflag:s4], $0x0  }
0x19: {  	s7 =	sld [smem:$0x3F95]  }
0x1a: {  	s8 =	sadd.s32 $0xFFFFE003, lr  }
0x1b: {  	s9 =	sadd.s32 $0xFFFFFEF7, lr;
	s5 =	simm.s32 $0xFFFFFFFF;
	p2 =	slt.u32 s8, $0xFFFFF086  }
0x1c: {  	p1 =	slt.u32 s9, $0xF7A;
	s5 =	simm.s32 @!p2 $0x0  }
0x1d: {  	s5 =	simm.s32 @p1 $0x1;
	p0 =	seq.s32 s7, s2  }
0x1e: {  	s7 =	smul.u32 @!p0 $0xF7A, s2;
	p2 =	seq.s32 @!p0 s5, $0x0  }
0x1f: {  	s9 =	smul.u32 $0xF7A, s1;
	s8 =	simm.s32 @!p0 $0x1BF5;
	p2 =	por !p2, p0  }
0x20: {  	[sflag:s8] =	ssyncset.s32 @!p0 $0xFFFFF086;
	s6 =	sadd.s32 @!p0 s3, s7;
	s7 =	simm.s32 @!p0 $0x108  }
0x21: {  	s3 =	sadd.s32 s3, s9;
	s6 =	sadd.s32 @!p0 $0x88, s6;
	s7 =	simm.s32 @p2 $0x1082  }
0x22: {  	[simem:s7], [sflag:s8] =	dma.local @!p0 [hbm:s6], $0xF7A  }
0x23: {  	s9 =	sor.u32 $0xD0000000, s2;
	s6 =	simm.s32 $0x108;
	_ =	swait.ge @!p0 [sflag:s8], $0x0  }
0x24: {  	s3 =	sadd.s32 $0x88, s3;
	s6 =	simm.s32 @!p1 $0x1082;
	[sflag:s4] =	ssyncset.s32 $0xFFFFF086  }
0x25: {  	[simem:s6], [sflag:s4] =	dma.local [hbm:s3], $0xF7A  }
0x26: {  	[smem:$0x3F95] =	sst s1;
	(tag) =	ssettag s2;
	_ =	strace s9  }
0x27: {  	s1 =	sld [smem:$0x3FA5]  }
0x28: {  	s2 =	sld [smem:$0x3FA6]  }
0x29: {  	s4 =	sld [smem:$0x3FA8]  }
0x2a: {  	p0 =	seq.s32 s5, $0x0;
	s5 =	sld [smem:$0x3FA9]  }
0x2b: {  	s6 =	sld [smem:$0x3FAA]  }
0x2c: {  	s7 =	sld [smem:$0x3FAB]  }
0x2d: {  	s3 =	simm.s32 $0x108;
	s8 =	sld [smem:$0x3FAC]  }
0x2e: {  	s3 =	simm.s32 @!p0 $0x1082;
	s9 =	sld [smem:$0x3FAD]  }
0x2f: {  	lr =	sadd.s32 s0, s3;
	s0 =	sld [smem:$0x3FA4]  }
0x30: {  	s3 =	sld [smem:$0x3FA7]  }
0x31: {  	[smem:$0x3FB0] =	sst s10  }
0x32: {  	s10 =	sld [smem:$0x3FAE];
	_ =	sdelay $0x3  }
0x33: {  	p0 =	seq.s32 s10, $0x1;
	s10 =	sld [smem:$0x3FB0];
	_ =	sdelay $0x3  }
0x34: {  	[smem:$0x3FB0] =	sst s10  }
0x35: {  	s10 =	sld [smem:$0x3FAF];
	_ =	sdelay $0x3  }
0x36: {  	p1 =	seq.s32 s10, $0x1;
	s10 =	sld [smem:$0x3FB0];
	_ =	sdelay $0x3  }
0x37: {  	[smem:$0x3FB0] =	sst s10  }
0x38: {  	s10 =	sld [smem:$0x3FB1]  }
0x39: {  	_ = 	snop;
	(pc) =	sbr.ind lr, $3  }
0x3a: {  	_ = 	snop  }
0x3b: {  	_ = 	snop  }
0x3c: {  	p2 =	seq.s32 s10, $0x1;
	s10 =	sld [smem:$0x3FB0]  }
0x3d: {  	_ =	shalt  }
0x3e: {  	_ =	shalt  }
0x3f: {  	_ =	shalt  }
0x40: {  	_ =	shalt  }
0x41: {  	_ =	shalt  }
0x42: {  	_ =	shalt  }
0x43: {  	_ =	shalt  }
0x44: {  	_ =	shalt  }
0x45: {  	_ =	shalt  }
0x46: {  	_ =	shalt  }
0x47: {  	_ =	shalt  }
0x48: {  	_ =	shalt  }
0x49: {  	_ =	shalt  }
0x4a: {  	_ =	shalt  }
0x4b: {  	_ =	shalt  }
0x4c: {  	_ =	shalt  }
0x4d: {  	_ =	shalt  }
0x4e: {  	_ =	shalt  }
0x4f: {  	_ =	shalt  }
0x50: {  	_ =	shalt  }
0x51: {  	_ =	shalt  }
0x52: {  	_ =	shalt  }
0x53: {  	_ =	shalt  }
0x54: {  	_ =	shalt  }
0x55: {  	_ =	shalt  }
0x56: {  	_ =	shalt  }
0x57: {  	_ =	shalt  }
0x58: {  	_ =	shalt  }
0x59: {  	_ =	shalt  }
0x5a: {  	_ =	shalt  }
0x5b: {  	_ =	shalt  }
0x5c: {  	_ =	shalt  }
0x5d: {  	_ =	shalt  }
0x5e: {  	_ =	shalt  }
0x5f: {  	_ =	shalt  }
0x60: {  	_ =	shalt  }
0x61: {  	_ =	shalt  }
0x62: {  	_ =	shalt  }
0x63: {  	_ =	shalt  }
0x64: {  	_ =	shalt  }
0x65: {  	_ =	shalt  }
0x66: {  	_ =	shalt  }
0x67: {  	_ =	shalt  }
0x68: {  	_ =	shalt  }
0x69: {  	_ =	shalt  }
0x6a: {  	_ =	shalt  }
0x6b: {  	_ =	shalt  }
0x6c: {  	_ =	shalt  }
0x6d: {  	_ =	shalt  }
0x6e: {  	_ =	shalt  }
0x6f: {  	_ =	shalt  }
0x70: {  	_ =	shalt  }
0x71: {  	_ =	shalt  }
0x72: {  	_ =	shalt  }
0x73: {  	_ =	shalt  }
0x74: {  	_ =	shalt  }
0x75: {  	_ =	shalt  }
0x76: {  	_ =	shalt  }
0x77: {  	_ =	shalt  }
0x78: {  	_ =	shalt  }
0x79: {  	_ =	shalt  }
0x7a: {  	_ =	shalt  }
0x7b: {  	_ =	shalt  }
0x7c: {  	_ =	shalt  }
0x7d: {  	_ =	shalt  }
0x7e: {  	_ =	shalt  }
0x7f: {  	_ =	shalt  }
0x80: {  	_ =	shalt  }
0x81: {  	_ =	shalt  }
0x82: {  	_ =	shalt  }
0x83: {  	_ =	shalt  }
0x84: {  	_ =	shalt  }
0x85: {  	_ =	shalt  }
0x86: {  	_ =	shalt  }
0x87: {  	_ =	shalt  }
.Lfunc_end0:
.L_simem_size_0:
called_computation.1_lowered:
.L_overlay_start_0:
0x88: {  	s2 =	sld [smem:$0x3FD9]  }
0x89: {  	s3 =	sld [smem:$0x3FFE];
	_ =	sdelay $0x1  }
0x8a: {  	s1 =	srdreg.scid  }
0x8b: {  	s0 =	sand.u32 $0x1, s1  }
0x8c: {  	s17 =	sshll.u32 s0, $0xA;
	s2 =	sadd.s32 s3, s2  }
0x8d: {  	s2 =	sadd.s32 s2, s17  }
0x8e: {  	[smem:$0x3FBC] =	sst s2  }
0x8f: {  	_ = 	snop  }
0x90: {  	s2 =	sld [smem:$0x3FD0];
	(tm) =	ssettm $0x1  }
0x91: {  	s18 =	sld [smem:$0x3FFB];
	_ =	sdelay $0x3  }
0x92: {  	_ =	strace s18  }
0x93: {  	s3 =	sld [smem:$0x3FFC];
	_ =	sdelay $0x3  }
0x94: {  	_ =	strace s3  }
0x95: {  	s3 =	sld [smem:$0x3FFD];
	_ =	sdelay $0x3  }
0x96: {  	_ =	strace s3  }
0x97: {  	_ =	strace $0x8FFFFFFF  }
0x98: {  	s19 =	sld [smem:$0x3FDB];
	_ =	sdelay $0x1  }
0x99: {  	s4 =	simm.s32 $_scs_section_size  }
0x9a: {  	s5 =	simm.s32 $_size__tile_overlayer_lowered;
	s6 =	simm.s32 $_tile_overlayer_lowered  }
0x9b: {  	s22 =	simm.s32 $0x1BFF;
	s21 =	sshll.u32 s6, $0x1;
	s3 =	sadd.s32 s4, s19  }
0x9c: {  	s7 =	simm.s32 $0x0;
	s20 =	sshll.u32 s5, $0x1;
	s5 =	sadd.s32 s21, s3  }
0x9d: {  	[timem:s7], [sflag:s22] =	dma.local [hbm:s5], s20  }
0x9e: {  	_ =	swait.ge [sflag:s22], s20  }
0x9f: {  	s4 =	ssub.s32 $0x0, s20;
	[sflag:s22] =	ssyncset.done $0x0  }
0xa0: {  	[sflag:s22] =	ssyncadd.s32 s4;
	_ =	sdelay $0x1  }
0xa1: {  	s23 =	simm.s32 $0x1B8B  }
0xa2: {  	_ =	swait.ge [sflag:s23], $0x1  }
0xa3: {  	[sflag:s23] =	ssyncset.done $0x0  }
0xa4: {  	s25 =	simm.s32 $0x1B8E;
	s24 =	sld [smem:$0x3FFE];
	[sflag:s23] =	ssyncadd.s32 $0xFFFFFFFF  }
0xa5: {  	s26 =	simm.s32 $execute0_lowered;
	[smem:$0x3FD2] =	sst s25  }
0xa6: {  	s5 =	sshll.u32 s26, $0x1;
	_ =	strace $0x80000049;
	[dreg:$0x1] =	wrdreg $0xFFFFFFFF  }
0xa7: {  	s28 =	simm.s32 $_size_execute0_lowered;
	s3 =	sadd.s32 s3, s5;
	[dreg:$0x0] =	wrdreg $0x0  }
0xa8: {  	s5 =	sshll.u32 s28, $0x1;
	[dreg:$0x2] =	wrdreg s3  }
0xa9: {  	[dreg:$0x3] =	wrdreg s5  }
0xaa: {  	[dreg:$0x4] =	wrdreg $0xC0  }
0xab: {  	_ =	task [dreg:s7], $0x5FFFF  }
0xac: {  	[dreg:$0x1] =	wrdreg $0xFFFFFFFF  }
0xad: {  	[dreg:$0x0] =	wrdreg $0x60  }
0xae: {  	[dreg:$0x2] =	wrdreg s24  }
0xaf: {  	[dreg:$0x3] =	wrdreg s2  }
0xb0: {  	[dreg:$0x4] =	wrdreg $0xBC000  }
0xb1: {  	[dreg:$0x5] =	wrdreg $0x9  }
0xb2: {  	_ =	task.clear_ibuf [dreg:s7], $0x6FFFF;
	_ =	strace $0x90000049  }
0xb3: {  	s29 =	simm.s32 $0x9;
	_ =	strace $0x8000004B  }
0xb4: {  	_ =	swait.ge [sflag:s29], $0x1  }
0xb5: {  	[sflag:s29] =	ssyncadd.s32 $0xFFFFFFFF  }
0xb6: {  	_ =	strace $0x9000004B  }
0xb7: {  	_ =	sfence  }
0xb8: {  	s30 =	sld [smem:$0x0];
	_ =	sdelay $0x2  }
0xb9: {  	s31 =	sshll.u32 s1, $0xD;
	s1 =	sshrl.u32 s1, $0x2  }
0xba: {  	s3 =	sand.u32 $0x4000, s31;
	s1 =	sadd.s32 s1, s30  }
0xbb: {  	s0 =	sor.u32 s3, s0;
	s1 =	sshll.u32 s1, $0x11  }
0xbc: {  	s0 =	sor.u32 s1, s0  }
0xbd: {  	s0 =	sadd.s32 $0x8F2B, s0  }
0xbe: {  	[sflag:s0] =	ssyncadd.remote.s32 $0x1  }
0xbf: {  	_ =	sfence.sel $0xFFFF  }
0xc0: {  	[dreg:$0x0] =	wrdreg $0xFFFFFFFF;
	(pc) =	sbr.abs _section_cstart, $3  }
0xc1: {  	[dreg:$0x1] =	wrdreg $0xFFFFFFFF  }
0xc2: {  	_ =	task.clear_ibuf [dreg:s7], $0x2FFFF;
	_ =	strace $0x9FFFFFFF  }
0xc3: {  	(tm) =	ssettm $0x7FFFFFFF  }
tec
execute0_lowered:
.L_overlay_start_1:
0x0: {  	(tag) =	ssettag $0x1  }
0x1: {  	s0 =	rddreg [dreg:$0x0]  }
0x2: {  	s6 =	rddreg [dreg:$0x1]  }
0x3: {  	s1 =	rddreg [dreg:$0x2]  }
0x4: {  	s3 =	srdreg.scid;
	s13 =	stileid.u32  }
0x5: {  	s2 =	simm.s32 $0x0;
	s19 =	simm.s32 $0x80;
	s28 =	simm.s32 $0x3B00  }
0x6: {  	s29 =	simm.s32 $0x3B80;
	s30 =	simm.s32 $0x0;
	s8 =	sand.u32 $0x1, s3  }
0x7: {  	s20 =	sshll.u32 s13, $0x1;
	[smem:$0x7FF] =	sst s2;
	s4 =	smul.u32 $0x4E000, s13  }
0x8: {  	s3 =	sadd.s32 $0x16E00, s0;
	s10 =	sadd.s32 $0x2E00, s0;
	s14 =	smul.u32 $0x2700, s13  }
0x9: {  	s21 =	sshll.u32 s13, $0x6;
	s17 =	sadd.s32 $0x138000, s1;
	p0 =	sne.s32 s13, $0x0  }
0xa: {  	s7 =	sor.u32 s8, s20;
	_ =	strace $0x8000004A;
	s18 =	smul.u32 $0x138800, s8  }
0xb: {  	s5 =	ssub.s32 $0x2, s8;
	s23 =	smul.u32 $0x27100, s8;
	s20 =	simm.s32 $0x7C00  }
0xc: {  	s9 =	smul.u32 $0x500, s7;
	s12 =	sshrl.u32 s5, $0x1;
	s4 =	sshrl.u32 s4, $0x2  }
0xd: {  	s16 =	smul.u32 $0x2800, s7;
	s12 =	ssub.s32 s5, s12;
	s15 =	sadd.s32 s4, s1  }
0xe: {  	s4 =	sadd.s32 s6, s14;
	s5 =	sor.u32 $0x1C05, s21;
	s6 =	sadd.s32 $0x27000, s6  }
0xf: {  	s25 =	sshrl.u32 s18, $0x3;
	s26 =	sadd.s32 s14, s23;
	s14 =	simm.s32 $0x5  }
0x10: {  	s18 =	simm.s32 $0x3C00;
	s21 =	simm.s32 $0x1;
	s23 =	simm.s32 $0x3  }
0x11: {  	s11 =	sadd.s32 s9, s0;
	s0 =	sadd.s32 $0x3E000, s0;
	s22 =	sshrl.u32 s16, $0x3  }
0x12: {  	s8 =	sadd.s32 s10, s9;
	s12 =	smax.u32 s12, $0x1;
	s13 =	sshrl.u32 s15, $0x3  }
0x13: {  	s15 =	sshrl.u32 @!p0 s17, $0x3;
	s17 =	simm.s32 $0x7D;
	s7 =	sadd.s32 $0xCE00, s11  }
0x14: {  	s24 =	sadd.s32 s10, s22;
	s31 =	sadd.s32 s0, s25;
	s10 =	sadd.s32 s0, s26  }
0x15: {  	s22 =	simm.s32 $0x2;
	s25 =	simm.s32 $0x2700;
	s26 =	simm.s32 $0x2780  }
0x16: {  	s9 =	sadd.s32 $0x280, s24;
	s11 =	sadd.s32 $0x27000, s31;
	s24 =	simm.s32 $0x4  }
.LBB2_1:
0x17: {  	[spmem:s13], [sflag:s5] =	dma.local [hbm:s4], $0x2700  }
0x18: {  	_ =	swait.ge [sflag:s14], $0x2700  }
0x19: {  	[sflag:s14] =	ssyncset.done $0x0  }
0x1a: {  	s0 =	simm.s32 @!p0 $0x5;
	[sflag:s14] =	ssyncadd.s32 $0xFFFFD900  }
0x1b: {  	[spmem:s15], [sflag:s5] =	dma.local @!p0 [hbm:s6], $0x100  }
0x1c: {  	_ =	swait.ge @!p0 [sflag:s0], $0x100  }
0x1d: {  	[sflag:s0] =	ssyncset.done @!p0 $0x0  }
0x1e: {  	s16 =	simm.s32 $0x1400;
	[sflag:s0] =	ssyncadd.s32 @!p0 $0xFFFFFF00  }
0x1f: {  	[tilespmem:s16], [sflag:$0x5] =	stream.linear.gather [hbm4b:s7+s2], $0x2800, $0x38;
	[tilespmem:$0x1F480] =	vst v63  }
0x20: {  	_ =	swait.ge [sflag:s14], $0x2800  }
0x21: {  	[sflag:s14] =	ssyncset.done $0x0  }
0x22: {  	[sflag:s14] =	ssyncadd.s32 $0xFFFFD800  }
0x23: {  	[bflag:$0x0] =	sbarrier.arrive $0xFFFF  }
0x24: {  	[tilespmem:s2], [sflag:$0x5] =	stream.linear.gather [hbm4b:s8+s2], $0x1400, $0x38;
	[tilespmem:$0x1F480] =	vst v63  }
0x25: {  	_ =	swait.ge [sflag:s14], $0x1400  }
0x26: {  	[sflag:s14] =	ssyncset.done $0x0  }
0x27: {  	[sflag:s14] =	ssyncadd.s32 $0xFFFFEC00  }
0x28: {  	[tilespmem:s18], [sflag:$0x1] =	stream.indirect.gather [hbm4b:s3+s17], $0x80, s2, s17, $0xb8;
	[tilespmem:$0x1F480] =	vst v63  }
0x29: {  	_ = 	snop  }
0x2a: {  	[tilespmem:s20], [sflag:$0x2] =	stream.indirect.gather [hbm4b:s3+s17], $0x80, s19, s17, $0xb8;
	[tilespmem:$0x1F480] =	vst v63  }
0x2b: {  	_ =	swait.ge [sflag:s21], $0x3E80  }
0x2c: {  	[sflag:s21] =	ssyncset.done $0x0  }
0x2d: {  	s16 =	simm.s32 $0x1400;
	[sflag:s21] =	ssyncadd.s32 $0xFFFFC180  }
0x2e: {  	[spmem:s1] =	stream.indirect.scatter.add.f32 [tilespmem:s18], [sflag:$0x3], $0x80, s16, s17, $0xb8;
	[tilespmem:$0x1F480] =	vst v63  }
0x2f: {  	_ =	swait.ge [sflag:s22], $0x3E80  }
0x30: {  	[sflag:s22] =	ssyncset.done $0x0  }
0x31: {  	s16 =	simm.s32 $0x1480;
	[sflag:s22] =	ssyncadd.s32 $0xFFFFC180  }
0x32: {  	[spmem:s1] =	stream.indirect.scatter.add.f32 [tilespmem:s20], [sflag:$0x4], $0x80, s16, s17, $0xb8;
	[tilespmem:$0x1F480] =	vst v63  }
0x33: {  	_ =	swait.ge [sflag:s23], $0x3E80  }
0x34: {  	[sflag:s23] =	ssyncset.done $0x0  }
0x35: {  	s16 =	simm.s32 $0x100;
	[sflag:s23] =	ssyncadd.s32 $0xFFFFC180  }
0x36: {  	[tilespmem:s18], [sflag:$0x1] =	stream.indirect.gather [hbm4b:s3+s17], $0x80, s16, s17, $0xb8;
	[tilespmem:$0x1F480] =	vst v63  }
0x37: {  	_ =	swait.ge [sflag:s24], $0x3E80  }
0x38: {  	[sflag:s24] =	ssyncset.done $0x0  }
0x39: {  	s31 =	simm.s32 $0x400;
	s0 =	simm.s32 $0x180;
	[sflag:s24] =	ssyncadd.s32 $0xFFFFC180  }
.LBB2_2:
0x3a: {  	[tilespmem:s20], [sflag:$0x2] =	stream.indirect.gather [hbm4b:s3+s17], $0x80, s0, s17, $0xb8;
	[tilespmem:$0x1F480] =	vst v63  }
0x3b: {  	s0 =	smov.u32 s31  }
0x3c: {  	p1 =	sne.s32 s31, $0x4800;
	s31 =	sadd.s32 $0x400, s31;
	_ =	swait.ge [sflag:s21], $0x3E80  }
0x3d: {  	s0 =	sshra.s32 s0, $0x2;
	[sflag:s21] =	ssyncset.done $0x0  }
0x3e: {  	s16 =	sadd.s32 $0x1400, s0;
	[sflag:s21] =	ssyncadd.s32 $0xFFFFC180  }
0x3f: {  	[spmem:s1] =	stream.indirect.scatter.add.f32 [tilespmem:s18], [sflag:$0x3], $0x80, s16, s17, $0xb8;
	[tilespmem:$0x1F480] =	vst v63  }
0x40: {  	_ =	swait.ge [sflag:s22], $0x3E80  }
0x41: {  	[sflag:s22] =	ssyncset.done $0x0  }
0x42: {  	s16 =	sadd.s32 $0x1480, s0;
	[sflag:s22] =	ssyncadd.s32 $0xFFFFC180  }
0x43: {  	[spmem:s1] =	stream.indirect.scatter.add.f32 [tilespmem:s20], [sflag:$0x4], $0x80, s16, s17, $0xb8;
	[tilespmem:$0x1F480] =	vst v63  }
0x44: {  	_ =	swait.ge [sflag:s23], $0x3E80  }
0x45: {  	[sflag:s23] =	ssyncset.done $0x0  }
.Ltmp0:
0x46: {  	s16 =	sadd.s32 $0x100, s0;
	[sflag:s23] =	ssyncadd.s32 $0xFFFFC180;
	(pc) =	sbr.rel @p1 .LBB2_2-.Ltmp0, $4  }
0x47: {  	[tilespmem:s18], [sflag:$0x1] =	stream.indirect.gather [hbm4b:s3+s17], $0x80, s16, s17, $0xb8;
	[tilespmem:$0x1F480] =	vst v63  }
0x48: {  	_ =	swait.ge [sflag:s24], $0x3E80  }
0x49: {  	[sflag:s24] =	ssyncset.done $0x0  }
0x4a: {  	s0 =	sadd.s32 $0x180, s0;
	[sflag:s24] =	ssyncadd.s32 $0xFFFFC180  }
0x4b: {  	[tilespmem:s20], [sflag:$0x2] =	stream.indirect.gather [hbm4b:s3+s17], $0x80, s0, s17, $0xb8;
	[tilespmem:$0x1F480] =	vst v63  }
0x4c: {  	_ =	swait.ge [sflag:s21], $0x3E80  }
0x4d: {  	[sflag:s21] =	ssyncset.done $0x0  }
0x4e: {  	[sflag:s21] =	ssyncadd.s32 $0xFFFFC180  }
0x4f: {  	[spmem:s1] =	stream.indirect.scatter.add.f32 [tilespmem:s18], [sflag:$0x3], $0x80, s25, s17, $0xb8;
	[tilespmem:$0x1F480] =	vst v63  }
0x50: {  	_ =	swait.ge [sflag:s22], $0x3E80  }
0x51: {  	[sflag:s22] =	ssyncset.done $0x0  }
0x52: {  	[sflag:s22] =	ssyncadd.s32 $0xFFFFC180  }
0x53: {  	[spmem:s1] =	stream.indirect.scatter.add.f32 [tilespmem:s20], [sflag:$0x4], $0x80, s26, s17, $0xb8;
	[tilespmem:$0x1F480] =	vst v63  }
0x54: {  	_ = 	snop  }
0x55: {  	[tilespmem:s2], [sflag:$0x5] =	stream.linear.gather [hbm4b:s9+s2], $0x1400, $0x38;
	[tilespmem:$0x1F480] =	vst v63  }
0x56: {  	_ =	swait.ge [sflag:s14], $0x1400  }
0x57: {  	[sflag:s14] =	ssyncset.done $0x0  }
0x58: {  	[sflag:s14] =	ssyncadd.s32 $0xFFFFEC00  }
0x59: {  	_ =	swait.ge [sflag:s23], $0x3E80  }
0x5a: {  	[sflag:s23] =	ssyncset.done $0x0  }
0x5b: {  	[sflag:s23] =	ssyncadd.s32 $0xFFFFC180  }
0x5c: {  	[tilespmem:s18], [sflag:$0x1] =	stream.indirect.gather [hbm4b:s3+s17], $0x80, s2, s17, $0xb8;
	[tilespmem:$0x1F480] =	vst v63  }
0x5d: {  	_ =	swait.ge [sflag:s24], $0x3E80  }
0x5e: {  	[sflag:s24] =	ssyncset.done $0x0  }
0x5f: {  	[sflag:s24] =	ssyncadd.s32 $0xFFFFC180  }
0x60: {  	[tilespmem:s20], [sflag:$0x2] =	stream.indirect.gather [hbm4b:s3+s17], $0x80, s19, s17, $0xb8;
	[tilespmem:$0x1F480] =	vst v63  }
0x61: {  	_ =	swait.ge [sflag:s21], $0x3E80  }
0x62: {  	[sflag:s21] =	ssyncset.done $0x0  }
0x63: {  	s16 =	simm.s32 $0x2800;
	[sflag:s21] =	ssyncadd.s32 $0xFFFFC180  }
0x64: {  	[spmem:s1] =	stream.indirect.scatter.add.f32 [tilespmem:s18], [sflag:$0x3], $0x80, s16, s17, $0xb8;
	[tilespmem:$0x1F480] =	vst v63  }
0x65: {  	_ =	swait.ge [sflag:s22], $0x3E80  }
0x66: {  	[sflag:s22] =	ssyncset.done $0x0  }
0x67: {  	s16 =	simm.s32 $0x2880;
	[sflag:s22] =	ssyncadd.s32 $0xFFFFC180  }
0x68: {  	[spmem:s1] =	stream.indirect.scatter.add.f32 [tilespmem:s20], [sflag:$0x4], $0x80, s16, s17, $0xb8;
	[tilespmem:$0x1F480] =	vst v63  }
0x69: {  	_ =	swait.ge [sflag:s23], $0x3E80  }
0x6a: {  	[sflag:s23] =	ssyncset.done $0x0  }
0x6b: {  	s16 =	simm.s32 $0x100;
	[sflag:s23] =	ssyncadd.s32 $0xFFFFC180  }
0x6c: {  	[tilespmem:s18], [sflag:$0x1] =	stream.indirect.gather [hbm4b:s3+s17], $0x80, s16, s17, $0xb8;
	[tilespmem:$0x1F480] =	vst v63  }
0x6d: {  	_ =	swait.ge [sflag:s24], $0x3E80  }
0x6e: {  	[sflag:s24] =	ssyncset.done $0x0  }
0x6f: {  	s31 =	simm.s32 $0xFFFFB800;
	s0 =	simm.s32 $0x180;
	[sflag:s24] =	ssyncadd.s32 $0xFFFFC180  }
.LBB2_4:
0x70: {  	[tilespmem:s20], [sflag:$0x2] =	stream.indirect.gather [hbm4b:s3+s17], $0x80, s0, s17, $0xb8;
	[tilespmem:$0x1F480] =	vst v63  }
0x71: {  	s0 =	smov.u32 s31  }
0x72: {  	p1 =	sne.s32 s31, $0xFFFFFC00;
	s31 =	sadd.s32 $0x400, s31;
	_ =	swait.ge [sflag:s21], $0x3E80  }
0x73: {  	s0 =	sshra.s32 s0, $0x2;
	[sflag:s21] =	ssyncset.done $0x0  }
0x74: {  	s16 =	sadd.s32 $0x3B00, s0;
	[sflag:s21] =	ssyncadd.s32 $0xFFFFC180  }
0x75: {  	[spmem:s1] =	stream.indirect.scatter.add.f32 [tilespmem:s18], [sflag:$0x3], $0x80, s16, s17, $0xb8;
	[tilespmem:$0x1F480] =	vst v63  }
0x76: {  	_ =	swait.ge [sflag:s22], $0x3E80  }
0x77: {  	[sflag:s22] =	ssyncset.done $0x0  }
0x78: {  	s16 =	sadd.s32 $0x3B80, s0;
	[sflag:s22] =	ssyncadd.s32 $0xFFFFC180  }
0x79: {  	[spmem:s1] =	stream.indirect.scatter.add.f32 [tilespmem:s20], [sflag:$0x4], $0x80, s16, s17, $0xb8;
	[tilespmem:$0x1F480] =	vst v63  }
0x7a: {  	_ =	swait.ge [sflag:s23], $0x3E80  }
0x7b: {  	[sflag:s23] =	ssyncset.done $0x0  }
.Ltmp1:
0x7c: {  	s16 =	sadd.s32 $0x1400, s0;
	[sflag:s23] =	ssyncadd.s32 $0xFFFFC180;
	(pc) =	sbr.rel @p1 .LBB2_4-.Ltmp1, $4  }
0x7d: {  	[tilespmem:s18], [sflag:$0x1] =	stream.indirect.gather [hbm4b:s3+s17], $0x80, s16, s17, $0xb8;
	[tilespmem:$0x1F480] =	vst v63  }
0x7e: {  	_ =	swait.ge [sflag:s24], $0x3E80  }
0x7f: {  	[sflag:s24] =	ssyncset.done $0x0  }
0x80: {  	s0 =	sadd.s32 $0x1480, s0;
	[sflag:s24] =	ssyncadd.s32 $0xFFFFC180  }
0x81: {  	[tilespmem:s20], [sflag:$0x2] =	stream.indirect.gather [hbm4b:s3+s17], $0x80, s0, s17, $0xb8;
	[tilespmem:$0x1F480] =	vst v63  }
0x82: {  	_ =	swait.ge [sflag:s21], $0x3E80  }
0x83: {  	[sflag:s21] =	ssyncset.done $0x0  }
0x84: {  	[sflag:s21] =	ssyncadd.s32 $0xFFFFC180  }
0x85: {  	[spmem:s1] =	stream.indirect.scatter.add.f32 [tilespmem:s18], [sflag:$0x3], $0x80, s28, s17, $0xb8;
	[tilespmem:$0x1F480] =	vst v63  }
0x86: {  	_ =	swait.ge [sflag:s22], $0x3E80  }
0x87: {  	[sflag:s22] =	ssyncset.done $0x0  }
0x88: {  	[sflag:s22] =	ssyncadd.s32 $0xFFFFC180  }
0x89: {  	[spmem:s1] =	stream.indirect.scatter.add.f32 [tilespmem:s20], [sflag:$0x4], $0x80, s29, s17, $0xb8;
	[tilespmem:$0x1F480] =	vst v63  }
0x8a: {  	_ =	swait.ge [sflag:s23], $0x3E80  }
0x8b: {  	[sflag:s23] =	ssyncset.done $0x0  }
0x8c: {  	[sflag:s23] =	ssyncadd.s32 $0xFFFFC180  }
0x8d: {  	_ =	swait.ge [sflag:s24], $0x3E80  }
0x8e: {  	[sflag:s24] =	ssyncset.done $0x0  }
0x8f: {  	[sflag:s24] =	ssyncadd.s32 $0xFFFFC180  }
0x90: {  	[bflag:$0x0] =	sbarrier.arrive $0xFFFF  }
0x91: {  	[hbm:s10], [sflag:s5] =	dma.local [spmem:s13], $0x2700  }
0x92: {  	s30 =	sadd.s32 $0x1, s30;
	_ =	swait.ge [sflag:s14], $0x2700  }
0x93: {  	p1 =	sne.s32 s30, s12;
	[sflag:s14] =	ssyncset.done $0x0  }
.Ltmp2:
0x94: {  	s0 =	simm.s32 @!p0 $0x5;
	[sflag:s14] =	ssyncadd.s32 $0xFFFFD900;
	(pc) =	sbr.rel @p1 .LBB2_1-.Ltmp2, $4  }
0x95: {  	[hbm:s11], [sflag:s5] =	dma.local @!p0 [spmem:s15], $0x100  }
0x96: {  	_ =	swait.ge @!p0 [sflag:s0], $0x100  }
0x97: {  	[sflag:s0] =	ssyncset.done @!p0 $0x0  }
0x98: {  	[sflag:s0] =	ssyncadd.s32 @!p0 $0xFFFFFF00  }
0x99: {  	_ =	sfence.sel $0x180000  }
0x9a: {  	[bflag:$0x0] =	sbarrier.arrive $0xFFFF  }
0x9b: {  	_ =	strace $0x9000004A  }
0x9c: {  	[bflag:$0x2] =	sbarrier.arrive $0xFFFF  }
0x9d: {  	s0 =	rddreg [dreg:$0x3]  }
0x9e: {  	s0 =	sadd.s32 @!p0 $0x100000, s0  }
0x9f: {  	[sflag:s0] =	ssyncadd.tile.s32 @!p0 $0x1;
	_ =	shalt  }
.Lfunc_end2:
_tile_overlayer_lowered:
.L_overlay_start_2:
0xa0: {  	(tag) =	ssettag $0x2  }
0xa1: {  	s0 =	rddreg [dreg:$0x0];
	s2 =	stileid.u32  }
0xa2: {  	s1 =	rddreg [dreg:$0x1];
	p0 =	sne.s32 s2, $0x0  }
0xa3: {  	s3 =	rddreg [dreg:$0x2];
	[bflag:$0x3] =	sbarrier.arrive $0xFFFF;
	s2 =	simm.s32 @!p0 $0x1C05  }
0xa4: {  	[timem:s3], [sflag:s2] =	dma.local @!p0 [hbm:s0], s1  }
0xa5: {  	s0 =	simm.s32 @!p0 $0x5  }
0xa6: {  	_ =	swait.ge @!p0 [sflag:s0], s1  }
0xa7: {  	s1 =	ssub.s32 @!p0 $0x0, s1;
	[sflag:s0] =	ssyncset.done @!p0 $0x0  }
0xa8: {  	[sflag:s0] =	ssyncadd.s32 @!p0 s1  }
0xa9: {  	[bflag:$0x3] =	sbarrier.arrive $0xFFFF  }
0xaa: {  	_ =	shalt  }

</sc_bundles>
